<compile_context>
chip_gen: v7x
topology: tpu7x:2x2x1
jax: 0.10.2.dev20260603
libtpu: 0.0.44.dev20260713+nightly
codegen_flags: <defaults>
</compile_context>

<pallas_src>
import functools

import jax
import jax.numpy as jnp
from jax import lax
from jax.experimental import pallas as pl
from jax.experimental.pallas import tpu as pltpu, tpu_sc as plsc

N = 10000
D = 128
E = 320000
M = 10240
NC = 2
NS = 16
NW = NC * NS
EW = E // NW
CW = 128
CH = 80
HCH = CH // 2
EWP = CH * CW
DUMP = N
RPT = M // NS
ETAIL = E - (NW - 1) * EWP
f32 = jnp.float32

_mesh = plsc.VectorSubcoreMesh(core_axis_name="c", subcore_axis_name="s")
_sc_params = pltpu.CompilerParams(needs_layout_passes=False,
                                  use_tc_tiling_on_sc=False)


@functools.partial(
    pl.kernel,
    out_type=jax.ShapeDtypeStruct((NW, M), f32),
    mesh=_mesh,
    scratch_types=[
        pltpu.VMEM((CH, CW), jnp.int32),
        pltpu.VMEM((M,), f32),
    ],
    compiler_params=_sc_params,
)
def _sc_deg(dst_hbm, out_hbm, idx_v, acc_v):
    c = lax.axis_index("c")
    s = lax.axis_index("s")
    wid = c * NS + s
    pltpu.sync_copy(dst_hbm.at[wid], idx_v)
    zeros = jnp.zeros((16,), f32)

    @pl.loop(0, M // 16)
    def _zero(i):
        acc_v[pl.ds(i * 16, 16)] = zeros

    ones = jnp.ones((16,), f32)

    @pl.loop(0, CH)
    def _chunk(j):
        @pl.loop(0, CW // 16)
        def _sub(q):
            di = idx_v[j, pl.ds(q * 16, 16)]
            plsc.addupdate_scatter(acc_v, [di], ones)

    pltpu.sync_copy(acc_v, out_hbm.at[wid])


def _tc_mm_scale(x_pad, W1, degpT):
    def body(x_ref, w_ref, dp_ref, dinv_ref, ypn_ref):
        y = jnp.dot(x_ref[...], w_ref[...], preferred_element_type=f32)
        deg = jnp.sum(dp_ref[...], axis=1, keepdims=True) + 1.0
        dinv = lax.rsqrt(deg)
        dinv_ref[...] = dinv
        yp = y * dinv
        ypn_ref[0] = yp[:, : D // 2]
        ypn_ref[1] = yp[:, D // 2 :]

    return pl.pallas_call(
        body,
        grid=(8,),
        in_specs=[
            pl.BlockSpec((M // 8, D), lambda i: (i, 0)),
            pl.BlockSpec((D, D), lambda i: (0, 0)),
            pl.BlockSpec((M // 8, NW), lambda i: (i, 0)),
        ],
        out_specs=[
            pl.BlockSpec((M // 8, 1), lambda i: (i, 0)),
            pl.BlockSpec((NC, M // 8, D // 2), lambda i: (0, i, 0)),
        ],
        out_shape=[
            jax.ShapeDtypeStruct((M, 1), f32),
            jax.ShapeDtypeStruct((NC, M, D // 2), f32),
        ],
    )(x_pad, W1, degpT)


@functools.partial(
    pl.kernel,
    out_type=jax.ShapeDtypeStruct((NC, M, D // 2), f32),
    mesh=_mesh,
    scratch_types=[
        pltpu.VMEM((HCH, CW), jnp.int32),
        pltpu.VMEM((HCH, CW), jnp.int32),
        pltpu.VMEM((CW, D // 2), f32),
        pltpu.VMEM((CW, D // 2), f32),
        pltpu.VMEM_SHARED((M, D // 2), f32),
        pltpu.VMEM_SHARED((M, D // 2), f32),
        pltpu.SemaphoreType.DMA,
        pltpu.SemaphoreType.DMA,
        pltpu.SemaphoreType.DMA,
        pltpu.SemaphoreType.DMA,
    ],
    compiler_params=_sc_params,
)
def _sc_agg(ypn_hbm, src_hbm, dst_hbm, out_hbm,
            idx_s, idx_d, rows0, rows1, yp_sh, acc_sh,
            gsem0, gsem1, ssem0, ssem1):
    c = lax.axis_index("c")
    s = lax.axis_index("s")

    zeros = jnp.zeros((16,), f32)

    @pl.loop(0, CW)
    def _zr(r):
        @pl.loop(0, D // 32)
        def _zq(q):
            rows0[r, pl.ds(q * 16, 16)] = zeros

    @pl.loop(0, RPT // CW)
    def _za(k):
        pltpu.sync_copy(rows0, acc_sh.at[pl.ds(s * RPT + k * CW, CW)])

    @pl.loop(0, RPT // CW)
    def _stage(k):
        off = s * RPT + k * CW
        pltpu.sync_copy(ypn_hbm.at[c].at[pl.ds(off, CW)], rows1)
        pltpu.sync_copy(rows1, yp_sh.at[pl.ds(off, CW)])

    plsc.subcore_barrier()

    def run_segment(w, lo):
        pltpu.sync_copy(src_hbm.at[w].at[pl.ds(lo, HCH)], idx_s)
        pltpu.sync_copy(dst_hbm.at[w].at[pl.ds(lo, HCH)], idx_d)
        pltpu.async_copy(yp_sh.at[idx_s.at[0]], rows0, gsem0)
        pltpu.async_copy(yp_sh.at[idx_s.at[1]], rows1, gsem1)

        @pl.loop(0, HCH, step=2)
        def _main(j):
            pltpu.make_async_copy(yp_sh.at[idx_s.at[j]], rows0, gsem0).wait()
            pltpu.async_copy(rows0, acc_sh.at[idx_d.at[j]], ssem0, add=True)
            pltpu.make_async_copy(
                yp_sh.at[idx_s.at[j + 1]], rows1, gsem1).wait()
            pltpu.async_copy(rows1, acc_sh.at[idx_d.at[j + 1]], ssem1,
                             add=True)
            pltpu.make_async_copy(rows0, acc_sh.at[idx_d.at[j]], ssem0).wait()

            @pl.when(j + 2 < HCH)
            def _g0():
                pltpu.async_copy(yp_sh.at[idx_s.at[j + 2]], rows0, gsem0)

            pltpu.make_async_copy(
                rows1, acc_sh.at[idx_d.at[j + 1]], ssem1).wait()

            @pl.when(j + 3 < HCH)
            def _g1():
                pltpu.async_copy(yp_sh.at[idx_s.at[j + 3]], rows1, gsem1)

    for h in range(2):
        w = h * NS + s
        run_segment(w, 0)
        run_segment(w, HCH)

    plsc.subcore_barrier()

    @pl.loop(0, RPT // CW)
    def _wb(k):
        off = s * RPT + k * CW
        pltpu.sync_copy(acc_sh.at[pl.ds(off, CW)], rows0)
        pltpu.sync_copy(rows0, out_hbm.at[c].at[pl.ds(off, CW)])


def _tc_layer2(parts, ypn, dinv2d, b1n, w2n):
    def body(p_ref, yp_ref, dinv_ref, b1_ref, w2_ref, zp_ref):
        dinv = dinv_ref[...]
        b1v = b1_ref[...]
        w2v = w2_ref[...]
        z = dinv * 0.0
        for h in range(2):
            out1 = dinv * (p_ref[h] + yp_ref[h]) + b1v[h][None, :]
            hh = jnp.maximum(out1, 0.0)
            z = z + jnp.sum(hh * w2v[h][None, :], axis=1, keepdims=True)
        zp_ref[...] = dinv * z

    return pl.pallas_call(
        body,
        grid=(8,),
        in_specs=[
            pl.BlockSpec((NC, M // 8, D // 2), lambda i: (0, i, 0)),
            pl.BlockSpec((NC, M // 8, D // 2), lambda i: (0, i, 0)),
            pl.BlockSpec((M // 8, 1), lambda i: (i, 0)),
            pl.BlockSpec((NC, D // 2), lambda i: (0, 0)),
            pl.BlockSpec((NC, D // 2), lambda i: (0, 0)),
        ],
        out_specs=pl.BlockSpec((M // 8, 1), lambda i: (i, 0)),
        out_shape=jax.ShapeDtypeStruct((M, 1), f32),
    )(parts, ypn, dinv2d, b1n, w2n)


@functools.partial(
    pl.kernel,
    out_type=jax.ShapeDtypeStruct((E,), f32),
    mesh=_mesh,
    scratch_types=[
        pltpu.VMEM((2, CH, CW), jnp.int32),
        pltpu.VMEM((2, CH, CW), jnp.int32),
        pltpu.VMEM((M,), f32),
        pltpu.VMEM((M,), f32),
        pltpu.VMEM((RPT,), f32),
        pltpu.VMEM((RPT,), f32),
        pltpu.VMEM((16,), f32),
        pltpu.VMEM((EWP,), f32),
        pltpu.VMEM((NS, RPT), f32),
        pltpu.VMEM_SHARED((NS, M), f32),
    ],
    compiler_params=_sc_params,
)
def _sc_scalar(zp_hbm, dinv_hbm, b2_hbm, src_hbm, dst_hbm, out_hbm,
               idx_s, idx_d, zp_v, acc_v, sl_v, dinv_v, b2_v, pr_v,
               buf16, part_sh):
    c = lax.axis_index("c")
    s = lax.axis_index("s")

    @pl.when(c == 0)
    def _active():
        pltpu.sync_copy(zp_hbm, zp_v)
        pltpu.sync_copy(dinv_hbm.at[pl.ds(s * RPT, RPT)], dinv_v)
        pltpu.sync_copy(b2_hbm, b2_v)
        pltpu.sync_copy(src_hbm.at[pl.ds(2 * s, 2)], idx_s)
        pltpu.sync_copy(dst_hbm.at[pl.ds(2 * s, 2)], idx_d)

        zeros = jnp.zeros((16,), f32)

        @pl.loop(0, M // 16)
        def _zero(i):
            acc_v[pl.ds(i * 16, 16)] = zeros

        for w in range(2):
            @pl.loop(0, CH)
            def _chunk(j):
                @pl.loop(0, CW // 16)
                def _sub(q):
                    si = idx_s[w, j, pl.ds(q * 16, 16)]
                    di = idx_d[w, j, pl.ds(q * 16, 16)]
                    vals = plsc.load_gather(zp_v, [si])
                    plsc.addupdate_scatter(acc_v, [di], vals)

        pltpu.sync_copy(acc_v, part_sh.at[s])
        plsc.subcore_barrier()
        pltpu.sync_copy(part_sh.at[:, pl.ds(s * RPT, RPT)], buf16)
        b2 = b2_v[...]

        @pl.loop(0, RPT // 16)
        def _o2(i):
            a = buf16[0, pl.ds(i * 16, 16)]
            for tt in range(1, NS):
                a = a + buf16[tt, pl.ds(i * 16, 16)]
            zv = zp_v[pl.ds(s * RPT + i * 16, 16)]
            dv = dinv_v[pl.ds(i * 16, 16)]
            sl_v[pl.ds(i * 16, 16)] = dv * (a + zv) + b2

        plsc.subcore_barrier()
        pltpu.sync_copy(sl_v, part_sh.at[0].at[pl.ds(s * RPT, RPT)])
        plsc.subcore_barrier()
        pltpu.sync_copy(part_sh.at[0], zp_v)

        for w in range(2):
            @pl.loop(0, CH)
            def _score(j):
                @pl.loop(0, CW // 16)
                def _sub(q):
                    si = idx_s[w, j, pl.ds(q * 16, 16)]
                    di = idx_d[w, j, pl.ds(q * 16, 16)]
                    a = plsc.load_gather(zp_v, [si])
                    b = plsc.load_gather(zp_v, [di])
                    xv = a * b
                    pr_v[pl.ds((j * (CW // 16) + q) * 16, 16)] = 1.0 / (1.0 + jnp.exp(-xv))

            pltpu.sync_copy(pr_v.at[pl.ds(0, EW)],
                            out_hbm.at[pl.ds((2 * s + w) * EW, EW)])


def kernel(x, edge_index, W1, b1, W2, b2):
    src = edge_index[0].reshape(NW, EW)
    dst = edge_index[1].reshape(NW, EW)
    pad_s = jnp.zeros((NW, EWP - EW), jnp.int32)
    pad_d = jnp.full((NW, EWP - EW), DUMP, jnp.int32)
    src_p = jnp.concatenate([src, pad_s], axis=1).reshape(NW, CH, CW)
    dst_p = jnp.concatenate([dst, pad_d], axis=1).reshape(NW, CH, CW)
    x_pad = jnp.concatenate([x, jnp.zeros((M - N, D), f32)], axis=0)
    b1n = b1.reshape(NC, D // 2)
    w2n = W2.reshape(NC, D // 2)
    b2v = jnp.broadcast_to(b2.reshape(1), (16,)).astype(f32)

    deg_p = _sc_deg(dst_p)
    dinv2d, ypn = _tc_mm_scale(x_pad, W1, deg_p.T)
    parts = _sc_agg(ypn, src_p, dst_p)
    zp2d = _tc_layer2(parts, ypn, dinv2d, b1n, w2n)
    probs = _sc_scalar(zp2d.reshape(M), dinv2d.reshape(M), b2v, src_p, dst_p)
    return probs

# --- scband reference (transcript-rebuilt; emitter-appended) ---
"""Pipeline reference for scband-policy-network-64527588655233 (READ-ONLY COPY).

The authoritative reference and input builder live on the scoring server;
editing this copy changes nothing except your own understanding.
"""

import jax, jax.numpy as jnp
import numpy as np

N_NODES = 10000
D_FEAT = 128
N_EDGES = 320000
HIDDEN = 128


def gcn_conv(x, edge_index, W, b, num_nodes):
    # PyG GCNConv: x' = D^{-1/2} (A + I) D^{-1/2} X W + b
    x = x @ W
    src = jnp.concatenate([edge_index[0], jnp.arange(num_nodes, dtype=edge_index.dtype)])
    dst = jnp.concatenate([edge_index[1], jnp.arange(num_nodes, dtype=edge_index.dtype)])
    deg = jnp.zeros((num_nodes,), dtype=x.dtype).at[dst].add(1.0)
    dinv = jnp.where(deg > 0, jax.lax.rsqrt(jnp.maximum(deg, 1e-12)), 0.0)
    norm = dinv[src] * dinv[dst]
    msg = x[src] * norm[:, None]
    out = jnp.zeros((num_nodes, x.shape[1]), dtype=x.dtype).at[dst].add(msg)
    return out + b


def setup_inputs(seed: int = 0) -> dict:
    key = jax.random.key(seed)
    ks = jax.random.split(key, 6)
    x = jax.random.normal(ks[0], (N_NODES, D_FEAT), dtype=jnp.float32)
    edge_index = jax.random.randint(ks[1], (2, N_EDGES), 0, N_NODES, dtype=jnp.int32)
    # Glorot-style init for GCN layer weights
    W1 = jax.random.normal(ks[2], (D_FEAT, HIDDEN), dtype=jnp.float32) * (1.0 / np.sqrt(D_FEAT))
    b1 = jnp.zeros((HIDDEN,), dtype=jnp.float32)
    W2 = jax.random.normal(ks[3], (HIDDEN, 1), dtype=jnp.float32) * (1.0 / np.sqrt(HIDDEN))
    b2 = jnp.zeros((1,), dtype=jnp.float32)
    return {"x": x, "edge_index": edge_index, "W1": W1, "b1": b1, "W2": W2, "b2": b2}


def reference(x, edge_index, W1, b1, W2, b2):
    h = gcn_conv(x, edge_index, W1, b1, N_NODES)
    h = jax.nn.relu(h)
    h = gcn_conv(h, edge_index, W2, b2, N_NODES)
    start_nodes = h[edge_index[0]]
    end_nodes = h[edge_index[1]]
    edge_probs = jax.nn.sigmoid(jnp.sum(start_nodes * end_nodes, axis=1))
    return edge_probs

if __name__ == "__main__":
    import jax
    _d = setup_inputs()
    print(jax.jit(kernel)(*tuple(_d.values())))

</pallas_src>

<mosaic_0001>
#map = affine_map<(d0, d1) -> (0, 0, 0)>
module attributes {stable_mosaic.version = 14 : i64} {
  func.func @_sc_agg(%arg0: i32, %arg1: i32, %arg2: memref<2x10240x64xf32, #tpu.memory_space<hbm>>, %arg3: memref<32x80x128xi32, #tpu.memory_space<hbm>>, %arg4: memref<32x80x128xi32, #tpu.memory_space<hbm>>, %arg5: memref<2x10240x64xf32, #tpu.memory_space<hbm>>, %arg6: memref<40x128xi32, #tpu.memory_space<vmem>>, %arg7: memref<40x128xi32, #tpu.memory_space<vmem>>, %arg8: memref<128x64xf32, #tpu.memory_space<vmem>>, %arg9: memref<128x64xf32, #tpu.memory_space<vmem>>, %arg10: memref<10240x64xf32, #tpu.memory_space<vmem_shared>>, %arg11: memref<10240x64xf32, #tpu.memory_space<vmem_shared>>, %arg12: memref<!tpu.dma_semaphore, #tpu.memory_space<semaphore_mem>>, %arg13: memref<!tpu.dma_semaphore, #tpu.memory_space<semaphore_mem>>, %arg14: memref<!tpu.dma_semaphore, #tpu.memory_space<semaphore_mem>>, %arg15: memref<!tpu.dma_semaphore, #tpu.memory_space<semaphore_mem>>) attributes {dimension_semantics = [#tpu.dimension_semantics<core_parallel>, #tpu.dimension_semantics<subcore_parallel>], iteration_bounds = array<i64: 2, 16>, scalar_prefetch = 0 : i64, scratch_operands = 10 : i64, tpu.core_type = #tpu.core_type<sc_vector_subcore>, window_params = [{transform_indices = #map}, {transform_indices = #map}, {transform_indices = #map}, {transform_indices = #map}]} {
    %broadcast_in_dim3A = arith.constant 0.000000e+00 : f32
    %broadcast_in_dim3A_0 = vector.broadcast %broadcast_in_dim3A : f32 to vector<16xf32>
    %scan3A = arith.constant 0 : i32
    %scan3A_1 = arith.constant 128 : i32
    %scan3A_2 = arith.addi %scan3A, %scan3A_1 : i32
    %scan3A_3 = arith.constant 1 : i32
    scf.for %scan3A_99 = %scan3A to %scan3A_2 step %scan3A_3  : i32 {
      %mul3A = arith.constant 1 : i32
      %mul3A_100 = arith.muli %scan3A_99, %mul3A : i32
      %add3A_101 = arith.constant 0 : i32
      %add3A_102 = arith.addi %add3A_101, %mul3A_100 : i32
      %scan3A_103 = arith.constant 0 : i32
      %scan3A_104 = arith.constant 4 : i32
      %scan3A_105 = arith.addi %scan3A_103, %scan3A_104 : i32
      %scan3A_106 = arith.constant 1 : i32
      scf.for %scan3A_108 = %scan3A_103 to %scan3A_105 step %scan3A_106  : i32 {
        %mul3A_109 = arith.constant 1 : i32
        %mul3A_110 = arith.muli %scan3A_108, %mul3A_109 : i32
        %add3A_111 = arith.constant 0 : i32
        %add3A_112 = arith.addi %add3A_111, %mul3A_110 : i32
        %mul3A_113 = arith.constant 16 : i32
        %mul3A_114 = arith.muli %add3A_112, %mul3A_113 : i32
        %swap3A = arith.index_cast %add3A_102 : i32 to index
        %swap3A_115 = arith.index_cast %mul3A_114 : i32 to index
        %swap3A_116 = tpu.vector_load %arg8[%swap3A, %swap3A_115] {strides = array<i32>} : memref<128x64xf32, #tpu.memory_space<vmem>>, vector<16xf32>,
        tpu.vector_store %arg8[%swap3A, %swap3A_115], %broadcast_in_dim3A_0 {strides = array<i32>} : memref<128x64xf32, #tpu.memory_space<vmem>>, vector<16xf32>,
      }
      %scan3A_107 = arith.constant 4 : i32
    }
    %scan3A_4 = arith.constant 128 : i32
    %scan3A_5 = arith.constant 0 : i32
    %scan3A_6 = arith.constant 5 : i32
    %scan3A_7 = arith.addi %scan3A_5, %scan3A_6 : i32
    %scan3A_8 = arith.constant 1 : i32
    scf.for %scan3A_99 = %scan3A_5 to %scan3A_7 step %scan3A_8  : i32 {
      %mul3A = arith.constant 1 : i32
      %mul3A_100 = arith.muli %scan3A_99, %mul3A : i32
      %add3A_101 = arith.constant 0 : i32
      %add3A_102 = arith.addi %add3A_101, %mul3A_100 : i32
      %mul3A_103 = arith.constant 640 : i32
      %mul3A_104 = arith.muli %arg1, %mul3A_103 : i32
      %mul3A_105 = arith.constant 128 : i32
      %mul3A_106 = arith.muli %add3A_102, %mul3A_105 : i32
      %add3A_107 = arith.addi %mul3A_104, %mul3A_106 : i32
      "tpu.region"() ({
        %run_scoped3A = tpu.sem_alloc : memref<!tpu.dma_semaphore, #tpu.memory_space<semaphore_mem>>
        %dma_start3A_108 = arith.constant 0 : i32
        %dma_start3A_109 = tpu.memref_slice %arg11[%add3A_107, %dma_start3A_108] : memref<10240x64xf32, #tpu.memory_space<vmem_shared>> -> memref<128x64xf32, #tpu.memory_space<vmem_shared>>
        %dma_start3A_110 = arith.constant 0 : i32
        %dma_start3A_111 = tpu.memref_slice %arg11[%add3A_107, %dma_start3A_110] : memref<10240x64xf32, #tpu.memory_space<vmem_shared>> -> memref<128x64xf32, #tpu.memory_space<vmem_shared>>
        tpu.enqueue_dma source(%arg8 : memref<128x64xf32, #tpu.memory_space<vmem>>) target(%dma_start3A_111 : memref<128x64xf32, #tpu.memory_space<vmem_shared>>) target_semaphore(%run_scoped3A : memref<!tpu.dma_semaphore, #tpu.memory_space<semaphore_mem>>)
        %dma_wait3A = arith.constant 0 : i32
        %dma_wait3A_112 = tpu.memref_slice %arg11[%add3A_107, %dma_wait3A] : memref<10240x64xf32, #tpu.memory_space<vmem_shared>> -> memref<128x64xf32, #tpu.memory_space<vmem_shared>>
        %dma_wait3A_113 = arith.constant 0 : i32
        %dma_wait3A_114 = tpu.memref_slice %arg11[%add3A_107, %dma_wait3A_113] : memref<10240x64xf32, #tpu.memory_space<vmem_shared>> -> memref<128x64xf32, #tpu.memory_space<vmem_shared>>
        tpu.wait_dma2 semaphore(%run_scoped3A : memref<!tpu.dma_semaphore, #tpu.memory_space<semaphore_mem>>) src(%arg8 : memref<128x64xf32, #tpu.memory_space<vmem>>) dst(%dma_wait3A_114 : memref<128x64xf32, #tpu.memory_space<vmem_shared>>)
        tpu.yield
      }) : () -> ()
    }
    %scan3A_9 = arith.constant 5 : i32
    %scan3A_10 = arith.constant 0 : i32
    %scan3A_11 = arith.constant 5 : i32
    %scan3A_12 = arith.addi %scan3A_10, %scan3A_11 : i32
    %scan3A_13 = arith.constant 1 : i32
    scf.for %scan3A_99 = %scan3A_10 to %scan3A_12 step %scan3A_13  : i32 {
      %mul3A = arith.constant 1 : i32
      %mul3A_100 = arith.muli %scan3A_99, %mul3A : i32
      %add3A_101 = arith.constant 0 : i32
      %add3A_102 = arith.addi %add3A_101, %mul3A_100 : i32
      %mul3A_103 = arith.constant 640 : i32
      %mul3A_104 = arith.muli %arg1, %mul3A_103 : i32
      %mul3A_105 = arith.constant 128 : i32
      %mul3A_106 = arith.muli %add3A_102, %mul3A_105 : i32
      %add3A_107 = arith.addi %mul3A_104, %mul3A_106 : i32
      "tpu.region"() ({
        %run_scoped3A = tpu.sem_alloc : memref<!tpu.dma_semaphore, #tpu.memory_space<semaphore_mem>>
        %dma_start3A_108 = arith.constant 0 : i32
        %dma_start3A_109 = arith.constant 0 : i32
        %dma_start3A_110 = tpu.memref_slice %arg2[%arg0, %dma_start3A_108, %dma_start3A_109] : memref<2x10240x64xf32, #tpu.memory_space<hbm>> -> memref<1x10240x64xf32, #tpu.memory_space<hbm>>
        %dma_start3A_111 = tpu.memref_squeeze %dma_start3A_110 : memref<1x10240x64xf32, #tpu.memory_space<hbm>> -> memref<10240x64xf32, #tpu.memory_space<hbm>>
        %dma_start3A_112 = arith.constant 0 : i32
        %dma_start3A_113 = tpu.memref_slice %dma_start3A_111[%add3A_107, %dma_start3A_112] : memref<10240x64xf32, #tpu.memory_space<hbm>> -> memref<128x64xf32, #tpu.memory_space<hbm>>
        %dma_start3A_114 = arith.constant 0 : i32
        %dma_start3A_115 = arith.constant 0 : i32
        %dma_start3A_116 = tpu.memref_slice %arg2[%arg0, %dma_start3A_114, %dma_start3A_115] : memref<2x10240x64xf32, #tpu.memory_space<hbm>> -> memref<1x10240x64xf32, #tpu.memory_space<hbm>>
        %dma_start3A_117 = tpu.memref_squeeze %dma_start3A_116 : memref<1x10240x64xf32, #tpu.memory_space<hbm>> -> memref<10240x64xf32, #tpu.memory_space<hbm>>
        %dma_start3A_118 = arith.constant 0 : i32
        %dma_start3A_119 = tpu.memref_slice %dma_start3A_117[%add3A_107, %dma_start3A_118] : memref<10240x64xf32, #tpu.memory_space<hbm>> -> memref<128x64xf32, #tpu.memory_space<hbm>>
        tpu.enqueue_dma source(%dma_start3A_119 : memref<128x64xf32, #tpu.memory_space<hbm>>) target(%arg9 : memref<128x64xf32, #tpu.memory_space<vmem>>) target_semaphore(%run_scoped3A : memref<!tpu.dma_semaphore, #tpu.memory_space<semaphore_mem>>)
        %dma_wait3A = arith.constant 0 : i32
        %dma_wait3A_120 = arith.constant 0 : i32
        %dma_wait3A_121 = tpu.memref_slice %arg2[%arg0, %dma_wait3A, %dma_wait3A_120] : memref<2x10240x64xf32, #tpu.memory_space<hbm>> -> memref<1x10240x64xf32, #tpu.memory_space<hbm>>
        %dma_wait3A_122 = tpu.memref_squeeze %dma_wait3A_121 : memref<1x10240x64xf32, #tpu.memory_space<hbm>> -> memref<10240x64xf32, #tpu.memory_space<hbm>>
        %dma_wait3A_123 = arith.constant 0 : i32
        %dma_wait3A_124 = tpu.memref_slice %dma_wait3A_122[%add3A_107, %dma_wait3A_123] : memref<10240x64xf32, #tpu.memory_space<hbm>> -> memref<128x64xf32, #tpu.memory_space<hbm>>
        %dma_wait3A_125 = arith.constant 0 : i32
        %dma_wait3A_126 = arith.constant 0 : i32
        %dma_wait3A_127 = tpu.memref_slice %arg2[%arg0, %dma_wait3A_125, %dma_wait3A_126] : memref<2x10240x64xf32, #tpu.memory_space<hbm>> -> memref<1x10240x64xf32, #tpu.memory_space<hbm>>
        %dma_wait3A_128 = tpu.memref_squeeze %dma_wait3A_127 : memref<1x10240x64xf32, #tpu.memory_space<hbm>> -> memref<10240x64xf32, #tpu.memory_space<hbm>>
        %dma_wait3A_129 = arith.constant 0 : i32
        %dma_wait3A_130 = tpu.memref_slice %dma_wait3A_128[%add3A_107, %dma_wait3A_129] : memref<10240x64xf32, #tpu.memory_space<hbm>> -> memref<128x64xf32, #tpu.memory_space<hbm>>
        tpu.wait_dma2 semaphore(%run_scoped3A : memref<!tpu.dma_semaphore, #tpu.memory_space<semaphore_mem>>) src(%dma_wait3A_130 : memref<128x64xf32, #tpu.memory_space<hbm>>) dst(%arg9 : memref<128x64xf32, #tpu.memory_space<vmem>>)
        tpu.yield
      }) : () -> ()
      "tpu.region"() ({
        %run_scoped3A = tpu.sem_alloc : memref<!tpu.dma_semaphore, #tpu.memory_space<semaphore_mem>>
        %dma_start3A_108 = arith.constant 0 : i32
        %dma_start3A_109 = tpu.memref_slice %arg10[%add3A_107, %dma_start3A_108] : memref<10240x64xf32, #tpu.memory_space<vmem_shared>> -> memref<128x64xf32, #tpu.memory_space<vmem_shared>>
        %dma_start3A_110 = arith.constant 0 : i32
        %dma_start3A_111 = tpu.memref_slice %arg10[%add3A_107, %dma_start3A_110] : memref<10240x64xf32, #tpu.memory_space<vmem_shared>> -> memref<128x64xf32, #tpu.memory_space<vmem_shared>>
        tpu.enqueue_dma source(%arg9 : memref<128x64xf32, #tpu.memory_space<vmem>>) target(%dma_start3A_111 : memref<128x64xf32, #tpu.memory_space<vmem_shared>>) target_semaphore(%run_scoped3A : memref<!tpu.dma_semaphore, #tpu.memory_space<semaphore_mem>>)
        %dma_wait3A = arith.constant 0 : i32
        %dma_wait3A_112 = tpu.memref_slice %arg10[%add3A_107, %dma_wait3A] : memref<10240x64xf32, #tpu.memory_space<vmem_shared>> -> memref<128x64xf32, #tpu.memory_space<vmem_shared>>
        %dma_wait3A_113 = arith.constant 0 : i32
        %dma_wait3A_114 = tpu.memref_slice %arg10[%add3A_107, %dma_wait3A_113] : memref<10240x64xf32, #tpu.memory_space<vmem_shared>> -> memref<128x64xf32, #tpu.memory_space<vmem_shared>>
        tpu.wait_dma2 semaphore(%run_scoped3A : memref<!tpu.dma_semaphore, #tpu.memory_space<semaphore_mem>>) src(%arg9 : memref<128x64xf32, #tpu.memory_space<vmem>>) dst(%dma_wait3A_114 : memref<128x64xf32, #tpu.memory_space<vmem_shared>>)
        tpu.yield
      }) : () -> ()
    }
    %scan3A_14 = arith.constant 5 : i32
    %barrier3A = arith.constant 0 : index
    tpu.barrier barrier_id(%barrier3A)
    %add3A = arith.constant 0 : i32
    %add3A_15 = arith.addi %add3A, %arg1 : i32
    "tpu.region"() ({
      %run_scoped3A = tpu.sem_alloc : memref<!tpu.dma_semaphore, #tpu.memory_space<semaphore_mem>>
      %dma_start3A_99 = arith.constant 0 : i32
      %dma_start3A_100 = arith.constant 0 : i32
      %dma_start3A_101 = tpu.memref_slice %arg3[%add3A_15, %dma_start3A_99, %dma_start3A_100] : memref<32x80x128xi32, #tpu.memory_space<hbm>> -> memref<1x80x128xi32, #tpu.memory_space<hbm>>
      %dma_start3A_102 = tpu.memref_squeeze %dma_start3A_101 : memref<1x80x128xi32, #tpu.memory_space<hbm>> -> memref<80x128xi32, #tpu.memory_space<hbm>>
      %dma_start3A_103 = arith.constant 0 : i32
      %dma_start3A_104 = arith.constant 0 : i32
      %dma_start3A_105 = tpu.memref_slice %dma_start3A_102[%dma_start3A_103, %dma_start3A_104] : memref<80x128xi32, #tpu.memory_space<hbm>> -> memref<40x128xi32, #tpu.memory_space<hbm>>
      %dma_start3A_106 = arith.constant 0 : i32
      %dma_start3A_107 = arith.constant 0 : i32
      %dma_start3A_108 = tpu.memref_slice %arg3[%add3A_15, %dma_start3A_106, %dma_start3A_107] : memref<32x80x128xi32, #tpu.memory_space<hbm>> -> memref<1x80x128xi32, #tpu.memory_space<hbm>>
      %dma_start3A_109 = tpu.memref_squeeze %dma_start3A_108 : memref<1x80x128xi32, #tpu.memory_space<hbm>> -> memref<80x128xi32, #tpu.memory_space<hbm>>
      %dma_start3A_110 = arith.constant 0 : i32
      %dma_start3A_111 = arith.constant 0 : i32
      %dma_start3A_112 = tpu.memref_slice %dma_start3A_109[%dma_start3A_110, %dma_start3A_111] : memref<80x128xi32, #tpu.memory_space<hbm>> -> memref<40x128xi32, #tpu.memory_space<hbm>>
      tpu.enqueue_dma source(%dma_start3A_112 : memref<40x128xi32, #tpu.memory_space<hbm>>) target(%arg6 : memref<40x128xi32, #tpu.memory_space<vmem>>) target_semaphore(%run_scoped3A : memref<!tpu.dma_semaphore, #tpu.memory_space<semaphore_mem>>)
      %dma_wait3A = arith.constant 0 : i32
      %dma_wait3A_113 = arith.constant 0 : i32
      %dma_wait3A_114 = tpu.memref_slice %arg3[%add3A_15, %dma_wait3A, %dma_wait3A_113] : memref<32x80x128xi32, #tpu.memory_space<hbm>> -> memref<1x80x128xi32, #tpu.memory_space<hbm>>
      %dma_wait3A_115 = tpu.memref_squeeze %dma_wait3A_114 : memref<1x80x128xi32, #tpu.memory_space<hbm>> -> memref<80x128xi32, #tpu.memory_space<hbm>>
      %dma_wait3A_116 = arith.constant 0 : i32
      %dma_wait3A_117 = arith.constant 0 : i32
      %dma_wait3A_118 = tpu.memref_slice %dma_wait3A_115[%dma_wait3A_116, %dma_wait3A_117] : memref<80x128xi32, #tpu.memory_space<hbm>> -> memref<40x128xi32, #tpu.memory_space<hbm>>
      %dma_wait3A_119 = arith.constant 0 : i32
      %dma_wait3A_120 = arith.constant 0 : i32
      %dma_wait3A_121 = tpu.memref_slice %arg3[%add3A_15, %dma_wait3A_119, %dma_wait3A_120] : memref<32x80x128xi32, #tpu.memory_space<hbm>> -> memref<1x80x128xi32, #tpu.memory_space<hbm>>
      %dma_wait3A_122 = tpu.memref_squeeze %dma_wait3A_121 : memref<1x80x128xi32, #tpu.memory_space<hbm>> -> memref<80x128xi32, #tpu.memory_space<hbm>>
      %dma_wait3A_123 = arith.constant 0 : i32
      %dma_wait3A_124 = arith.constant 0 : i32
      %dma_wait3A_125 = tpu.memref_slice %dma_wait3A_122[%dma_wait3A_123, %dma_wait3A_124] : memref<80x128xi32, #tpu.memory_space<hbm>> -> memref<40x128xi32, #tpu.memory_space<hbm>>
      tpu.wait_dma2 semaphore(%run_scoped3A : memref<!tpu.dma_semaphore, #tpu.memory_space<semaphore_mem>>) src(%dma_wait3A_125 : memref<40x128xi32, #tpu.memory_space<hbm>>) dst(%arg6 : memref<40x128xi32, #tpu.memory_space<vmem>>)
      tpu.yield
    }) : () -> ()
    "tpu.region"() ({
      %run_scoped3A = tpu.sem_alloc : memref<!tpu.dma_semaphore, #tpu.memory_space<semaphore_mem>>
      %dma_start3A_99 = arith.constant 0 : i32
      %dma_start3A_100 = arith.constant 0 : i32
      %dma_start3A_101 = tpu.memref_slice %arg4[%add3A_15, %dma_start3A_99, %dma_start3A_100] : memref<32x80x128xi32, #tpu.memory_space<hbm>> -> memref<1x80x128xi32, #tpu.memory_space<hbm>>
      %dma_start3A_102 = tpu.memref_squeeze %dma_start3A_101 : memref<1x80x128xi32, #tpu.memory_space<hbm>> -> memref<80x128xi32, #tpu.memory_space<hbm>>
      %dma_start3A_103 = arith.constant 0 : i32
      %dma_start3A_104 = arith.constant 0 : i32
      %dma_start3A_105 = tpu.memref_slice %dma_start3A_102[%dma_start3A_103, %dma_start3A_104] : memref<80x128xi32, #tpu.memory_space<hbm>> -> memref<40x128xi32, #tpu.memory_space<hbm>>
      %dma_start3A_106 = arith.constant 0 : i32
      %dma_start3A_107 = arith.constant 0 : i32
      %dma_start3A_108 = tpu.memref_slice %arg4[%add3A_15, %dma_start3A_106, %dma_start3A_107] : memref<32x80x128xi32, #tpu.memory_space<hbm>> -> memref<1x80x128xi32, #tpu.memory_space<hbm>>
      %dma_start3A_109 = tpu.memref_squeeze %dma_start3A_108 : memref<1x80x128xi32, #tpu.memory_space<hbm>> -> memref<80x128xi32, #tpu.memory_space<hbm>>
      %dma_start3A_110 = arith.constant 0 : i32
      %dma_start3A_111 = arith.constant 0 : i32
      %dma_start3A_112 = tpu.memref_slice %dma_start3A_109[%dma_start3A_110, %dma_start3A_111] : memref<80x128xi32, #tpu.memory_space<hbm>> -> memref<40x128xi32, #tpu.memory_space<hbm>>
      tpu.enqueue_dma source(%dma_start3A_112 : memref<40x128xi32, #tpu.memory_space<hbm>>) target(%arg7 : memref<40x128xi32, #tpu.memory_space<vmem>>) target_semaphore(%run_scoped3A : memref<!tpu.dma_semaphore, #tpu.memory_space<semaphore_mem>>)
      %dma_wait3A = arith.constant 0 : i32
      %dma_wait3A_113 = arith.constant 0 : i32
      %dma_wait3A_114 = tpu.memref_slice %arg4[%add3A_15, %dma_wait3A, %dma_wait3A_113] : memref<32x80x128xi32, #tpu.memory_space<hbm>> -> memref<1x80x128xi32, #tpu.memory_space<hbm>>
      %dma_wait3A_115 = tpu.memref_squeeze %dma_wait3A_114 : memref<1x80x128xi32, #tpu.memory_space<hbm>> -> memref<80x128xi32, #tpu.memory_space<hbm>>
      %dma_wait3A_116 = arith.constant 0 : i32
      %dma_wait3A_117 = arith.constant 0 : i32
      %dma_wait3A_118 = tpu.memref_slice %dma_wait3A_115[%dma_wait3A_116, %dma_wait3A_117] : memref<80x128xi32, #tpu.memory_space<hbm>> -> memref<40x128xi32, #tpu.memory_space<hbm>>
      %dma_wait3A_119 = arith.constant 0 : i32
      %dma_wait3A_120 = arith.constant 0 : i32
      %dma_wait3A_121 = tpu.memref_slice %arg4[%add3A_15, %dma_wait3A_119, %dma_wait3A_120] : memref<32x80x128xi32, #tpu.memory_space<hbm>> -> memref<1x80x128xi32, #tpu.memory_space<hbm>>
      %dma_wait3A_122 = tpu.memref_squeeze %dma_wait3A_121 : memref<1x80x128xi32, #tpu.memory_space<hbm>> -> memref<80x128xi32, #tpu.memory_space<hbm>>
      %dma_wait3A_123 = arith.constant 0 : i32
      %dma_wait3A_124 = arith.constant 0 : i32
      %dma_wait3A_125 = tpu.memref_slice %dma_wait3A_122[%dma_wait3A_123, %dma_wait3A_124] : memref<80x128xi32, #tpu.memory_space<hbm>> -> memref<40x128xi32, #tpu.memory_space<hbm>>
      tpu.wait_dma2 semaphore(%run_scoped3A : memref<!tpu.dma_semaphore, #tpu.memory_space<semaphore_mem>>) src(%dma_wait3A_125 : memref<40x128xi32, #tpu.memory_space<hbm>>) dst(%arg7 : memref<40x128xi32, #tpu.memory_space<vmem>>)
      tpu.yield
    }) : () -> ()
    %dma_start3A = arith.constant 0 : i32
    %dma_start3A_16 = arith.constant 0 : i32
    %dma_start3A_17 = tpu.memref_slice %arg6[%dma_start3A, %dma_start3A_16] : memref<40x128xi32, #tpu.memory_space<vmem>> -> memref<1x128xi32, #tpu.memory_space<vmem>>
    %dma_start3A_18 = tpu.memref_squeeze %dma_start3A_17 : memref<1x128xi32, #tpu.memory_space<vmem>> -> memref<128xi32, #tpu.memory_space<vmem>>
    %dma_start3A_19 = arith.constant 0 : i32
    %dma_start3A_20 = arith.constant 0 : i32
    %dma_start3A_21 = tpu.memref_slice %arg10[%dma_start3A_19, %dma_start3A_20] : memref<10240x64xf32, #tpu.memory_space<vmem_shared>> -> memref<10240x64xf32, #tpu.memory_space<vmem_shared>>
    tpu.enqueue_indirect_dma source(%dma_start3A_21 : memref<10240x64xf32, #tpu.memory_space<vmem_shared>>) target(%arg8 : memref<128x64xf32, #tpu.memory_space<vmem>>) offsets(%dma_start3A_18 : memref<128xi32, #tpu.memory_space<vmem>>) semaphore(%arg12 : memref<!tpu.dma_semaphore, #tpu.memory_space<semaphore_mem>>)
    %dma_start3A_22 = arith.constant 1 : i32
    %dma_start3A_23 = arith.constant 0 : i32
    %dma_start3A_24 = tpu.memref_slice %arg6[%dma_start3A_22, %dma_start3A_23] : memref<40x128xi32, #tpu.memory_space<vmem>> -> memref<1x128xi32, #tpu.memory_space<vmem>>
    %dma_start3A_25 = tpu.memref_squeeze %dma_start3A_24 : memref<1x128xi32, #tpu.memory_space<vmem>> -> memref<128xi32, #tpu.memory_space<vmem>>
    %dma_start3A_26 = arith.constant 0 : i32
    %dma_start3A_27 = arith.constant 0 : i32
    %dma_start3A_28 = tpu.memref_slice %arg10[%dma_start3A_26, %dma_start3A_27] : memref<10240x64xf32, #tpu.memory_space<vmem_shared>> -> memref<10240x64xf32, #tpu.memory_space<vmem_shared>>
    tpu.enqueue_indirect_dma source(%dma_start3A_28 : memref<10240x64xf32, #tpu.memory_space<vmem_shared>>) target(%arg9 : memref<128x64xf32, #tpu.memory_space<vmem>>) offsets(%dma_start3A_25 : memref<128xi32, #tpu.memory_space<vmem>>) semaphore(%arg13 : memref<!tpu.dma_semaphore, #tpu.memory_space<semaphore_mem>>)
    %scan3A_29 = arith.constant 0 : i32
    %scan3A_30 = arith.constant 20 : i32
    %scan3A_31 = arith.addi %scan3A_29, %scan3A_30 : i32
    %scan3A_32 = arith.constant 1 : i32
    scf.for %scan3A_99 = %scan3A_29 to %scan3A_31 step %scan3A_32  : i32 {
      %mul3A = arith.constant 2 : i32
      %mul3A_100 = arith.muli %scan3A_99, %mul3A : i32
      %add3A_101 = arith.constant 0 : i32
      %add3A_102 = arith.addi %add3A_101, %mul3A_100 : i32
      %dma_wait3A = arith.constant 0 : i32
      %dma_wait3A_103 = tpu.memref_slice %arg6[%add3A_102, %dma_wait3A] : memref<40x128xi32, #tpu.memory_space<vmem>> -> memref<1x128xi32, #tpu.memory_space<vmem>>
      %dma_wait3A_104 = tpu.memref_squeeze %dma_wait3A_103 : memref<1x128xi32, #tpu.memory_space<vmem>> -> memref<128xi32, #tpu.memory_space<vmem>>
      %dma_wait3A_105 = arith.constant 0 : i32
      %dma_wait3A_106 = arith.constant 0 : i32
      %dma_wait3A_107 = tpu.memref_slice %arg10[%dma_wait3A_105, %dma_wait3A_106] : memref<10240x64xf32, #tpu.memory_space<vmem_shared>> -> memref<10240x64xf32, #tpu.memory_space<vmem_shared>>
      tpu.wait_indirect_dma semaphore(%arg12 : memref<!tpu.dma_semaphore, #tpu.memory_space<semaphore_mem>>) src(%dma_wait3A_107 : memref<10240x64xf32, #tpu.memory_space<vmem_shared>>) dst(%arg8 : memref<128x64xf32, #tpu.memory_space<vmem>>)
      %dma_start3A_108 = arith.constant 0 : i32
      %dma_start3A_109 = tpu.memref_slice %arg7[%add3A_102, %dma_start3A_108] : memref<40x128xi32, #tpu.memory_space<vmem>> -> memref<1x128xi32, #tpu.memory_space<vmem>>
      %dma_start3A_110 = tpu.memref_squeeze %dma_start3A_109 : memref<1x128xi32, #tpu.memory_space<vmem>> -> memref<128xi32, #tpu.memory_space<vmem>>
      %dma_start3A_111 = arith.constant 0 : i32
      %dma_start3A_112 = arith.constant 0 : i32
      %dma_start3A_113 = tpu.memref_slice %arg11[%dma_start3A_111, %dma_start3A_112] : memref<10240x64xf32, #tpu.memory_space<vmem_shared>> -> memref<10240x64xf32, #tpu.memory_space<vmem_shared>>
      tpu.enqueue_indirect_dma source(%arg8 : memref<128x64xf32, #tpu.memory_space<vmem>>) target(%dma_start3A_113 : memref<10240x64xf32, #tpu.memory_space<vmem_shared>>) offsets(%dma_start3A_110 : memref<128xi32, #tpu.memory_space<vmem>>) semaphore(%arg14 : memref<!tpu.dma_semaphore, #tpu.memory_space<semaphore_mem>>) {add = true}
      %add3A_114 = arith.constant 1 : i32
      %add3A_115 = arith.addi %add3A_102, %add3A_114 : i32
      %dma_wait3A_116 = arith.constant 0 : i32
      %dma_wait3A_117 = tpu.memref_slice %arg6[%add3A_115, %dma_wait3A_116] : memref<40x128xi32, #tpu.memory_space<vmem>> -> memref<1x128xi32, #tpu.memory_space<vmem>>
      %dma_wait3A_118 = tpu.memref_squeeze %dma_wait3A_117 : memref<1x128xi32, #tpu.memory_space<vmem>> -> memref<128xi32, #tpu.memory_space<vmem>>
      %dma_wait3A_119 = arith.constant 0 : i32
      %dma_wait3A_120 = arith.constant 0 : i32
      %dma_wait3A_121 = tpu.memref_slice %arg10[%dma_wait3A_119, %dma_wait3A_120] : memref<10240x64xf32, #tpu.memory_space<vmem_shared>> -> memref<10240x64xf32, #tpu.memory_space<vmem_shared>>
      tpu.wait_indirect_dma semaphore(%arg13 : memref<!tpu.dma_semaphore, #tpu.memory_space<semaphore_mem>>) src(%dma_wait3A_121 : memref<10240x64xf32, #tpu.memory_space<vmem_shared>>) dst(%arg9 : memref<128x64xf32, #tpu.memory_space<vmem>>)
      %add3A_122 = arith.constant 1 : i32
      %add3A_123 = arith.addi %add3A_102, %add3A_122 : i32
      %dma_start3A_124 = arith.constant 0 : i32
      %dma_start3A_125 = tpu.memref_slice %arg7[%add3A_123, %dma_start3A_124] : memref<40x128xi32, #tpu.memory_space<vmem>> -> memref<1x128xi32, #tpu.memory_space<vmem>>
      %dma_start3A_126 = tpu.memref_squeeze %dma_start3A_125 : memref<1x128xi32, #tpu.memory_space<vmem>> -> memref<128xi32, #tpu.memory_space<vmem>>
      %dma_start3A_127 = arith.constant 0 : i32
      %dma_start3A_128 = arith.constant 0 : i32
      %dma_start3A_129 = tpu.memref_slice %arg11[%dma_start3A_127, %dma_start3A_128] : memref<10240x64xf32, #tpu.memory_space<vmem_shared>> -> memref<10240x64xf32, #tpu.memory_space<vmem_shared>>
      tpu.enqueue_indirect_dma source(%arg9 : memref<128x64xf32, #tpu.memory_space<vmem>>) target(%dma_start3A_129 : memref<10240x64xf32, #tpu.memory_space<vmem_shared>>) offsets(%dma_start3A_126 : memref<128xi32, #tpu.memory_space<vmem>>) semaphore(%arg15 : memref<!tpu.dma_semaphore, #tpu.memory_space<semaphore_mem>>) {add = true}
      %dma_wait3A_130 = arith.constant 0 : i32
      %dma_wait3A_131 = tpu.memref_slice %arg7[%add3A_102, %dma_wait3A_130] : memref<40x128xi32, #tpu.memory_space<vmem>> -> memref<1x128xi32, #tpu.memory_space<vmem>>
      %dma_wait3A_132 = tpu.memref_squeeze %dma_wait3A_131 : memref<1x128xi32, #tpu.memory_space<vmem>> -> memref<128xi32, #tpu.memory_space<vmem>>
      %dma_wait3A_133 = arith.constant 0 : i32
      %dma_wait3A_134 = arith.constant 0 : i32
      %dma_wait3A_135 = tpu.memref_slice %arg11[%dma_wait3A_133, %dma_wait3A_134] : memref<10240x64xf32, #tpu.memory_space<vmem_shared>> -> memref<10240x64xf32, #tpu.memory_space<vmem_shared>>
      tpu.wait_indirect_dma semaphore(%arg14 : memref<!tpu.dma_semaphore, #tpu.memory_space<semaphore_mem>>) src(%arg8 : memref<128x64xf32, #tpu.memory_space<vmem>>) dst(%dma_wait3A_135 : memref<10240x64xf32, #tpu.memory_space<vmem_shared>>)
      %add3A_136 = arith.constant 2 : i32
      %add3A_137 = arith.addi %add3A_102, %add3A_136 : i32
      %lt3A = arith.constant 40 : i32
      %lt3A_138 = arith.cmpi slt, %add3A_137, %lt3A : i32
      %convert_element_type3A = arith.extui %lt3A_138 : i1 to i32
      %cond3A = arith.constant 0 : i32
      %cond3A_139 = arith.cmpi ne, %convert_element_type3A, %cond3A : i32
      scf.if %cond3A_139 {
        %add3A_155 = arith.constant 2 : i32
        %add3A_156 = arith.addi %add3A_102, %add3A_155 : i32
        %dma_start3A_157 = arith.constant 0 : i32
        %dma_start3A_158 = tpu.memref_slice %arg6[%add3A_156, %dma_start3A_157] : memref<40x128xi32, #tpu.memory_space<vmem>> -> memref<1x128xi32, #tpu.memory_space<vmem>>
        %dma_start3A_159 = tpu.memref_squeeze %dma_start3A_158 : memref<1x128xi32, #tpu.memory_space<vmem>> -> memref<128xi32, #tpu.memory_space<vmem>>
        %dma_start3A_160 = arith.constant 0 : i32
        %dma_start3A_161 = arith.constant 0 : i32
        %dma_start3A_162 = tpu.memref_slice %arg10[%dma_start3A_160, %dma_start3A_161] : memref<10240x64xf32, #tpu.memory_space<vmem_shared>> -> memref<10240x64xf32, #tpu.memory_space<vmem_shared>>
        tpu.enqueue_indirect_dma source(%dma_start3A_162 : memref<10240x64xf32, #tpu.memory_space<vmem_shared>>) target(%arg8 : memref<128x64xf32, #tpu.memory_space<vmem>>) offsets(%dma_start3A_159 : memref<128xi32, #tpu.memory_space<vmem>>) semaphore(%arg12 : memref<!tpu.dma_semaphore, #tpu.memory_space<semaphore_mem>>)
      } else {
      }
      %add3A_140 = arith.constant 1 : i32
      %add3A_141 = arith.addi %add3A_102, %add3A_140 : i32
      %dma_wait3A_142 = arith.constant 0 : i32
      %dma_wait3A_143 = tpu.memref_slice %arg7[%add3A_141, %dma_wait3A_142] : memref<40x128xi32, #tpu.memory_space<vmem>> -> memref<1x128xi32, #tpu.memory_space<vmem>>
      %dma_wait3A_144 = tpu.memref_squeeze %dma_wait3A_143 : memref<1x128xi32, #tpu.memory_space<vmem>> -> memref<128xi32, #tpu.memory_space<vmem>>
      %dma_wait3A_145 = arith.constant 0 : i32
      %dma_wait3A_146 = arith.constant 0 : i32
      %dma_wait3A_147 = tpu.memref_slice %arg11[%dma_wait3A_145, %dma_wait3A_146] : memref<10240x64xf32, #tpu.memory_space<vmem_shared>> -> memref<10240x64xf32, #tpu.memory_space<vmem_shared>>
      tpu.wait_indirect_dma semaphore(%arg15 : memref<!tpu.dma_semaphore, #tpu.memory_space<semaphore_mem>>) src(%arg9 : memref<128x64xf32, #tpu.memory_space<vmem>>) dst(%dma_wait3A_147 : memref<10240x64xf32, #tpu.memory_space<vmem_shared>>)
      %add3A_148 = arith.constant 3 : i32
      %add3A_149 = arith.addi %add3A_102, %add3A_148 : i32
      %lt3A_150 = arith.constant 40 : i32
      %lt3A_151 = arith.cmpi slt, %add3A_149, %lt3A_150 : i32
      %convert_element_type3A_152 = arith.extui %lt3A_151 : i1 to i32
      %cond3A_153 = arith.constant 0 : i32
      %cond3A_154 = arith.cmpi ne, %convert_element_type3A_152, %cond3A_153 : i32
      scf.if %cond3A_154 {
        %add3A_155 = arith.constant 3 : i32
        %add3A_156 = arith.addi %add3A_102, %add3A_155 : i32
        %dma_start3A_157 = arith.constant 0 : i32
        %dma_start3A_158 = tpu.memref_slice %arg6[%add3A_156, %dma_start3A_157] : memref<40x128xi32, #tpu.memory_space<vmem>> -> memref<1x128xi32, #tpu.memory_space<vmem>>
        %dma_start3A_159 = tpu.memref_squeeze %dma_start3A_158 : memref<1x128xi32, #tpu.memory_space<vmem>> -> memref<128xi32, #tpu.memory_space<vmem>>
        %dma_start3A_160 = arith.constant 0 : i32
        %dma_start3A_161 = arith.constant 0 : i32
        %dma_start3A_162 = tpu.memref_slice %arg10[%dma_start3A_160, %dma_start3A_161] : memref<10240x64xf32, #tpu.memory_space<vmem_shared>> -> memref<10240x64xf32, #tpu.memory_space<vmem_shared>>
        tpu.enqueue_indirect_dma source(%dma_start3A_162 : memref<10240x64xf32, #tpu.memory_space<vmem_shared>>) target(%arg9 : memref<128x64xf32, #tpu.memory_space<vmem>>) offsets(%dma_start3A_159 : memref<128xi32, #tpu.memory_space<vmem>>) semaphore(%arg13 : memref<!tpu.dma_semaphore, #tpu.memory_space<semaphore_mem>>)
      } else {
      }
    }
    %scan3A_33 = arith.constant 20 : i32
    "tpu.region"() ({
      %run_scoped3A = tpu.sem_alloc : memref<!tpu.dma_semaphore, #tpu.memory_space<semaphore_mem>>
      %dma_start3A_99 = arith.constant 0 : i32
      %dma_start3A_100 = arith.constant 0 : i32
      %dma_start3A_101 = tpu.memref_slice %arg3[%add3A_15, %dma_start3A_99, %dma_start3A_100] : memref<32x80x128xi32, #tpu.memory_space<hbm>> -> memref<1x80x128xi32, #tpu.memory_space<hbm>>
      %dma_start3A_102 = tpu.memref_squeeze %dma_start3A_101 : memref<1x80x128xi32, #tpu.memory_space<hbm>> -> memref<80x128xi32, #tpu.memory_space<hbm>>
      %dma_start3A_103 = arith.constant 40 : i32
      %dma_start3A_104 = arith.constant 0 : i32
      %dma_start3A_105 = tpu.memref_slice %dma_start3A_102[%dma_start3A_103, %dma_start3A_104] : memref<80x128xi32, #tpu.memory_space<hbm>> -> memref<40x128xi32, #tpu.memory_space<hbm>>
      %dma_start3A_106 = arith.constant 0 : i32
      %dma_start3A_107 = arith.constant 0 : i32
      %dma_start3A_108 = tpu.memref_slice %arg3[%add3A_15, %dma_start3A_106, %dma_start3A_107] : memref<32x80x128xi32, #tpu.memory_space<hbm>> -> memref<1x80x128xi32, #tpu.memory_space<hbm>>
      %dma_start3A_109 = tpu.memref_squeeze %dma_start3A_108 : memref<1x80x128xi32, #tpu.memory_space<hbm>> -> memref<80x128xi32, #tpu.memory_space<hbm>>
      %dma_start3A_110 = arith.constant 40 : i32
      %dma_start3A_111 = arith.constant 0 : i32
      %dma_start3A_112 = tpu.memref_slice %dma_start3A_109[%dma_start3A_110, %dma_start3A_111] : memref<80x128xi32, #tpu.memory_space<hbm>> -> memref<40x128xi32, #tpu.memory_space<hbm>>
      tpu.enqueue_dma source(%dma_start3A_112 : memref<40x128xi32, #tpu.memory_space<hbm>>) target(%arg6 : memref<40x128xi32, #tpu.memory_space<vmem>>) target_semaphore(%run_scoped3A : memref<!tpu.dma_semaphore, #tpu.memory_space<semaphore_mem>>)
      %dma_wait3A = arith.constant 0 : i32
      %dma_wait3A_113 = arith.constant 0 : i32
      %dma_wait3A_114 = tpu.memref_slice %arg3[%add3A_15, %dma_wait3A, %dma_wait3A_113] : memref<32x80x128xi32, #tpu.memory_space<hbm>> -> memref<1x80x128xi32, #tpu.memory_space<hbm>>
      %dma_wait3A_115 = tpu.memref_squeeze %dma_wait3A_114 : memref<1x80x128xi32, #tpu.memory_space<hbm>> -> memref<80x128xi32, #tpu.memory_space<hbm>>
      %dma_wait3A_116 = arith.constant 40 : i32
      %dma_wait3A_117 = arith.constant 0 : i32
      %dma_wait3A_118 = tpu.memref_slice %dma_wait3A_115[%dma_wait3A_116, %dma_wait3A_117] : memref<80x128xi32, #tpu.memory_space<hbm>> -> memref<40x128xi32, #tpu.memory_space<hbm>>
      %dma_wait3A_119 = arith.constant 0 : i32
      %dma_wait3A_120 = arith.constant 0 : i32
      %dma_wait3A_121 = tpu.memref_slice %arg3[%add3A_15, %dma_wait3A_119, %dma_wait3A_120] : memref<32x80x128xi32, #tpu.memory_space<hbm>> -> memref<1x80x128xi32, #tpu.memory_space<hbm>>
      %dma_wait3A_122 = tpu.memref_squeeze %dma_wait3A_121 : memref<1x80x128xi32, #tpu.memory_space<hbm>> -> memref<80x128xi32, #tpu.memory_space<hbm>>
      %dma_wait3A_123 = arith.constant 40 : i32
      %dma_wait3A_124 = arith.constant 0 : i32
      %dma_wait3A_125 = tpu.memref_slice %dma_wait3A_122[%dma_wait3A_123, %dma_wait3A_124] : memref<80x128xi32, #tpu.memory_space<hbm>> -> memref<40x128xi32, #tpu.memory_space<hbm>>
      tpu.wait_dma2 semaphore(%run_scoped3A : memref<!tpu.dma_semaphore, #tpu.memory_space<semaphore_mem>>) src(%dma_wait3A_125 : memref<40x128xi32, #tpu.memory_space<hbm>>) dst(%arg6 : memref<40x128xi32, #tpu.memory_space<vmem>>)
      tpu.yield
    }) : () -> ()
    "tpu.region"() ({
      %run_scoped3A = tpu.sem_alloc : memref<!tpu.dma_semaphore, #tpu.memory_space<semaphore_mem>>
      %dma_start3A_99 = arith.constant 0 : i32
      %dma_start3A_100 = arith.constant 0 : i32
      %dma_start3A_101 = tpu.memref_slice %arg4[%add3A_15, %dma_start3A_99, %dma_start3A_100] : memref<32x80x128xi32, #tpu.memory_space<hbm>> -> memref<1x80x128xi32, #tpu.memory_space<hbm>>
      %dma_start3A_102 = tpu.memref_squeeze %dma_start3A_101 : memref<1x80x128xi32, #tpu.memory_space<hbm>> -> memref<80x128xi32, #tpu.memory_space<hbm>>
      %dma_start3A_103 = arith.constant 40 : i32
      %dma_start3A_104 = arith.constant 0 : i32
      %dma_start3A_105 = tpu.memref_slice %dma_start3A_102[%dma_start3A_103, %dma_start3A_104] : memref<80x128xi32, #tpu.memory_space<hbm>> -> memref<40x128xi32, #tpu.memory_space<hbm>>
      %dma_start3A_106 = arith.constant 0 : i32
      %dma_start3A_107 = arith.constant 0 : i32
      %dma_start3A_108 = tpu.memref_slice %arg4[%add3A_15, %dma_start3A_106, %dma_start3A_107] : memref<32x80x128xi32, #tpu.memory_space<hbm>> -> memref<1x80x128xi32, #tpu.memory_space<hbm>>
      %dma_start3A_109 = tpu.memref_squeeze %dma_start3A_108 : memref<1x80x128xi32, #tpu.memory_space<hbm>> -> memref<80x128xi32, #tpu.memory_space<hbm>>
      %dma_start3A_110 = arith.constant 40 : i32
      %dma_start3A_111 = arith.constant 0 : i32
      %dma_start3A_112 = tpu.memref_slice %dma_start3A_109[%dma_start3A_110, %dma_start3A_111] : memref<80x128xi32, #tpu.memory_space<hbm>> -> memref<40x128xi32, #tpu.memory_space<hbm>>
      tpu.enqueue_dma source(%dma_start3A_112 : memref<40x128xi32, #tpu.memory_space<hbm>>) target(%arg7 : memref<40x128xi32, #tpu.memory_space<vmem>>) target_semaphore(%run_scoped3A : memref<!tpu.dma_semaphore, #tpu.memory_space<semaphore_mem>>)
      %dma_wait3A = arith.constant 0 : i32
      %dma_wait3A_113 = arith.constant 0 : i32
      %dma_wait3A_114 = tpu.memref_slice %arg4[%add3A_15, %dma_wait3A, %dma_wait3A_113] : memref<32x80x128xi32, #tpu.memory_space<hbm>> -> memref<1x80x128xi32, #tpu.memory_space<hbm>>
      %dma_wait3A_115 = tpu.memref_squeeze %dma_wait3A_114 : memref<1x80x128xi32, #tpu.memory_space<hbm>> -> memref<80x128xi32, #tpu.memory_space<hbm>>
      %dma_wait3A_116 = arith.constant 40 : i32
      %dma_wait3A_117 = arith.constant 0 : i32
      %dma_wait3A_118 = tpu.memref_slice %dma_wait3A_115[%dma_wait3A_116, %dma_wait3A_117] : memref<80x128xi32, #tpu.memory_space<hbm>> -> memref<40x128xi32, #tpu.memory_space<hbm>>
      %dma_wait3A_119 = arith.constant 0 : i32
      %dma_wait3A_120 = arith.constant 0 : i32
      %dma_wait3A_121 = tpu.memref_slice %arg4[%add3A_15, %dma_wait3A_119, %dma_wait3A_120] : memref<32x80x128xi32, #tpu.memory_space<hbm>> -> memref<1x80x128xi32, #tpu.memory_space<hbm>>
      %dma_wait3A_122 = tpu.memref_squeeze %dma_wait3A_121 : memref<1x80x128xi32, #tpu.memory_space<hbm>> -> memref<80x128xi32, #tpu.memory_space<hbm>>
      %dma_wait3A_123 = arith.constant 40 : i32
      %dma_wait3A_124 = arith.constant 0 : i32
      %dma_wait3A_125 = tpu.memref_slice %dma_wait3A_122[%dma_wait3A_123, %dma_wait3A_124] : memref<80x128xi32, #tpu.memory_space<hbm>> -> memref<40x128xi32, #tpu.memory_space<hbm>>
      tpu.wait_dma2 semaphore(%run_scoped3A : memref<!tpu.dma_semaphore, #tpu.memory_space<semaphore_mem>>) src(%dma_wait3A_125 : memref<40x128xi32, #tpu.memory_space<hbm>>) dst(%arg7 : memref<40x128xi32, #tpu.memory_space<vmem>>)
      tpu.yield
    }) : () -> ()
    %dma_start3A_34 = arith.constant 0 : i32
    %dma_start3A_35 = arith.constant 0 : i32
    %dma_start3A_36 = tpu.memref_slice %arg6[%dma_start3A_34, %dma_start3A_35] : memref<40x128xi32, #tpu.memory_space<vmem>> -> memref<1x128xi32, #tpu.memory_space<vmem>>
    %dma_start3A_37 = tpu.memref_squeeze %dma_start3A_36 : memref<1x128xi32, #tpu.memory_space<vmem>> -> memref<128xi32, #tpu.memory_space<vmem>>
    %dma_start3A_38 = arith.constant 0 : i32
    %dma_start3A_39 = arith.constant 0 : i32
    %dma_start3A_40 = tpu.memref_slice %arg10[%dma_start3A_38, %dma_start3A_39] : memref<10240x64xf32, #tpu.memory_space<vmem_shared>> -> memref<10240x64xf32, #tpu.memory_space<vmem_shared>>
    tpu.enqueue_indirect_dma source(%dma_start3A_40 : memref<10240x64xf32, #tpu.memory_space<vmem_shared>>) target(%arg8 : memref<128x64xf32, #tpu.memory_space<vmem>>) offsets(%dma_start3A_37 : memref<128xi32, #tpu.memory_space<vmem>>) semaphore(%arg12 : memref<!tpu.dma_semaphore, #tpu.memory_space<semaphore_mem>>)
    %dma_start3A_41 = arith.constant 1 : i32
    %dma_start3A_42 = arith.constant 0 : i32
    %dma_start3A_43 = tpu.memref_slice %arg6[%dma_start3A_41, %dma_start3A_42] : memref<40x128xi32, #tpu.memory_space<vmem>> -> memref<1x128xi32, #tpu.memory_space<vmem>>
    %dma_start3A_44 = tpu.memref_squeeze %dma_start3A_43 : memref<1x128xi32, #tpu.memory_space<vmem>> -> memref<128xi32, #tpu.memory_space<vmem>>
    %dma_start3A_45 = arith.constant 0 : i32
    %dma_start3A_46 = arith.constant 0 : i32
    %dma_start3A_47 = tpu.memref_slice %arg10[%dma_start3A_45, %dma_start3A_46] : memref<10240x64xf32, #tpu.memory_space<vmem_shared>> -> memref<10240x64xf32, #tpu.memory_space<vmem_shared>>
    tpu.enqueue_indirect_dma source(%dma_start3A_47 : memref<10240x64xf32, #tpu.memory_space<vmem_shared>>) target(%arg9 : memref<128x64xf32, #tpu.memory_space<vmem>>) offsets(%dma_start3A_44 : memref<128xi32, #tpu.memory_space<vmem>>) semaphore(%arg13 : memref<!tpu.dma_semaphore, #tpu.memory_space<semaphore_mem>>)
    %scan3A_48 = arith.constant 0 : i32
    %scan3A_49 = arith.constant 20 : i32
    %scan3A_50 = arith.addi %scan3A_48, %scan3A_49 : i32
    %scan3A_51 = arith.constant 1 : i32
    scf.for %scan3A_99 = %scan3A_48 to %scan3A_50 step %scan3A_51  : i32 {
      %mul3A = arith.constant 2 : i32
      %mul3A_100 = arith.muli %scan3A_99, %mul3A : i32
      %add3A_101 = arith.constant 0 : i32
      %add3A_102 = arith.addi %add3A_101, %mul3A_100 : i32
      %dma_wait3A = arith.constant 0 : i32
      %dma_wait3A_103 = tpu.memref_slice %arg6[%add3A_102, %dma_wait3A] : memref<40x128xi32, #tpu.memory_space<vmem>> -> memref<1x128xi32, #tpu.memory_space<vmem>>
      %dma_wait3A_104 = tpu.memref_squeeze %dma_wait3A_103 : memref<1x128xi32, #tpu.memory_space<vmem>> -> memref<128xi32, #tpu.memory_space<vmem>>
      %dma_wait3A_105 = arith.constant 0 : i32
      %dma_wait3A_106 = arith.constant 0 : i32
      %dma_wait3A_107 = tpu.memref_slice %arg10[%dma_wait3A_105, %dma_wait3A_106] : memref<10240x64xf32, #tpu.memory_space<vmem_shared>> -> memref<10240x64xf32, #tpu.memory_space<vmem_shared>>
      tpu.wait_indirect_dma semaphore(%arg12 : memref<!tpu.dma_semaphore, #tpu.memory_space<semaphore_mem>>) src(%dma_wait3A_107 : memref<10240x64xf32, #tpu.memory_space<vmem_shared>>) dst(%arg8 : memref<128x64xf32, #tpu.memory_space<vmem>>)
      %dma_start3A_108 = arith.constant 0 : i32
      %dma_start3A_109 = tpu.memref_slice %arg7[%add3A_102, %dma_start3A_108] : memref<40x128xi32, #tpu.memory_space<vmem>> -> memref<1x128xi32, #tpu.memory_space<vmem>>
      %dma_start3A_110 = tpu.memref_squeeze %dma_start3A_109 : memref<1x128xi32, #tpu.memory_space<vmem>> -> memref<128xi32, #tpu.memory_space<vmem>>
      %dma_start3A_111 = arith.constant 0 : i32
      %dma_start3A_112 = arith.constant 0 : i32
      %dma_start3A_113 = tpu.memref_slice %arg11[%dma_start3A_111, %dma_start3A_112] : memref<10240x64xf32, #tpu.memory_space<vmem_shared>> -> memref<10240x64xf32, #tpu.memory_space<vmem_shared>>
      tpu.enqueue_indirect_dma source(%arg8 : memref<128x64xf32, #tpu.memory_space<vmem>>) target(%dma_start3A_113 : memref<10240x64xf32, #tpu.memory_space<vmem_shared>>) offsets(%dma_start3A_110 : memref<128xi32, #tpu.memory_space<vmem>>) semaphore(%arg14 : memref<!tpu.dma_semaphore, #tpu.memory_space<semaphore_mem>>) {add = true}
      %add3A_114 = arith.constant 1 : i32
      %add3A_115 = arith.addi %add3A_102, %add3A_114 : i32
      %dma_wait3A_116 = arith.constant 0 : i32
      %dma_wait3A_117 = tpu.memref_slice %arg6[%add3A_115, %dma_wait3A_116] : memref<40x128xi32, #tpu.memory_space<vmem>> -> memref<1x128xi32, #tpu.memory_space<vmem>>
      %dma_wait3A_118 = tpu.memref_squeeze %dma_wait3A_117 : memref<1x128xi32, #tpu.memory_space<vmem>> -> memref<128xi32, #tpu.memory_space<vmem>>
      %dma_wait3A_119 = arith.constant 0 : i32
      %dma_wait3A_120 = arith.constant 0 : i32
      %dma_wait3A_121 = tpu.memref_slice %arg10[%dma_wait3A_119, %dma_wait3A_120] : memref<10240x64xf32, #tpu.memory_space<vmem_shared>> -> memref<10240x64xf32, #tpu.memory_space<vmem_shared>>
      tpu.wait_indirect_dma semaphore(%arg13 : memref<!tpu.dma_semaphore, #tpu.memory_space<semaphore_mem>>) src(%dma_wait3A_121 : memref<10240x64xf32, #tpu.memory_space<vmem_shared>>) dst(%arg9 : memref<128x64xf32, #tpu.memory_space<vmem>>)
      %add3A_122 = arith.constant 1 : i32
      %add3A_123 = arith.addi %add3A_102, %add3A_122 : i32
      %dma_start3A_124 = arith.constant 0 : i32
      %dma_start3A_125 = tpu.memref_slice %arg7[%add3A_123, %dma_start3A_124] : memref<40x128xi32, #tpu.memory_space<vmem>> -> memref<1x128xi32, #tpu.memory_space<vmem>>
      %dma_start3A_126 = tpu.memref_squeeze %dma_start3A_125 : memref<1x128xi32, #tpu.memory_space<vmem>> -> memref<128xi32, #tpu.memory_space<vmem>>
      %dma_start3A_127 = arith.constant 0 : i32
      %dma_start3A_128 = arith.constant 0 : i32
      %dma_start3A_129 = tpu.memref_slice %arg11[%dma_start3A_127, %dma_start3A_128] : memref<10240x64xf32, #tpu.memory_space<vmem_shared>> -> memref<10240x64xf32, #tpu.memory_space<vmem_shared>>
      tpu.enqueue_indirect_dma source(%arg9 : memref<128x64xf32, #tpu.memory_space<vmem>>) target(%dma_start3A_129 : memref<10240x64xf32, #tpu.memory_space<vmem_shared>>) offsets(%dma_start3A_126 : memref<128xi32, #tpu.memory_space<vmem>>) semaphore(%arg15 : memref<!tpu.dma_semaphore, #tpu.memory_space<semaphore_mem>>) {add = true}
      %dma_wait3A_130 = arith.constant 0 : i32
      %dma_wait3A_131 = tpu.memref_slice %arg7[%add3A_102, %dma_wait3A_130] : memref<40x128xi32, #tpu.memory_space<vmem>> -> memref<1x128xi32, #tpu.memory_space<vmem>>
      %dma_wait3A_132 = tpu.memref_squeeze %dma_wait3A_131 : memref<1x128xi32, #tpu.memory_space<vmem>> -> memref<128xi32, #tpu.memory_space<vmem>>
      %dma_wait3A_133 = arith.constant 0 : i32
      %dma_wait3A_134 = arith.constant 0 : i32
      %dma_wait3A_135 = tpu.memref_slice %arg11[%dma_wait3A_133, %dma_wait3A_134] : memref<10240x64xf32, #tpu.memory_space<vmem_shared>> -> memref<10240x64xf32, #tpu.memory_space<vmem_shared>>
      tpu.wait_indirect_dma semaphore(%arg14 : memref<!tpu.dma_semaphore, #tpu.memory_space<semaphore_mem>>) src(%arg8 : memref<128x64xf32, #tpu.memory_space<vmem>>) dst(%dma_wait3A_135 : memref<10240x64xf32, #tpu.memory_space<vmem_shared>>)
      %add3A_136 = arith.constant 2 : i32
      %add3A_137 = arith.addi %add3A_102, %add3A_136 : i32
      %lt3A = arith.constant 40 : i32
      %lt3A_138 = arith.cmpi slt, %add3A_137, %lt3A : i32
      %convert_element_type3A = arith.extui %lt3A_138 : i1 to i32
      %cond3A = arith.constant 0 : i32
      %cond3A_139 = arith.cmpi ne, %convert_element_type3A, %cond3A : i32
      scf.if %cond3A_139 {
        %add3A_155 = arith.constant 2 : i32
        %add3A_156 = arith.addi %add3A_102, %add3A_155 : i32
        %dma_start3A_157 = arith.constant 0 : i32
        %dma_start3A_158 = tpu.memref_slice %arg6[%add3A_156, %dma_start3A_157] : memref<40x128xi32, #tpu.memory_space<vmem>> -> memref<1x128xi32, #tpu.memory_space<vmem>>
        %dma_start3A_159 = tpu.memref_squeeze %dma_start3A_158 : memref<1x128xi32, #tpu.memory_space<vmem>> -> memref<128xi32, #tpu.memory_space<vmem>>
        %dma_start3A_160 = arith.constant 0 : i32
        %dma_start3A_161 = arith.constant 0 : i32
        %dma_start3A_162 = tpu.memref_slice %arg10[%dma_start3A_160, %dma_start3A_161] : memref<10240x64xf32, #tpu.memory_space<vmem_shared>> -> memref<10240x64xf32, #tpu.memory_space<vmem_shared>>
        tpu.enqueue_indirect_dma source(%dma_start3A_162 : memref<10240x64xf32, #tpu.memory_space<vmem_shared>>) target(%arg8 : memref<128x64xf32, #tpu.memory_space<vmem>>) offsets(%dma_start3A_159 : memref<128xi32, #tpu.memory_space<vmem>>) semaphore(%arg12 : memref<!tpu.dma_semaphore, #tpu.memory_space<semaphore_mem>>)
      } else {
      }
      %add3A_140 = arith.constant 1 : i32
      %add3A_141 = arith.addi %add3A_102, %add3A_140 : i32
      %dma_wait3A_142 = arith.constant 0 : i32
      %dma_wait3A_143 = tpu.memref_slice %arg7[%add3A_141, %dma_wait3A_142] : memref<40x128xi32, #tpu.memory_space<vmem>> -> memref<1x128xi32, #tpu.memory_space<vmem>>
      %dma_wait3A_144 = tpu.memref_squeeze %dma_wait3A_143 : memref<1x128xi32, #tpu.memory_space<vmem>> -> memref<128xi32, #tpu.memory_space<vmem>>
      %dma_wait3A_145 = arith.constant 0 : i32
      %dma_wait3A_146 = arith.constant 0 : i32
      %dma_wait3A_147 = tpu.memref_slice %arg11[%dma_wait3A_145, %dma_wait3A_146] : memref<10240x64xf32, #tpu.memory_space<vmem_shared>> -> memref<10240x64xf32, #tpu.memory_space<vmem_shared>>
      tpu.wait_indirect_dma semaphore(%arg15 : memref<!tpu.dma_semaphore, #tpu.memory_space<semaphore_mem>>) src(%arg9 : memref<128x64xf32, #tpu.memory_space<vmem>>) dst(%dma_wait3A_147 : memref<10240x64xf32, #tpu.memory_space<vmem_shared>>)
      %add3A_148 = arith.constant 3 : i32
      %add3A_149 = arith.addi %add3A_102, %add3A_148 : i32
      %lt3A_150 = arith.constant 40 : i32
      %lt3A_151 = arith.cmpi slt, %add3A_149, %lt3A_150 : i32
      %convert_element_type3A_152 = arith.extui %lt3A_151 : i1 to i32
      %cond3A_153 = arith.constant 0 : i32
      %cond3A_154 = arith.cmpi ne, %convert_element_type3A_152, %cond3A_153 : i32
      scf.if %cond3A_154 {
        %add3A_155 = arith.constant 3 : i32
        %add3A_156 = arith.addi %add3A_102, %add3A_155 : i32
        %dma_start3A_157 = arith.constant 0 : i32
        %dma_start3A_158 = tpu.memref_slice %arg6[%add3A_156, %dma_start3A_157] : memref<40x128xi32, #tpu.memory_space<vmem>> -> memref<1x128xi32, #tpu.memory_space<vmem>>
        %dma_start3A_159 = tpu.memref_squeeze %dma_start3A_158 : memref<1x128xi32, #tpu.memory_space<vmem>> -> memref<128xi32, #tpu.memory_space<vmem>>
        %dma_start3A_160 = arith.constant 0 : i32
        %dma_start3A_161 = arith.constant 0 : i32
        %dma_start3A_162 = tpu.memref_slice %arg10[%dma_start3A_160, %dma_start3A_161] : memref<10240x64xf32, #tpu.memory_space<vmem_shared>> -> memref<10240x64xf32, #tpu.memory_space<vmem_shared>>
        tpu.enqueue_indirect_dma source(%dma_start3A_162 : memref<10240x64xf32, #tpu.memory_space<vmem_shared>>) target(%arg9 : memref<128x64xf32, #tpu.memory_space<vmem>>) offsets(%dma_start3A_159 : memref<128xi32, #tpu.memory_space<vmem>>) semaphore(%arg13 : memref<!tpu.dma_semaphore, #tpu.memory_space<semaphore_mem>>)
      } else {
      }
    }
    %scan3A_52 = arith.constant 20 : i32
    %add3A_53 = arith.constant 16 : i32
    %add3A_54 = arith.addi %add3A_53, %arg1 : i32
    "tpu.region"() ({
      %run_scoped3A = tpu.sem_alloc : memref<!tpu.dma_semaphore, #tpu.memory_space<semaphore_mem>>
      %dma_start3A_99 = arith.constant 0 : i32
      %dma_start3A_100 = arith.constant 0 : i32
      %dma_start3A_101 = tpu.memref_slice %arg3[%add3A_54, %dma_start3A_99, %dma_start3A_100] : memref<32x80x128xi32, #tpu.memory_space<hbm>> -> memref<1x80x128xi32, #tpu.memory_space<hbm>>
      %dma_start3A_102 = tpu.memref_squeeze %dma_start3A_101 : memref<1x80x128xi32, #tpu.memory_space<hbm>> -> memref<80x128xi32, #tpu.memory_space<hbm>>
      %dma_start3A_103 = arith.constant 0 : i32
      %dma_start3A_104 = arith.constant 0 : i32
      %dma_start3A_105 = tpu.memref_slice %dma_start3A_102[%dma_start3A_103, %dma_start3A_104] : memref<80x128xi32, #tpu.memory_space<hbm>> -> memref<40x128xi32, #tpu.memory_space<hbm>>
      %dma_start3A_106 = arith.constant 0 : i32
      %dma_start3A_107 = arith.constant 0 : i32
      %dma_start3A_108 = tpu.memref_slice %arg3[%add3A_54, %dma_start3A_106, %dma_start3A_107] : memref<32x80x128xi32, #tpu.memory_space<hbm>> -> memref<1x80x128xi32, #tpu.memory_space<hbm>>
      %dma_start3A_109 = tpu.memref_squeeze %dma_start3A_108 : memref<1x80x128xi32, #tpu.memory_space<hbm>> -> memref<80x128xi32, #tpu.memory_space<hbm>>
      %dma_start3A_110 = arith.constant 0 : i32
      %dma_start3A_111 = arith.constant 0 : i32
      %dma_start3A_112 = tpu.memref_slice %dma_start3A_109[%dma_start3A_110, %dma_start3A_111] : memref<80x128xi32, #tpu.memory_space<hbm>> -> memref<40x128xi32, #tpu.memory_space<hbm>>
      tpu.enqueue_dma source(%dma_start3A_112 : memref<40x128xi32, #tpu.memory_space<hbm>>) target(%arg6 : memref<40x128xi32, #tpu.memory_space<vmem>>) target_semaphore(%run_scoped3A : memref<!tpu.dma_semaphore, #tpu.memory_space<semaphore_mem>>)
      %dma_wait3A = arith.constant 0 : i32
      %dma_wait3A_113 = arith.constant 0 : i32
      %dma_wait3A_114 = tpu.memref_slice %arg3[%add3A_54, %dma_wait3A, %dma_wait3A_113] : memref<32x80x128xi32, #tpu.memory_space<hbm>> -> memref<1x80x128xi32, #tpu.memory_space<hbm>>
      %dma_wait3A_115 = tpu.memref_squeeze %dma_wait3A_114 : memref<1x80x128xi32, #tpu.memory_space<hbm>> -> memref<80x128xi32, #tpu.memory_space<hbm>>
      %dma_wait3A_116 = arith.constant 0 : i32
      %dma_wait3A_117 = arith.constant 0 : i32
      %dma_wait3A_118 = tpu.memref_slice %dma_wait3A_115[%dma_wait3A_116, %dma_wait3A_117] : memref<80x128xi32, #tpu.memory_space<hbm>> -> memref<40x128xi32, #tpu.memory_space<hbm>>
      %dma_wait3A_119 = arith.constant 0 : i32
      %dma_wait3A_120 = arith.constant 0 : i32
      %dma_wait3A_121 = tpu.memref_slice %arg3[%add3A_54, %dma_wait3A_119, %dma_wait3A_120] : memref<32x80x128xi32, #tpu.memory_space<hbm>> -> memref<1x80x128xi32, #tpu.memory_space<hbm>>
      %dma_wait3A_122 = tpu.memref_squeeze %dma_wait3A_121 : memref<1x80x128xi32, #tpu.memory_space<hbm>> -> memref<80x128xi32, #tpu.memory_space<hbm>>
      %dma_wait3A_123 = arith.constant 0 : i32
      %dma_wait3A_124 = arith.constant 0 : i32
      %dma_wait3A_125 = tpu.memref_slice %dma_wait3A_122[%dma_wait3A_123, %dma_wait3A_124] : memref<80x128xi32, #tpu.memory_space<hbm>> -> memref<40x128xi32, #tpu.memory_space<hbm>>
      tpu.wait_dma2 semaphore(%run_scoped3A : memref<!tpu.dma_semaphore, #tpu.memory_space<semaphore_mem>>) src(%dma_wait3A_125 : memref<40x128xi32, #tpu.memory_space<hbm>>) dst(%arg6 : memref<40x128xi32, #tpu.memory_space<vmem>>)
      tpu.yield
    }) : () -> ()
    "tpu.region"() ({
      %run_scoped3A = tpu.sem_alloc : memref<!tpu.dma_semaphore, #tpu.memory_space<semaphore_mem>>
      %dma_start3A_99 = arith.constant 0 : i32
      %dma_start3A_100 = arith.constant 0 : i32
      %dma_start3A_101 = tpu.memref_slice %arg4[%add3A_54, %dma_start3A_99, %dma_start3A_100] : memref<32x80x128xi32, #tpu.memory_space<hbm>> -> memref<1x80x128xi32, #tpu.memory_space<hbm>>
      %dma_start3A_102 = tpu.memref_squeeze %dma_start3A_101 : memref<1x80x128xi32, #tpu.memory_space<hbm>> -> memref<80x128xi32, #tpu.memory_space<hbm>>
      %dma_start3A_103 = arith.constant 0 : i32
      %dma_start3A_104 = arith.constant 0 : i32
      %dma_start3A_105 = tpu.memref_slice %dma_start3A_102[%dma_start3A_103, %dma_start3A_104] : memref<80x128xi32, #tpu.memory_space<hbm>> -> memref<40x128xi32, #tpu.memory_space<hbm>>
      %dma_start3A_106 = arith.constant 0 : i32
      %dma_start3A_107 = arith.constant 0 : i32
      %dma_start3A_108 = tpu.memref_slice %arg4[%add3A_54, %dma_start3A_106, %dma_start3A_107] : memref<32x80x128xi32, #tpu.memory_space<hbm>> -> memref<1x80x128xi32, #tpu.memory_space<hbm>>
      %dma_start3A_109 = tpu.memref_squeeze %dma_start3A_108 : memref<1x80x128xi32, #tpu.memory_space<hbm>> -> memref<80x128xi32, #tpu.memory_space<hbm>>
      %dma_start3A_110 = arith.constant 0 : i32
      %dma_start3A_111 = arith.constant 0 : i32
      %dma_start3A_112 = tpu.memref_slice %dma_start3A_109[%dma_start3A_110, %dma_start3A_111] : memref<80x128xi32, #tpu.memory_space<hbm>> -> memref<40x128xi32, #tpu.memory_space<hbm>>
      tpu.enqueue_dma source(%dma_start3A_112 : memref<40x128xi32, #tpu.memory_space<hbm>>) target(%arg7 : memref<40x128xi32, #tpu.memory_space<vmem>>) target_semaphore(%run_scoped3A : memref<!tpu.dma_semaphore, #tpu.memory_space<semaphore_mem>>)
      %dma_wait3A = arith.constant 0 : i32
      %dma_wait3A_113 = arith.constant 0 : i32
      %dma_wait3A_114 = tpu.memref_slice %arg4[%add3A_54, %dma_wait3A, %dma_wait3A_113] : memref<32x80x128xi32, #tpu.memory_space<hbm>> -> memref<1x80x128xi32, #tpu.memory_space<hbm>>
      %dma_wait3A_115 = tpu.memref_squeeze %dma_wait3A_114 : memref<1x80x128xi32, #tpu.memory_space<hbm>> -> memref<80x128xi32, #tpu.memory_space<hbm>>
      %dma_wait3A_116 = arith.constant 0 : i32
      %dma_wait3A_117 = arith.constant 0 : i32
      %dma_wait3A_118 = tpu.memref_slice %dma_wait3A_115[%dma_wait3A_116, %dma_wait3A_117] : memref<80x128xi32, #tpu.memory_space<hbm>> -> memref<40x128xi32, #tpu.memory_space<hbm>>
      %dma_wait3A_119 = arith.constant 0 : i32
      %dma_wait3A_120 = arith.constant 0 : i32
      %dma_wait3A_121 = tpu.memref_slice %arg4[%add3A_54, %dma_wait3A_119, %dma_wait3A_120] : memref<32x80x128xi32, #tpu.memory_space<hbm>> -> memref<1x80x128xi32, #tpu.memory_space<hbm>>
      %dma_wait3A_122 = tpu.memref_squeeze %dma_wait3A_121 : memref<1x80x128xi32, #tpu.memory_space<hbm>> -> memref<80x128xi32, #tpu.memory_space<hbm>>
      %dma_wait3A_123 = arith.constant 0 : i32
      %dma_wait3A_124 = arith.constant 0 : i32
      %dma_wait3A_125 = tpu.memref_slice %dma_wait3A_122[%dma_wait3A_123, %dma_wait3A_124] : memref<80x128xi32, #tpu.memory_space<hbm>> -> memref<40x128xi32, #tpu.memory_space<hbm>>
      tpu.wait_dma2 semaphore(%run_scoped3A : memref<!tpu.dma_semaphore, #tpu.memory_space<semaphore_mem>>) src(%dma_wait3A_125 : memref<40x128xi32, #tpu.memory_space<hbm>>) dst(%arg7 : memref<40x128xi32, #tpu.memory_space<vmem>>)
      tpu.yield
    }) : () -> ()
    %dma_start3A_55 = arith.constant 0 : i32
    %dma_start3A_56 = arith.constant 0 : i32
    %dma_start3A_57 = tpu.memref_slice %arg6[%dma_start3A_55, %dma_start3A_56] : memref<40x128xi32, #tpu.memory_space<vmem>> -> memref<1x128xi32, #tpu.memory_space<vmem>>
    %dma_start3A_58 = tpu.memref_squeeze %dma_start3A_57 : memref<1x128xi32, #tpu.memory_space<vmem>> -> memref<128xi32, #tpu.memory_space<vmem>>
    %dma_start3A_59 = arith.constant 0 : i32
    %dma_start3A_60 = arith.constant 0 : i32
    %dma_start3A_61 = tpu.memref_slice %arg10[%dma_start3A_59, %dma_start3A_60] : memref<10240x64xf32, #tpu.memory_space<vmem_shared>> -> memref<10240x64xf32, #tpu.memory_space<vmem_shared>>
    tpu.enqueue_indirect_dma source(%dma_start3A_61 : memref<10240x64xf32, #tpu.memory_space<vmem_shared>>) target(%arg8 : memref<128x64xf32, #tpu.memory_space<vmem>>) offsets(%dma_start3A_58 : memref<128xi32, #tpu.memory_space<vmem>>) semaphore(%arg12 : memref<!tpu.dma_semaphore, #tpu.memory_space<semaphore_mem>>)
    %dma_start3A_62 = arith.constant 1 : i32
    %dma_start3A_63 = arith.constant 0 : i32
    %dma_start3A_64 = tpu.memref_slice %arg6[%dma_start3A_62, %dma_start3A_63] : memref<40x128xi32, #tpu.memory_space<vmem>> -> memref<1x128xi32, #tpu.memory_space<vmem>>
    %dma_start3A_65 = tpu.memref_squeeze %dma_start3A_64 : memref<1x128xi32, #tpu.memory_space<vmem>> -> memref<128xi32, #tpu.memory_space<vmem>>
    %dma_start3A_66 = arith.constant 0 : i32
    %dma_start3A_67 = arith.constant 0 : i32
    %dma_start3A_68 = tpu.memref_slice %arg10[%dma_start3A_66, %dma_start3A_67] : memref<10240x64xf32, #tpu.memory_space<vmem_shared>> -> memref<10240x64xf32, #tpu.memory_space<vmem_shared>>
    tpu.enqueue_indirect_dma source(%dma_start3A_68 : memref<10240x64xf32, #tpu.memory_space<vmem_shared>>) target(%arg9 : memref<128x64xf32, #tpu.memory_space<vmem>>) offsets(%dma_start3A_65 : memref<128xi32, #tpu.memory_space<vmem>>) semaphore(%arg13 : memref<!tpu.dma_semaphore, #tpu.memory_space<semaphore_mem>>)
    %scan3A_69 = arith.constant 0 : i32
    %scan3A_70 = arith.constant 20 : i32
    %scan3A_71 = arith.addi %scan3A_69, %scan3A_70 : i32
    %scan3A_72 = arith.constant 1 : i32
    scf.for %scan3A_99 = %scan3A_69 to %scan3A_71 step %scan3A_72  : i32 {
      %mul3A = arith.constant 2 : i32
      %mul3A_100 = arith.muli %scan3A_99, %mul3A : i32
      %add3A_101 = arith.constant 0 : i32
      %add3A_102 = arith.addi %add3A_101, %mul3A_100 : i32
      %dma_wait3A = arith.constant 0 : i32
      %dma_wait3A_103 = tpu.memref_slice %arg6[%add3A_102, %dma_wait3A] : memref<40x128xi32, #tpu.memory_space<vmem>> -> memref<1x128xi32, #tpu.memory_space<vmem>>
      %dma_wait3A_104 = tpu.memref_squeeze %dma_wait3A_103 : memref<1x128xi32, #tpu.memory_space<vmem>> -> memref<128xi32, #tpu.memory_space<vmem>>
      %dma_wait3A_105 = arith.constant 0 : i32
      %dma_wait3A_106 = arith.constant 0 : i32
      %dma_wait3A_107 = tpu.memref_slice %arg10[%dma_wait3A_105, %dma_wait3A_106] : memref<10240x64xf32, #tpu.memory_space<vmem_shared>> -> memref<10240x64xf32, #tpu.memory_space<vmem_shared>>
      tpu.wait_indirect_dma semaphore(%arg12 : memref<!tpu.dma_semaphore, #tpu.memory_space<semaphore_mem>>) src(%dma_wait3A_107 : memref<10240x64xf32, #tpu.memory_space<vmem_shared>>) dst(%arg8 : memref<128x64xf32, #tpu.memory_space<vmem>>)
      %dma_start3A_108 = arith.constant 0 : i32
      %dma_start3A_109 = tpu.memref_slice %arg7[%add3A_102, %dma_start3A_108] : memref<40x128xi32, #tpu.memory_space<vmem>> -> memref<1x128xi32, #tpu.memory_space<vmem>>
      %dma_start3A_110 = tpu.memref_squeeze %dma_start3A_109 : memref<1x128xi32, #tpu.memory_space<vmem>> -> memref<128xi32, #tpu.memory_space<vmem>>
      %dma_start3A_111 = arith.constant 0 : i32
      %dma_start3A_112 = arith.constant 0 : i32
      %dma_start3A_113 = tpu.memref_slice %arg11[%dma_start3A_111, %dma_start3A_112] : memref<10240x64xf32, #tpu.memory_space<vmem_shared>> -> memref<10240x64xf32, #tpu.memory_space<vmem_shared>>
      tpu.enqueue_indirect_dma source(%arg8 : memref<128x64xf32, #tpu.memory_space<vmem>>) target(%dma_start3A_113 : memref<10240x64xf32, #tpu.memory_space<vmem_shared>>) offsets(%dma_start3A_110 : memref<128xi32, #tpu.memory_space<vmem>>) semaphore(%arg14 : memref<!tpu.dma_semaphore, #tpu.memory_space<semaphore_mem>>) {add = true}
      %add3A_114 = arith.constant 1 : i32
      %add3A_115 = arith.addi %add3A_102, %add3A_114 : i32
      %dma_wait3A_116 = arith.constant 0 : i32
      %dma_wait3A_117 = tpu.memref_slice %arg6[%add3A_115, %dma_wait3A_116] : memref<40x128xi32, #tpu.memory_space<vmem>> -> memref<1x128xi32, #tpu.memory_space<vmem>>
      %dma_wait3A_118 = tpu.memref_squeeze %dma_wait3A_117 : memref<1x128xi32, #tpu.memory_space<vmem>> -> memref<128xi32, #tpu.memory_space<vmem>>
      %dma_wait3A_119 = arith.constant 0 : i32
      %dma_wait3A_120 = arith.constant 0 : i32
      %dma_wait3A_121 = tpu.memref_slice %arg10[%dma_wait3A_119, %dma_wait3A_120] : memref<10240x64xf32, #tpu.memory_space<vmem_shared>> -> memref<10240x64xf32, #tpu.memory_space<vmem_shared>>
      tpu.wait_indirect_dma semaphore(%arg13 : memref<!tpu.dma_semaphore, #tpu.memory_space<semaphore_mem>>) src(%dma_wait3A_121 : memref<10240x64xf32, #tpu.memory_space<vmem_shared>>) dst(%arg9 : memref<128x64xf32, #tpu.memory_space<vmem>>)
      %add3A_122 = arith.constant 1 : i32
      %add3A_123 = arith.addi %add3A_102, %add3A_122 : i32
      %dma_start3A_124 = arith.constant 0 : i32
      %dma_start3A_125 = tpu.memref_slice %arg7[%add3A_123, %dma_start3A_124] : memref<40x128xi32, #tpu.memory_space<vmem>> -> memref<1x128xi32, #tpu.memory_space<vmem>>
      %dma_start3A_126 = tpu.memref_squeeze %dma_start3A_125 : memref<1x128xi32, #tpu.memory_space<vmem>> -> memref<128xi32, #tpu.memory_space<vmem>>
      %dma_start3A_127 = arith.constant 0 : i32
      %dma_start3A_128 = arith.constant 0 : i32
      %dma_start3A_129 = tpu.memref_slice %arg11[%dma_start3A_127, %dma_start3A_128] : memref<10240x64xf32, #tpu.memory_space<vmem_shared>> -> memref<10240x64xf32, #tpu.memory_space<vmem_shared>>
      tpu.enqueue_indirect_dma source(%arg9 : memref<128x64xf32, #tpu.memory_space<vmem>>) target(%dma_start3A_129 : memref<10240x64xf32, #tpu.memory_space<vmem_shared>>) offsets(%dma_start3A_126 : memref<128xi32, #tpu.memory_space<vmem>>) semaphore(%arg15 : memref<!tpu.dma_semaphore, #tpu.memory_space<semaphore_mem>>) {add = true}
      %dma_wait3A_130 = arith.constant 0 : i32
      %dma_wait3A_131 = tpu.memref_slice %arg7[%add3A_102, %dma_wait3A_130] : memref<40x128xi32, #tpu.memory_space<vmem>> -> memref<1x128xi32, #tpu.memory_space<vmem>>
      %dma_wait3A_132 = tpu.memref_squeeze %dma_wait3A_131 : memref<1x128xi32, #tpu.memory_space<vmem>> -> memref<128xi32, #tpu.memory_space<vmem>>
      %dma_wait3A_133 = arith.constant 0 : i32
      %dma_wait3A_134 = arith.constant 0 : i32
      %dma_wait3A_135 = tpu.memref_slice %arg11[%dma_wait3A_133, %dma_wait3A_134] : memref<10240x64xf32, #tpu.memory_space<vmem_shared>> -> memref<10240x64xf32, #tpu.memory_space<vmem_shared>>
      tpu.wait_indirect_dma semaphore(%arg14 : memref<!tpu.dma_semaphore, #tpu.memory_space<semaphore_mem>>) src(%arg8 : memref<128x64xf32, #tpu.memory_space<vmem>>) dst(%dma_wait3A_135 : memref<10240x64xf32, #tpu.memory_space<vmem_shared>>)
      %add3A_136 = arith.constant 2 : i32
      %add3A_137 = arith.addi %add3A_102, %add3A_136 : i32
      %lt3A = arith.constant 40 : i32
      %lt3A_138 = arith.cmpi slt, %add3A_137, %lt3A : i32
      %convert_element_type3A = arith.extui %lt3A_138 : i1 to i32
      %cond3A = arith.constant 0 : i32
      %cond3A_139 = arith.cmpi ne, %convert_element_type3A, %cond3A : i32
      scf.if %cond3A_139 {
        %add3A_155 = arith.constant 2 : i32
        %add3A_156 = arith.addi %add3A_102, %add3A_155 : i32
        %dma_start3A_157 = arith.constant 0 : i32
        %dma_start3A_158 = tpu.memref_slice %arg6[%add3A_156, %dma_start3A_157] : memref<40x128xi32, #tpu.memory_space<vmem>> -> memref<1x128xi32, #tpu.memory_space<vmem>>
        %dma_start3A_159 = tpu.memref_squeeze %dma_start3A_158 : memref<1x128xi32, #tpu.memory_space<vmem>> -> memref<128xi32, #tpu.memory_space<vmem>>
        %dma_start3A_160 = arith.constant 0 : i32
        %dma_start3A_161 = arith.constant 0 : i32
        %dma_start3A_162 = tpu.memref_slice %arg10[%dma_start3A_160, %dma_start3A_161] : memref<10240x64xf32, #tpu.memory_space<vmem_shared>> -> memref<10240x64xf32, #tpu.memory_space<vmem_shared>>
        tpu.enqueue_indirect_dma source(%dma_start3A_162 : memref<10240x64xf32, #tpu.memory_space<vmem_shared>>) target(%arg8 : memref<128x64xf32, #tpu.memory_space<vmem>>) offsets(%dma_start3A_159 : memref<128xi32, #tpu.memory_space<vmem>>) semaphore(%arg12 : memref<!tpu.dma_semaphore, #tpu.memory_space<semaphore_mem>>)
      } else {
      }
      %add3A_140 = arith.constant 1 : i32
      %add3A_141 = arith.addi %add3A_102, %add3A_140 : i32
      %dma_wait3A_142 = arith.constant 0 : i32
      %dma_wait3A_143 = tpu.memref_slice %arg7[%add3A_141, %dma_wait3A_142] : memref<40x128xi32, #tpu.memory_space<vmem>> -> memref<1x128xi32, #tpu.memory_space<vmem>>
      %dma_wait3A_144 = tpu.memref_squeeze %dma_wait3A_143 : memref<1x128xi32, #tpu.memory_space<vmem>> -> memref<128xi32, #tpu.memory_space<vmem>>
      %dma_wait3A_145 = arith.constant 0 : i32
      %dma_wait3A_146 = arith.constant 0 : i32
      %dma_wait3A_147 = tpu.memref_slice %arg11[%dma_wait3A_145, %dma_wait3A_146] : memref<10240x64xf32, #tpu.memory_space<vmem_shared>> -> memref<10240x64xf32, #tpu.memory_space<vmem_shared>>
      tpu.wait_indirect_dma semaphore(%arg15 : memref<!tpu.dma_semaphore, #tpu.memory_space<semaphore_mem>>) src(%arg9 : memref<128x64xf32, #tpu.memory_space<vmem>>) dst(%dma_wait3A_147 : memref<10240x64xf32, #tpu.memory_space<vmem_shared>>)
      %add3A_148 = arith.constant 3 : i32
      %add3A_149 = arith.addi %add3A_102, %add3A_148 : i32
      %lt3A_150 = arith.constant 40 : i32
      %lt3A_151 = arith.cmpi slt, %add3A_149, %lt3A_150 : i32
      %convert_element_type3A_152 = arith.extui %lt3A_151 : i1 to i32
      %cond3A_153 = arith.constant 0 : i32
      %cond3A_154 = arith.cmpi ne, %convert_element_type3A_152, %cond3A_153 : i32
      scf.if %cond3A_154 {
        %add3A_155 = arith.constant 3 : i32
        %add3A_156 = arith.addi %add3A_102, %add3A_155 : i32
        %dma_start3A_157 = arith.constant 0 : i32
        %dma_start3A_158 = tpu.memref_slice %arg6[%add3A_156, %dma_start3A_157] : memref<40x128xi32, #tpu.memory_space<vmem>> -> memref<1x128xi32, #tpu.memory_space<vmem>>
        %dma_start3A_159 = tpu.memref_squeeze %dma_start3A_158 : memref<1x128xi32, #tpu.memory_space<vmem>> -> memref<128xi32, #tpu.memory_space<vmem>>
        %dma_start3A_160 = arith.constant 0 : i32
        %dma_start3A_161 = arith.constant 0 : i32
        %dma_start3A_162 = tpu.memref_slice %arg10[%dma_start3A_160, %dma_start3A_161] : memref<10240x64xf32, #tpu.memory_space<vmem_shared>> -> memref<10240x64xf32, #tpu.memory_space<vmem_shared>>
        tpu.enqueue_indirect_dma source(%dma_start3A_162 : memref<10240x64xf32, #tpu.memory_space<vmem_shared>>) target(%arg9 : memref<128x64xf32, #tpu.memory_space<vmem>>) offsets(%dma_start3A_159 : memref<128xi32, #tpu.memory_space<vmem>>) semaphore(%arg13 : memref<!tpu.dma_semaphore, #tpu.memory_space<semaphore_mem>>)
      } else {
      }
    }
    %scan3A_73 = arith.constant 20 : i32
    "tpu.region"() ({
      %run_scoped3A = tpu.sem_alloc : memref<!tpu.dma_semaphore, #tpu.memory_space<semaphore_mem>>
      %dma_start3A_99 = arith.constant 0 : i32
      %dma_start3A_100 = arith.constant 0 : i32
      %dma_start3A_101 = tpu.memref_slice %arg3[%add3A_54, %dma_start3A_99, %dma_start3A_100] : memref<32x80x128xi32, #tpu.memory_space<hbm>> -> memref<1x80x128xi32, #tpu.memory_space<hbm>>
      %dma_start3A_102 = tpu.memref_squeeze %dma_start3A_101 : memref<1x80x128xi32, #tpu.memory_space<hbm>> -> memref<80x128xi32, #tpu.memory_space<hbm>>
      %dma_start3A_103 = arith.constant 40 : i32
      %dma_start3A_104 = arith.constant 0 : i32
      %dma_start3A_105 = tpu.memref_slice %dma_start3A_102[%dma_start3A_103, %dma_start3A_104] : memref<80x128xi32, #tpu.memory_space<hbm>> -> memref<40x128xi32, #tpu.memory_space<hbm>>
      %dma_start3A_106 = arith.constant 0 : i32
      %dma_start3A_107 = arith.constant 0 : i32
      %dma_start3A_108 = tpu.memref_slice %arg3[%add3A_54, %dma_start3A_106, %dma_start3A_107] : memref<32x80x128xi32, #tpu.memory_space<hbm>> -> memref<1x80x128xi32, #tpu.memory_space<hbm>>
      %dma_start3A_109 = tpu.memref_squeeze %dma_start3A_108 : memref<1x80x128xi32, #tpu.memory_space<hbm>> -> memref<80x128xi32, #tpu.memory_space<hbm>>
      %dma_start3A_110 = arith.constant 40 : i32
      %dma_start3A_111 = arith.constant 0 : i32
      %dma_start3A_112 = tpu.memref_slice %dma_start3A_109[%dma_start3A_110, %dma_start3A_111] : memref<80x128xi32, #tpu.memory_space<hbm>> -> memref<40x128xi32, #tpu.memory_space<hbm>>
      tpu.enqueue_dma source(%dma_start3A_112 : memref<40x128xi32, #tpu.memory_space<hbm>>) target(%arg6 : memref<40x128xi32, #tpu.memory_space<vmem>>) target_semaphore(%run_scoped3A : memref<!tpu.dma_semaphore, #tpu.memory_space<semaphore_mem>>)
      %dma_wait3A = arith.constant 0 : i32
      %dma_wait3A_113 = arith.constant 0 : i32
      %dma_wait3A_114 = tpu.memref_slice %arg3[%add3A_54, %dma_wait3A, %dma_wait3A_113] : memref<32x80x128xi32, #tpu.memory_space<hbm>> -> memref<1x80x128xi32, #tpu.memory_space<hbm>>
      %dma_wait3A_115 = tpu.memref_squeeze %dma_wait3A_114 : memref<1x80x128xi32, #tpu.memory_space<hbm>> -> memref<80x128xi32, #tpu.memory_space<hbm>>
      %dma_wait3A_116 = arith.constant 40 : i32
      %dma_wait3A_117 = arith.constant 0 : i32
      %dma_wait3A_118 = tpu.memref_slice %dma_wait3A_115[%dma_wait3A_116, %dma_wait3A_117] : memref<80x128xi32, #tpu.memory_space<hbm>> -> memref<40x128xi32, #tpu.memory_space<hbm>>
      %dma_wait3A_119 = arith.constant 0 : i32
      %dma_wait3A_120 = arith.constant 0 : i32
      %dma_wait3A_121 = tpu.memref_slice %arg3[%add3A_54, %dma_wait3A_119, %dma_wait3A_120] : memref<32x80x128xi32, #tpu.memory_space<hbm>> -> memref<1x80x128xi32, #tpu.memory_space<hbm>>
      %dma_wait3A_122 = tpu.memref_squeeze %dma_wait3A_121 : memref<1x80x128xi32, #tpu.memory_space<hbm>> -> memref<80x128xi32, #tpu.memory_space<hbm>>
      %dma_wait3A_123 = arith.constant 40 : i32
      %dma_wait3A_124 = arith.constant 0 : i32
      %dma_wait3A_125 = tpu.memref_slice %dma_wait3A_122[%dma_wait3A_123, %dma_wait3A_124] : memref<80x128xi32, #tpu.memory_space<hbm>> -> memref<40x128xi32, #tpu.memory_space<hbm>>
      tpu.wait_dma2 semaphore(%run_scoped3A : memref<!tpu.dma_semaphore, #tpu.memory_space<semaphore_mem>>) src(%dma_wait3A_125 : memref<40x128xi32, #tpu.memory_space<hbm>>) dst(%arg6 : memref<40x128xi32, #tpu.memory_space<vmem>>)
      tpu.yield
    }) : () -> ()
    "tpu.region"() ({
      %run_scoped3A = tpu.sem_alloc : memref<!tpu.dma_semaphore, #tpu.memory_space<semaphore_mem>>
      %dma_start3A_99 = arith.constant 0 : i32
      %dma_start3A_100 = arith.constant 0 : i32
      %dma_start3A_101 = tpu.memref_slice %arg4[%add3A_54, %dma_start3A_99, %dma_start3A_100] : memref<32x80x128xi32, #tpu.memory_space<hbm>> -> memref<1x80x128xi32, #tpu.memory_space<hbm>>
      %dma_start3A_102 = tpu.memref_squeeze %dma_start3A_101 : memref<1x80x128xi32, #tpu.memory_space<hbm>> -> memref<80x128xi32, #tpu.memory_space<hbm>>
      %dma_start3A_103 = arith.constant 40 : i32
      %dma_start3A_104 = arith.constant 0 : i32
      %dma_start3A_105 = tpu.memref_slice %dma_start3A_102[%dma_start3A_103, %dma_start3A_104] : memref<80x128xi32, #tpu.memory_space<hbm>> -> memref<40x128xi32, #tpu.memory_space<hbm>>
      %dma_start3A_106 = arith.constant 0 : i32
      %dma_start3A_107 = arith.constant 0 : i32
      %dma_start3A_108 = tpu.memref_slice %arg4[%add3A_54, %dma_start3A_106, %dma_start3A_107] : memref<32x80x128xi32, #tpu.memory_space<hbm>> -> memref<1x80x128xi32, #tpu.memory_space<hbm>>
      %dma_start3A_109 = tpu.memref_squeeze %dma_start3A_108 : memref<1x80x128xi32, #tpu.memory_space<hbm>> -> memref<80x128xi32, #tpu.memory_space<hbm>>
      %dma_start3A_110 = arith.constant 40 : i32
      %dma_start3A_111 = arith.constant 0 : i32
      %dma_start3A_112 = tpu.memref_slice %dma_start3A_109[%dma_start3A_110, %dma_start3A_111] : memref<80x128xi32, #tpu.memory_space<hbm>> -> memref<40x128xi32, #tpu.memory_space<hbm>>
      tpu.enqueue_dma source(%dma_start3A_112 : memref<40x128xi32, #tpu.memory_space<hbm>>) target(%arg7 : memref<40x128xi32, #tpu.memory_space<vmem>>) target_semaphore(%run_scoped3A : memref<!tpu.dma_semaphore, #tpu.memory_space<semaphore_mem>>)
      %dma_wait3A = arith.constant 0 : i32
      %dma_wait3A_113 = arith.constant 0 : i32
      %dma_wait3A_114 = tpu.memref_slice %arg4[%add3A_54, %dma_wait3A, %dma_wait3A_113] : memref<32x80x128xi32, #tpu.memory_space<hbm>> -> memref<1x80x128xi32, #tpu.memory_space<hbm>>
      %dma_wait3A_115 = tpu.memref_squeeze %dma_wait3A_114 : memref<1x80x128xi32, #tpu.memory_space<hbm>> -> memref<80x128xi32, #tpu.memory_space<hbm>>
      %dma_wait3A_116 = arith.constant 40 : i32
      %dma_wait3A_117 = arith.constant 0 : i32
      %dma_wait3A_118 = tpu.memref_slice %dma_wait3A_115[%dma_wait3A_116, %dma_wait3A_117] : memref<80x128xi32, #tpu.memory_space<hbm>> -> memref<40x128xi32, #tpu.memory_space<hbm>>
      %dma_wait3A_119 = arith.constant 0 : i32
      %dma_wait3A_120 = arith.constant 0 : i32
      %dma_wait3A_121 = tpu.memref_slice %arg4[%add3A_54, %dma_wait3A_119, %dma_wait3A_120] : memref<32x80x128xi32, #tpu.memory_space<hbm>> -> memref<1x80x128xi32, #tpu.memory_space<hbm>>
      %dma_wait3A_122 = tpu.memref_squeeze %dma_wait3A_121 : memref<1x80x128xi32, #tpu.memory_space<hbm>> -> memref<80x128xi32, #tpu.memory_space<hbm>>
      %dma_wait3A_123 = arith.constant 40 : i32
      %dma_wait3A_124 = arith.constant 0 : i32
      %dma_wait3A_125 = tpu.memref_slice %dma_wait3A_122[%dma_wait3A_123, %dma_wait3A_124] : memref<80x128xi32, #tpu.memory_space<hbm>> -> memref<40x128xi32, #tpu.memory_space<hbm>>
      tpu.wait_dma2 semaphore(%run_scoped3A : memref<!tpu.dma_semaphore, #tpu.memory_space<semaphore_mem>>) src(%dma_wait3A_125 : memref<40x128xi32, #tpu.memory_space<hbm>>) dst(%arg7 : memref<40x128xi32, #tpu.memory_space<vmem>>)
      tpu.yield
    }) : () -> ()
    %dma_start3A_74 = arith.constant 0 : i32
    %dma_start3A_75 = arith.constant 0 : i32
    %dma_start3A_76 = tpu.memref_slice %arg6[%dma_start3A_74, %dma_start3A_75] : memref<40x128xi32, #tpu.memory_space<vmem>> -> memref<1x128xi32, #tpu.memory_space<vmem>>
    %dma_start3A_77 = tpu.memref_squeeze %dma_start3A_76 : memref<1x128xi32, #tpu.memory_space<vmem>> -> memref<128xi32, #tpu.memory_space<vmem>>
    %dma_start3A_78 = arith.constant 0 : i32
    %dma_start3A_79 = arith.constant 0 : i32
    %dma_start3A_80 = tpu.memref_slice %arg10[%dma_start3A_78, %dma_start3A_79] : memref<10240x64xf32, #tpu.memory_space<vmem_shared>> -> memref<10240x64xf32, #tpu.memory_space<vmem_shared>>
    tpu.enqueue_indirect_dma source(%dma_start3A_80 : memref<10240x64xf32, #tpu.memory_space<vmem_shared>>) target(%arg8 : memref<128x64xf32, #tpu.memory_space<vmem>>) offsets(%dma_start3A_77 : memref<128xi32, #tpu.memory_space<vmem>>) semaphore(%arg12 : memref<!tpu.dma_semaphore, #tpu.memory_space<semaphore_mem>>)
    %dma_start3A_81 = arith.constant 1 : i32
    %dma_start3A_82 = arith.constant 0 : i32
    %dma_start3A_83 = tpu.memref_slice %arg6[%dma_start3A_81, %dma_start3A_82] : memref<40x128xi32, #tpu.memory_space<vmem>> -> memref<1x128xi32, #tpu.memory_space<vmem>>
    %dma_start3A_84 = tpu.memref_squeeze %dma_start3A_83 : memref<1x128xi32, #tpu.memory_space<vmem>> -> memref<128xi32, #tpu.memory_space<vmem>>
    %dma_start3A_85 = arith.constant 0 : i32
    %dma_start3A_86 = arith.constant 0 : i32
    %dma_start3A_87 = tpu.memref_slice %arg10[%dma_start3A_85, %dma_start3A_86] : memref<10240x64xf32, #tpu.memory_space<vmem_shared>> -> memref<10240x64xf32, #tpu.memory_space<vmem_shared>>
    tpu.enqueue_indirect_dma source(%dma_start3A_87 : memref<10240x64xf32, #tpu.memory_space<vmem_shared>>) target(%arg9 : memref<128x64xf32, #tpu.memory_space<vmem>>) offsets(%dma_start3A_84 : memref<128xi32, #tpu.memory_space<vmem>>) semaphore(%arg13 : memref<!tpu.dma_semaphore, #tpu.memory_space<semaphore_mem>>)
    %scan3A_88 = arith.constant 0 : i32
    %scan3A_89 = arith.constant 20 : i32
    %scan3A_90 = arith.addi %scan3A_88, %scan3A_89 : i32
    %scan3A_91 = arith.constant 1 : i32
    scf.for %scan3A_99 = %scan3A_88 to %scan3A_90 step %scan3A_91  : i32 {
      %mul3A = arith.constant 2 : i32
      %mul3A_100 = arith.muli %scan3A_99, %mul3A : i32
      %add3A_101 = arith.constant 0 : i32
      %add3A_102 = arith.addi %add3A_101, %mul3A_100 : i32
      %dma_wait3A = arith.constant 0 : i32
      %dma_wait3A_103 = tpu.memref_slice %arg6[%add3A_102, %dma_wait3A] : memref<40x128xi32, #tpu.memory_space<vmem>> -> memref<1x128xi32, #tpu.memory_space<vmem>>
      %dma_wait3A_104 = tpu.memref_squeeze %dma_wait3A_103 : memref<1x128xi32, #tpu.memory_space<vmem>> -> memref<128xi32, #tpu.memory_space<vmem>>
      %dma_wait3A_105 = arith.constant 0 : i32
      %dma_wait3A_106 = arith.constant 0 : i32
      %dma_wait3A_107 = tpu.memref_slice %arg10[%dma_wait3A_105, %dma_wait3A_106] : memref<10240x64xf32, #tpu.memory_space<vmem_shared>> -> memref<10240x64xf32, #tpu.memory_space<vmem_shared>>
      tpu.wait_indirect_dma semaphore(%arg12 : memref<!tpu.dma_semaphore, #tpu.memory_space<semaphore_mem>>) src(%dma_wait3A_107 : memref<10240x64xf32, #tpu.memory_space<vmem_shared>>) dst(%arg8 : memref<128x64xf32, #tpu.memory_space<vmem>>)
      %dma_start3A_108 = arith.constant 0 : i32
      %dma_start3A_109 = tpu.memref_slice %arg7[%add3A_102, %dma_start3A_108] : memref<40x128xi32, #tpu.memory_space<vmem>> -> memref<1x128xi32, #tpu.memory_space<vmem>>
      %dma_start3A_110 = tpu.memref_squeeze %dma_start3A_109 : memref<1x128xi32, #tpu.memory_space<vmem>> -> memref<128xi32, #tpu.memory_space<vmem>>
      %dma_start3A_111 = arith.constant 0 : i32
      %dma_start3A_112 = arith.constant 0 : i32
      %dma_start3A_113 = tpu.memref_slice %arg11[%dma_start3A_111, %dma_start3A_112] : memref<10240x64xf32, #tpu.memory_space<vmem_shared>> -> memref<10240x64xf32, #tpu.memory_space<vmem_shared>>
      tpu.enqueue_indirect_dma source(%arg8 : memref<128x64xf32, #tpu.memory_space<vmem>>) target(%dma_start3A_113 : memref<10240x64xf32, #tpu.memory_space<vmem_shared>>) offsets(%dma_start3A_110 : memref<128xi32, #tpu.memory_space<vmem>>) semaphore(%arg14 : memref<!tpu.dma_semaphore, #tpu.memory_space<semaphore_mem>>) {add = true}
      %add3A_114 = arith.constant 1 : i32
      %add3A_115 = arith.addi %add3A_102, %add3A_114 : i32
      %dma_wait3A_116 = arith.constant 0 : i32
      %dma_wait3A_117 = tpu.memref_slice %arg6[%add3A_115, %dma_wait3A_116] : memref<40x128xi32, #tpu.memory_space<vmem>> -> memref<1x128xi32, #tpu.memory_space<vmem>>
      %dma_wait3A_118 = tpu.memref_squeeze %dma_wait3A_117 : memref<1x128xi32, #tpu.memory_space<vmem>> -> memref<128xi32, #tpu.memory_space<vmem>>
      %dma_wait3A_119 = arith.constant 0 : i32
      %dma_wait3A_120 = arith.constant 0 : i32
      %dma_wait3A_121 = tpu.memref_slice %arg10[%dma_wait3A_119, %dma_wait3A_120] : memref<10240x64xf32, #tpu.memory_space<vmem_shared>> -> memref<10240x64xf32, #tpu.memory_space<vmem_shared>>
      tpu.wait_indirect_dma semaphore(%arg13 : memref<!tpu.dma_semaphore, #tpu.memory_space<semaphore_mem>>) src(%dma_wait3A_121 : memref<10240x64xf32, #tpu.memory_space<vmem_shared>>) dst(%arg9 : memref<128x64xf32, #tpu.memory_space<vmem>>)
      %add3A_122 = arith.constant 1 : i32
      %add3A_123 = arith.addi %add3A_102, %add3A_122 : i32
      %dma_start3A_124 = arith.constant 0 : i32
      %dma_start3A_125 = tpu.memref_slice %arg7[%add3A_123, %dma_start3A_124] : memref<40x128xi32, #tpu.memory_space<vmem>> -> memref<1x128xi32, #tpu.memory_space<vmem>>
      %dma_start3A_126 = tpu.memref_squeeze %dma_start3A_125 : memref<1x128xi32, #tpu.memory_space<vmem>> -> memref<128xi32, #tpu.memory_space<vmem>>
      %dma_start3A_127 = arith.constant 0 : i32
      %dma_start3A_128 = arith.constant 0 : i32
      %dma_start3A_129 = tpu.memref_slice %arg11[%dma_start3A_127, %dma_start3A_128] : memref<10240x64xf32, #tpu.memory_space<vmem_shared>> -> memref<10240x64xf32, #tpu.memory_space<vmem_shared>>
      tpu.enqueue_indirect_dma source(%arg9 : memref<128x64xf32, #tpu.memory_space<vmem>>) target(%dma_start3A_129 : memref<10240x64xf32, #tpu.memory_space<vmem_shared>>) offsets(%dma_start3A_126 : memref<128xi32, #tpu.memory_space<vmem>>) semaphore(%arg15 : memref<!tpu.dma_semaphore, #tpu.memory_space<semaphore_mem>>) {add = true}
      %dma_wait3A_130 = arith.constant 0 : i32
      %dma_wait3A_131 = tpu.memref_slice %arg7[%add3A_102, %dma_wait3A_130] : memref<40x128xi32, #tpu.memory_space<vmem>> -> memref<1x128xi32, #tpu.memory_space<vmem>>
      %dma_wait3A_132 = tpu.memref_squeeze %dma_wait3A_131 : memref<1x128xi32, #tpu.memory_space<vmem>> -> memref<128xi32, #tpu.memory_space<vmem>>
      %dma_wait3A_133 = arith.constant 0 : i32
      %dma_wait3A_134 = arith.constant 0 : i32
      %dma_wait3A_135 = tpu.memref_slice %arg11[%dma_wait3A_133, %dma_wait3A_134] : memref<10240x64xf32, #tpu.memory_space<vmem_shared>> -> memref<10240x64xf32, #tpu.memory_space<vmem_shared>>
      tpu.wait_indirect_dma semaphore(%arg14 : memref<!tpu.dma_semaphore, #tpu.memory_space<semaphore_mem>>) src(%arg8 : memref<128x64xf32, #tpu.memory_space<vmem>>) dst(%dma_wait3A_135 : memref<10240x64xf32, #tpu.memory_space<vmem_shared>>)
      %add3A_136 = arith.constant 2 : i32
      %add3A_137 = arith.addi %add3A_102, %add3A_136 : i32
      %lt3A = arith.constant 40 : i32
      %lt3A_138 = arith.cmpi slt, %add3A_137, %lt3A : i32
      %convert_element_type3A = arith.extui %lt3A_138 : i1 to i32
      %cond3A = arith.constant 0 : i32
      %cond3A_139 = arith.cmpi ne, %convert_element_type3A, %cond3A : i32
      scf.if %cond3A_139 {
        %add3A_155 = arith.constant 2 : i32
        %add3A_156 = arith.addi %add3A_102, %add3A_155 : i32
        %dma_start3A_157 = arith.constant 0 : i32
        %dma_start3A_158 = tpu.memref_slice %arg6[%add3A_156, %dma_start3A_157] : memref<40x128xi32, #tpu.memory_space<vmem>> -> memref<1x128xi32, #tpu.memory_space<vmem>>
        %dma_start3A_159 = tpu.memref_squeeze %dma_start3A_158 : memref<1x128xi32, #tpu.memory_space<vmem>> -> memref<128xi32, #tpu.memory_space<vmem>>
        %dma_start3A_160 = arith.constant 0 : i32
        %dma_start3A_161 = arith.constant 0 : i32
        %dma_start3A_162 = tpu.memref_slice %arg10[%dma_start3A_160, %dma_start3A_161] : memref<10240x64xf32, #tpu.memory_space<vmem_shared>> -> memref<10240x64xf32, #tpu.memory_space<vmem_shared>>
        tpu.enqueue_indirect_dma source(%dma_start3A_162 : memref<10240x64xf32, #tpu.memory_space<vmem_shared>>) target(%arg8 : memref<128x64xf32, #tpu.memory_space<vmem>>) offsets(%dma_start3A_159 : memref<128xi32, #tpu.memory_space<vmem>>) semaphore(%arg12 : memref<!tpu.dma_semaphore, #tpu.memory_space<semaphore_mem>>)
      } else {
      }
      %add3A_140 = arith.constant 1 : i32
      %add3A_141 = arith.addi %add3A_102, %add3A_140 : i32
      %dma_wait3A_142 = arith.constant 0 : i32
      %dma_wait3A_143 = tpu.memref_slice %arg7[%add3A_141, %dma_wait3A_142] : memref<40x128xi32, #tpu.memory_space<vmem>> -> memref<1x128xi32, #tpu.memory_space<vmem>>
      %dma_wait3A_144 = tpu.memref_squeeze %dma_wait3A_143 : memref<1x128xi32, #tpu.memory_space<vmem>> -> memref<128xi32, #tpu.memory_space<vmem>>
      %dma_wait3A_145 = arith.constant 0 : i32
      %dma_wait3A_146 = arith.constant 0 : i32
      %dma_wait3A_147 = tpu.memref_slice %arg11[%dma_wait3A_145, %dma_wait3A_146] : memref<10240x64xf32, #tpu.memory_space<vmem_shared>> -> memref<10240x64xf32, #tpu.memory_space<vmem_shared>>
      tpu.wait_indirect_dma semaphore(%arg15 : memref<!tpu.dma_semaphore, #tpu.memory_space<semaphore_mem>>) src(%arg9 : memref<128x64xf32, #tpu.memory_space<vmem>>) dst(%dma_wait3A_147 : memref<10240x64xf32, #tpu.memory_space<vmem_shared>>)
      %add3A_148 = arith.constant 3 : i32
      %add3A_149 = arith.addi %add3A_102, %add3A_148 : i32
      %lt3A_150 = arith.constant 40 : i32
      %lt3A_151 = arith.cmpi slt, %add3A_149, %lt3A_150 : i32
      %convert_element_type3A_152 = arith.extui %lt3A_151 : i1 to i32
      %cond3A_153 = arith.constant 0 : i32
      %cond3A_154 = arith.cmpi ne, %convert_element_type3A_152, %cond3A_153 : i32
      scf.if %cond3A_154 {
        %add3A_155 = arith.constant 3 : i32
        %add3A_156 = arith.addi %add3A_102, %add3A_155 : i32
        %dma_start3A_157 = arith.constant 0 : i32
        %dma_start3A_158 = tpu.memref_slice %arg6[%add3A_156, %dma_start3A_157] : memref<40x128xi32, #tpu.memory_space<vmem>> -> memref<1x128xi32, #tpu.memory_space<vmem>>
        %dma_start3A_159 = tpu.memref_squeeze %dma_start3A_158 : memref<1x128xi32, #tpu.memory_space<vmem>> -> memref<128xi32, #tpu.memory_space<vmem>>
        %dma_start3A_160 = arith.constant 0 : i32
        %dma_start3A_161 = arith.constant 0 : i32
        %dma_start3A_162 = tpu.memref_slice %arg10[%dma_start3A_160, %dma_start3A_161] : memref<10240x64xf32, #tpu.memory_space<vmem_shared>> -> memref<10240x64xf32, #tpu.memory_space<vmem_shared>>
        tpu.enqueue_indirect_dma source(%dma_start3A_162 : memref<10240x64xf32, #tpu.memory_space<vmem_shared>>) target(%arg9 : memref<128x64xf32, #tpu.memory_space<vmem>>) offsets(%dma_start3A_159 : memref<128xi32, #tpu.memory_space<vmem>>) semaphore(%arg13 : memref<!tpu.dma_semaphore, #tpu.memory_space<semaphore_mem>>)
      } else {
      }
    }
    %scan3A_92 = arith.constant 20 : i32
    %barrier3A_93 = arith.constant 0 : index
    tpu.barrier barrier_id(%barrier3A_93)
    %scan3A_94 = arith.constant 0 : i32
    %scan3A_95 = arith.constant 5 : i32
    %scan3A_96 = arith.addi %scan3A_94, %scan3A_95 : i32
    %scan3A_97 = arith.constant 1 : i32
    scf.for %scan3A_99 = %scan3A_94 to %scan3A_96 step %scan3A_97  : i32 {
      %mul3A = arith.constant 1 : i32
      %mul3A_100 = arith.muli %scan3A_99, %mul3A : i32
      %add3A_101 = arith.constant 0 : i32
      %add3A_102 = arith.addi %add3A_101, %mul3A_100 : i32
      %mul3A_103 = arith.constant 640 : i32
      %mul3A_104 = arith.muli %arg1, %mul3A_103 : i32
      %mul3A_105 = arith.constant 128 : i32
      %mul3A_106 = arith.muli %add3A_102, %mul3A_105 : i32
      %add3A_107 = arith.addi %mul3A_104, %mul3A_106 : i32
      "tpu.region"() ({
        %run_scoped3A = tpu.sem_alloc : memref<!tpu.dma_semaphore, #tpu.memory_space<semaphore_mem>>
        %dma_start3A_108 = arith.constant 0 : i32
        %dma_start3A_109 = tpu.memref_slice %arg11[%add3A_107, %dma_start3A_108] : memref<10240x64xf32, #tpu.memory_space<vmem_shared>> -> memref<128x64xf32, #tpu.memory_space<vmem_shared>>
        %dma_start3A_110 = arith.constant 0 : i32
        %dma_start3A_111 = tpu.memref_slice %arg11[%add3A_107, %dma_start3A_110] : memref<10240x64xf32, #tpu.memory_space<vmem_shared>> -> memref<128x64xf32, #tpu.memory_space<vmem_shared>>
        tpu.enqueue_dma source(%dma_start3A_111 : memref<128x64xf32, #tpu.memory_space<vmem_shared>>) target(%arg8 : memref<128x64xf32, #tpu.memory_space<vmem>>) target_semaphore(%run_scoped3A : memref<!tpu.dma_semaphore, #tpu.memory_space<semaphore_mem>>)
        %dma_wait3A = arith.constant 0 : i32
        %dma_wait3A_112 = tpu.memref_slice %arg11[%add3A_107, %dma_wait3A] : memref<10240x64xf32, #tpu.memory_space<vmem_shared>> -> memref<128x64xf32, #tpu.memory_space<vmem_shared>>
        %dma_wait3A_113 = arith.constant 0 : i32
        %dma_wait3A_114 = tpu.memref_slice %arg11[%add3A_107, %dma_wait3A_113] : memref<10240x64xf32, #tpu.memory_space<vmem_shared>> -> memref<128x64xf32, #tpu.memory_space<vmem_shared>>
        tpu.wait_dma2 semaphore(%run_scoped3A : memref<!tpu.dma_semaphore, #tpu.memory_space<semaphore_mem>>) src(%dma_wait3A_114 : memref<128x64xf32, #tpu.memory_space<vmem_shared>>) dst(%arg8 : memref<128x64xf32, #tpu.memory_space<vmem>>)
        tpu.yield
      }) : () -> ()
      "tpu.region"() ({
        %run_scoped3A = tpu.sem_alloc : memref<!tpu.dma_semaphore, #tpu.memory_space<semaphore_mem>>
        %dma_start3A_108 = arith.constant 0 : i32
        %dma_start3A_109 = arith.constant 0 : i32
        %dma_start3A_110 = tpu.memref_slice %arg5[%arg0, %dma_start3A_108, %dma_start3A_109] : memref<2x10240x64xf32, #tpu.memory_space<hbm>> -> memref<1x10240x64xf32, #tpu.memory_space<hbm>>
        %dma_start3A_111 = tpu.memref_squeeze %dma_start3A_110 : memref<1x10240x64xf32, #tpu.memory_space<hbm>> -> memref<10240x64xf32, #tpu.memory_space<hbm>>
        %dma_start3A_112 = arith.constant 0 : i32
        %dma_start3A_113 = tpu.memref_slice %dma_start3A_111[%add3A_107, %dma_start3A_112] : memref<10240x64xf32, #tpu.memory_space<hbm>> -> memref<128x64xf32, #tpu.memory_space<hbm>>
        %dma_start3A_114 = arith.constant 0 : i32
        %dma_start3A_115 = arith.constant 0 : i32
        %dma_start3A_116 = tpu.memref_slice %arg5[%arg0, %dma_start3A_114, %dma_start3A_115] : memref<2x10240x64xf32, #tpu.memory_space<hbm>> -> memref<1x10240x64xf32, #tpu.memory_space<hbm>>
        %dma_start3A_117 = tpu.memref_squeeze %dma_start3A_116 : memref<1x10240x64xf32, #tpu.memory_space<hbm>> -> memref<10240x64xf32, #tpu.memory_space<hbm>>
        %dma_start3A_118 = arith.constant 0 : i32
        %dma_start3A_119 = tpu.memref_slice %dma_start3A_117[%add3A_107, %dma_start3A_118] : memref<10240x64xf32, #tpu.memory_space<hbm>> -> memref<128x64xf32, #tpu.memory_space<hbm>>
        tpu.enqueue_dma source(%arg8 : memref<128x64xf32, #tpu.memory_space<vmem>>) target(%dma_start3A_119 : memref<128x64xf32, #tpu.memory_space<hbm>>) target_semaphore(%run_scoped3A : memref<!tpu.dma_semaphore, #tpu.memory_space<semaphore_mem>>)
        %dma_wait3A = arith.constant 0 : i32
        %dma_wait3A_120 = arith.constant 0 : i32
        %dma_wait3A_121 = tpu.memref_slice %arg5[%arg0, %dma_wait3A, %dma_wait3A_120] : memref<2x10240x64xf32, #tpu.memory_space<hbm>> -> memref<1x10240x64xf32, #tpu.memory_space<hbm>>
        %dma_wait3A_122 = tpu.memref_squeeze %dma_wait3A_121 : memref<1x10240x64xf32, #tpu.memory_space<hbm>> -> memref<10240x64xf32, #tpu.memory_space<hbm>>
        %dma_wait3A_123 = arith.constant 0 : i32
        %dma_wait3A_124 = tpu.memref_slice %dma_wait3A_122[%add3A_107, %dma_wait3A_123] : memref<10240x64xf32, #tpu.memory_space<hbm>> -> memref<128x64xf32, #tpu.memory_space<hbm>>
        %dma_wait3A_125 = arith.constant 0 : i32
        %dma_wait3A_126 = arith.constant 0 : i32
        %dma_wait3A_127 = tpu.memref_slice %arg5[%arg0, %dma_wait3A_125, %dma_wait3A_126] : memref<2x10240x64xf32, #tpu.memory_space<hbm>> -> memref<1x10240x64xf32, #tpu.memory_space<hbm>>
        %dma_wait3A_128 = tpu.memref_squeeze %dma_wait3A_127 : memref<1x10240x64xf32, #tpu.memory_space<hbm>> -> memref<10240x64xf32, #tpu.memory_space<hbm>>
        %dma_wait3A_129 = arith.constant 0 : i32
        %dma_wait3A_130 = tpu.memref_slice %dma_wait3A_128[%add3A_107, %dma_wait3A_129] : memref<10240x64xf32, #tpu.memory_space<hbm>> -> memref<128x64xf32, #tpu.memory_space<hbm>>
        tpu.wait_dma2 semaphore(%run_scoped3A : memref<!tpu.dma_semaphore, #tpu.memory_space<semaphore_mem>>) src(%arg8 : memref<128x64xf32, #tpu.memory_space<vmem>>) dst(%dma_wait3A_130 : memref<128x64xf32, #tpu.memory_space<hbm>>)
        tpu.yield
      }) : () -> ()
    }
    %scan3A_98 = arith.constant 5 : i32
    return
  }
}

#map = affine_map<(d0, d1) -> (0, 0, 0)>
#map1 = affine_map<(d0, d1) -> (0, 0)>
module attributes {stable_mosaic.version = 14 : i64} {
  func.func @_sc_deg(%arg0: i32, %arg1: i32, %arg2: memref<32x80x128xi32, #tpu.memory_space<hbm>>, %arg3: memref<32x10240xf32, #tpu.memory_space<hbm>>, %arg4: memref<80x128xi32, #tpu.memory_space<vmem>>, %arg5: memref<10240xf32, #tpu.memory_space<vmem>>) attributes {dimension_semantics = [#tpu.dimension_semantics<core_parallel>, #tpu.dimension_semantics<subcore_parallel>], iteration_bounds = array<i64: 2, 16>, scalar_prefetch = 0 : i64, scratch_operands = 2 : i64, tpu.core_type = #tpu.core_type<sc_vector_subcore>, window_params = [{transform_indices = #map}, {transform_indices = #map1}]} {
    %mul3A = arith.constant 16 : i32
    %mul3A_0 = arith.muli %arg0, %mul3A : i32
    %add3A = arith.addi %mul3A_0, %arg1 : i32
    "tpu.region"() ({
      %run_scoped3A = tpu.sem_alloc : memref<!tpu.dma_semaphore, #tpu.memory_space<semaphore_mem>>
      %dma_start3A = arith.constant 0 : i32
      %dma_start3A_13 = arith.constant 0 : i32
      %dma_start3A_14 = tpu.memref_slice %arg2[%add3A, %dma_start3A, %dma_start3A_13] : memref<32x80x128xi32, #tpu.memory_space<hbm>> -> memref<1x80x128xi32, #tpu.memory_space<hbm>>
      %dma_start3A_15 = tpu.memref_squeeze %dma_start3A_14 : memref<1x80x128xi32, #tpu.memory_space<hbm>> -> memref<80x128xi32, #tpu.memory_space<hbm>>
      %dma_start3A_16 = arith.constant 0 : i32
      %dma_start3A_17 = arith.constant 0 : i32
      %dma_start3A_18 = tpu.memref_slice %arg2[%add3A, %dma_start3A_16, %dma_start3A_17] : memref<32x80x128xi32, #tpu.memory_space<hbm>> -> memref<1x80x128xi32, #tpu.memory_space<hbm>>
      %dma_start3A_19 = tpu.memref_squeeze %dma_start3A_18 : memref<1x80x128xi32, #tpu.memory_space<hbm>> -> memref<80x128xi32, #tpu.memory_space<hbm>>
      tpu.enqueue_dma source(%dma_start3A_19 : memref<80x128xi32, #tpu.memory_space<hbm>>) target(%arg4 : memref<80x128xi32, #tpu.memory_space<vmem>>) target_semaphore(%run_scoped3A : memref<!tpu.dma_semaphore, #tpu.memory_space<semaphore_mem>>)
      %dma_wait3A = arith.constant 0 : i32
      %dma_wait3A_20 = arith.constant 0 : i32
      %dma_wait3A_21 = tpu.memref_slice %arg2[%add3A, %dma_wait3A, %dma_wait3A_20] : memref<32x80x128xi32, #tpu.memory_space<hbm>> -> memref<1x80x128xi32, #tpu.memory_space<hbm>>
      %dma_wait3A_22 = tpu.memref_squeeze %dma_wait3A_21 : memref<1x80x128xi32, #tpu.memory_space<hbm>> -> memref<80x128xi32, #tpu.memory_space<hbm>>
      %dma_wait3A_23 = arith.constant 0 : i32
      %dma_wait3A_24 = arith.constant 0 : i32
      %dma_wait3A_25 = tpu.memref_slice %arg2[%add3A, %dma_wait3A_23, %dma_wait3A_24] : memref<32x80x128xi32, #tpu.memory_space<hbm>> -> memref<1x80x128xi32, #tpu.memory_space<hbm>>
      %dma_wait3A_26 = tpu.memref_squeeze %dma_wait3A_25 : memref<1x80x128xi32, #tpu.memory_space<hbm>> -> memref<80x128xi32, #tpu.memory_space<hbm>>
      tpu.wait_dma2 semaphore(%run_scoped3A : memref<!tpu.dma_semaphore, #tpu.memory_space<semaphore_mem>>) src(%dma_wait3A_26 : memref<80x128xi32, #tpu.memory_space<hbm>>) dst(%arg4 : memref<80x128xi32, #tpu.memory_space<vmem>>)
      tpu.yield
    }) : () -> ()
    %broadcast_in_dim3A = arith.constant 0.000000e+00 : f32
    %broadcast_in_dim3A_1 = vector.broadcast %broadcast_in_dim3A : f32 to vector<16xf32>
    %scan3A = arith.constant 0 : i32
    %scan3A_2 = arith.constant 640 : i32
    %scan3A_3 = arith.addi %scan3A, %scan3A_2 : i32
    %scan3A_4 = arith.constant 1 : i32
    scf.for %scan3A_13 = %scan3A to %scan3A_3 step %scan3A_4  : i32 {
      %mul3A_14 = arith.constant 1 : i32
      %mul3A_15 = arith.muli %scan3A_13, %mul3A_14 : i32
      %add3A_16 = arith.constant 0 : i32
      %add3A_17 = arith.addi %add3A_16, %mul3A_15 : i32
      %mul3A_18 = arith.constant 16 : i32
      %mul3A_19 = arith.muli %add3A_17, %mul3A_18 : i32
      %swap3A = arith.index_cast %mul3A_19 : i32 to index
      %swap3A_20 = tpu.vector_load %arg5[%swap3A] {strides = array<i32>} : memref<10240xf32, #tpu.memory_space<vmem>>, vector<16xf32>,
      tpu.vector_store %arg5[%swap3A], %broadcast_in_dim3A_1 {strides = array<i32>} : memref<10240xf32, #tpu.memory_space<vmem>>, vector<16xf32>,
    }
    %scan3A_5 = arith.constant 640 : i32
    %broadcast_in_dim3A_6 = arith.constant 1.000000e+00 : f32
    %broadcast_in_dim3A_7 = vector.broadcast %broadcast_in_dim3A_6 : f32 to vector<16xf32>
    %scan3A_8 = arith.constant 0 : i32
    %scan3A_9 = arith.constant 80 : i32
    %scan3A_10 = arith.addi %scan3A_8, %scan3A_9 : i32
    %scan3A_11 = arith.constant 1 : i32
    scf.for %scan3A_13 = %scan3A_8 to %scan3A_10 step %scan3A_11  : i32 {
      %mul3A_14 = arith.constant 1 : i32
      %mul3A_15 = arith.muli %scan3A_13, %mul3A_14 : i32
      %add3A_16 = arith.constant 0 : i32
      %add3A_17 = arith.addi %add3A_16, %mul3A_15 : i32
      %scan3A_18 = arith.constant 0 : i32
      %scan3A_19 = arith.constant 8 : i32
      %scan3A_20 = arith.addi %scan3A_18, %scan3A_19 : i32
      %scan3A_21 = arith.constant 1 : i32
      scf.for %scan3A_23 = %scan3A_18 to %scan3A_20 step %scan3A_21  : i32 {
        %mul3A_24 = arith.constant 1 : i32
        %mul3A_25 = arith.muli %scan3A_23, %mul3A_24 : i32
        %add3A_26 = arith.constant 0 : i32
        %add3A_27 = arith.addi %add3A_26, %mul3A_25 : i32
        %mul3A_28 = arith.constant 16 : i32
        %mul3A_29 = arith.muli %add3A_27, %mul3A_28 : i32
        %get3A = arith.index_cast %add3A_17 : i32 to index
        %get3A_30 = arith.index_cast %mul3A_29 : i32 to index
        %get3A_31 = tpu.vector_load %arg4[%get3A, %get3A_30] {strides = array<i32>} : memref<80x128xi32, #tpu.memory_space<vmem>>, vector<16xi32>,
        tpu.vector_store_idx %arg5[%get3A_31], %broadcast_in_dim3A_7 {add = true} : memref<10240xf32, #tpu.memory_space<vmem>>[vector<16xi32>], vector<16xf32>,
      }
      %scan3A_22 = arith.constant 8 : i32
    }
    %scan3A_12 = arith.constant 80 : i32
    "tpu.region"() ({
      %run_scoped3A = tpu.sem_alloc : memref<!tpu.dma_semaphore, #tpu.memory_space<semaphore_mem>>
      %dma_start3A = arith.constant 0 : i32
      %dma_start3A_13 = tpu.memref_slice %arg3[%add3A, %dma_start3A] : memref<32x10240xf32, #tpu.memory_space<hbm>> -> memref<1x10240xf32, #tpu.memory_space<hbm>>
      %dma_start3A_14 = tpu.memref_squeeze %dma_start3A_13 : memref<1x10240xf32, #tpu.memory_space<hbm>> -> memref<10240xf32, #tpu.memory_space<hbm>>
      %dma_start3A_15 = arith.constant 0 : i32
      %dma_start3A_16 = tpu.memref_slice %arg3[%add3A, %dma_start3A_15] : memref<32x10240xf32, #tpu.memory_space<hbm>> -> memref<1x10240xf32, #tpu.memory_space<hbm>>
      %dma_start3A_17 = tpu.memref_squeeze %dma_start3A_16 : memref<1x10240xf32, #tpu.memory_space<hbm>> -> memref<10240xf32, #tpu.memory_space<hbm>>
      tpu.enqueue_dma source(%arg5 : memref<10240xf32, #tpu.memory_space<vmem>>) target(%dma_start3A_17 : memref<10240xf32, #tpu.memory_space<hbm>>) target_semaphore(%run_scoped3A : memref<!tpu.dma_semaphore, #tpu.memory_space<semaphore_mem>>)
      %dma_wait3A = arith.constant 0 : i32
      %dma_wait3A_18 = tpu.memref_slice %arg3[%add3A, %dma_wait3A] : memref<32x10240xf32, #tpu.memory_space<hbm>> -> memref<1x10240xf32, #tpu.memory_space<hbm>>
      %dma_wait3A_19 = tpu.memref_squeeze %dma_wait3A_18 : memref<1x10240xf32, #tpu.memory_space<hbm>> -> memref<10240xf32, #tpu.memory_space<hbm>>
      %dma_wait3A_20 = arith.constant 0 : i32
      %dma_wait3A_21 = tpu.memref_slice %arg3[%add3A, %dma_wait3A_20] : memref<32x10240xf32, #tpu.memory_space<hbm>> -> memref<1x10240xf32, #tpu.memory_space<hbm>>
      %dma_wait3A_22 = tpu.memref_squeeze %dma_wait3A_21 : memref<1x10240xf32, #tpu.memory_space<hbm>> -> memref<10240xf32, #tpu.memory_space<hbm>>
      tpu.wait_dma2 semaphore(%run_scoped3A : memref<!tpu.dma_semaphore, #tpu.memory_space<semaphore_mem>>) src(%arg5 : memref<10240xf32, #tpu.memory_space<vmem>>) dst(%dma_wait3A_22 : memref<10240xf32, #tpu.memory_space<hbm>>)
      tpu.yield
    }) : () -> ()
    return
  }
}

#map = affine_map<(d0, d1) -> (0)>
#map1 = affine_map<(d0, d1) -> (0, 0, 0)>
module attributes {stable_mosaic.version = 14 : i64} {
  func.func @_sc_scalar(%arg0: i32, %arg1: i32, %arg2: memref<10240xf32, #tpu.memory_space<hbm>>, %arg3: memref<10240xf32, #tpu.memory_space<hbm>>, %arg4: memref<16xf32, #tpu.memory_space<hbm>>, %arg5: memref<32x80x128xi32, #tpu.memory_space<hbm>>, %arg6: memref<32x80x128xi32, #tpu.memory_space<hbm>>, %arg7: memref<320000xf32, #tpu.memory_space<hbm>>, %arg8: memref<2x80x128xi32, #tpu.memory_space<vmem>>, %arg9: memref<2x80x128xi32, #tpu.memory_space<vmem>>, %arg10: memref<10240xf32, #tpu.memory_space<vmem>>, %arg11: memref<10240xf32, #tpu.memory_space<vmem>>, %arg12: memref<640xf32, #tpu.memory_space<vmem>>, %arg13: memref<640xf32, #tpu.memory_space<vmem>>, %arg14: memref<16xf32, #tpu.memory_space<vmem>>, %arg15: memref<10240xf32, #tpu.memory_space<vmem>>, %arg16: memref<16x640xf32, #tpu.memory_space<vmem>>, %arg17: memref<16x10240xf32, #tpu.memory_space<vmem_shared>>) attributes {dimension_semantics = [#tpu.dimension_semantics<core_parallel>, #tpu.dimension_semantics<subcore_parallel>], iteration_bounds = array<i64: 2, 16>, scalar_prefetch = 0 : i64, scratch_operands = 10 : i64, tpu.core_type = #tpu.core_type<sc_vector_subcore>, window_params = [{transform_indices = #map}, {transform_indices = #map}, {transform_indices = #map}, {transform_indices = #map1}, {transform_indices = #map1}, {transform_indices = #map}]} {
    %eq3A = arith.constant 0 : i32
    %eq3A_0 = arith.cmpi eq, %arg0, %eq3A : i32
    %convert_element_type3A = arith.extui %eq3A_0 : i1 to i32
    %cond3A = arith.constant 0 : i32
    %cond3A_1 = arith.cmpi ne, %convert_element_type3A, %cond3A : i32
    scf.if %cond3A_1 {
      "tpu.region"() ({
        %run_scoped3A_56 = tpu.sem_alloc : memref<!tpu.dma_semaphore, #tpu.memory_space<semaphore_mem>>
        tpu.enqueue_dma source(%arg2 : memref<10240xf32, #tpu.memory_space<hbm>>) target(%arg10 : memref<10240xf32, #tpu.memory_space<vmem>>) target_semaphore(%run_scoped3A_56 : memref<!tpu.dma_semaphore, #tpu.memory_space<semaphore_mem>>)
        tpu.wait_dma2 semaphore(%run_scoped3A_56 : memref<!tpu.dma_semaphore, #tpu.memory_space<semaphore_mem>>) src(%arg2 : memref<10240xf32, #tpu.memory_space<hbm>>) dst(%arg10 : memref<10240xf32, #tpu.memory_space<vmem>>)
        tpu.yield
      }) : () -> ()
      %mul3A = arith.constant 640 : i32
      %mul3A_2 = arith.muli %arg1, %mul3A : i32
      "tpu.region"() ({
        %run_scoped3A_56 = tpu.sem_alloc : memref<!tpu.dma_semaphore, #tpu.memory_space<semaphore_mem>>
        %dma_start3A = tpu.memref_slice %arg3[%mul3A_2] : memref<10240xf32, #tpu.memory_space<hbm>> -> memref<640xf32, #tpu.memory_space<hbm>>
        %dma_start3A_57 = tpu.memref_slice %arg3[%mul3A_2] : memref<10240xf32, #tpu.memory_space<hbm>> -> memref<640xf32, #tpu.memory_space<hbm>>
        tpu.enqueue_dma source(%dma_start3A_57 : memref<640xf32, #tpu.memory_space<hbm>>) target(%arg13 : memref<640xf32, #tpu.memory_space<vmem>>) target_semaphore(%run_scoped3A_56 : memref<!tpu.dma_semaphore, #tpu.memory_space<semaphore_mem>>)
        %dma_wait3A = tpu.memref_slice %arg3[%mul3A_2] : memref<10240xf32, #tpu.memory_space<hbm>> -> memref<640xf32, #tpu.memory_space<hbm>>
        %dma_wait3A_58 = tpu.memref_slice %arg3[%mul3A_2] : memref<10240xf32, #tpu.memory_space<hbm>> -> memref<640xf32, #tpu.memory_space<hbm>>
        tpu.wait_dma2 semaphore(%run_scoped3A_56 : memref<!tpu.dma_semaphore, #tpu.memory_space<semaphore_mem>>) src(%dma_wait3A_58 : memref<640xf32, #tpu.memory_space<hbm>>) dst(%arg13 : memref<640xf32, #tpu.memory_space<vmem>>)
        tpu.yield
      }) : () -> ()
      "tpu.region"() ({
        %run_scoped3A_56 = tpu.sem_alloc : memref<!tpu.dma_semaphore, #tpu.memory_space<semaphore_mem>>
        tpu.enqueue_dma source(%arg4 : memref<16xf32, #tpu.memory_space<hbm>>) target(%arg14 : memref<16xf32, #tpu.memory_space<vmem>>) target_semaphore(%run_scoped3A_56 : memref<!tpu.dma_semaphore, #tpu.memory_space<semaphore_mem>>)
        tpu.wait_dma2 semaphore(%run_scoped3A_56 : memref<!tpu.dma_semaphore, #tpu.memory_space<semaphore_mem>>) src(%arg4 : memref<16xf32, #tpu.memory_space<hbm>>) dst(%arg14 : memref<16xf32, #tpu.memory_space<vmem>>)
        tpu.yield
      }) : () -> ()
      %mul3A_3 = arith.constant 2 : i32
      %mul3A_4 = arith.muli %mul3A_3, %arg1 : i32
      "tpu.region"() ({
        %run_scoped3A_56 = tpu.sem_alloc : memref<!tpu.dma_semaphore, #tpu.memory_space<semaphore_mem>>
        %dma_start3A = arith.constant 0 : i32
        %dma_start3A_57 = arith.constant 0 : i32
        %dma_start3A_58 = tpu.memref_slice %arg5[%mul3A_4, %dma_start3A, %dma_start3A_57] : memref<32x80x128xi32, #tpu.memory_space<hbm>> -> memref<2x80x128xi32, #tpu.memory_space<hbm>>
        %dma_start3A_59 = arith.constant 0 : i32
        %dma_start3A_60 = arith.constant 0 : i32
        %dma_start3A_61 = tpu.memref_slice %arg5[%mul3A_4, %dma_start3A_59, %dma_start3A_60] : memref<32x80x128xi32, #tpu.memory_space<hbm>> -> memref<2x80x128xi32, #tpu.memory_space<hbm>>
        tpu.enqueue_dma source(%dma_start3A_61 : memref<2x80x128xi32, #tpu.memory_space<hbm>>) target(%arg8 : memref<2x80x128xi32, #tpu.memory_space<vmem>>) target_semaphore(%run_scoped3A_56 : memref<!tpu.dma_semaphore, #tpu.memory_space<semaphore_mem>>)
        %dma_wait3A = arith.constant 0 : i32
        %dma_wait3A_62 = arith.constant 0 : i32
        %dma_wait3A_63 = tpu.memref_slice %arg5[%mul3A_4, %dma_wait3A, %dma_wait3A_62] : memref<32x80x128xi32, #tpu.memory_space<hbm>> -> memref<2x80x128xi32, #tpu.memory_space<hbm>>
        %dma_wait3A_64 = arith.constant 0 : i32
        %dma_wait3A_65 = arith.constant 0 : i32
        %dma_wait3A_66 = tpu.memref_slice %arg5[%mul3A_4, %dma_wait3A_64, %dma_wait3A_65] : memref<32x80x128xi32, #tpu.memory_space<hbm>> -> memref<2x80x128xi32, #tpu.memory_space<hbm>>
        tpu.wait_dma2 semaphore(%run_scoped3A_56 : memref<!tpu.dma_semaphore, #tpu.memory_space<semaphore_mem>>) src(%dma_wait3A_66 : memref<2x80x128xi32, #tpu.memory_space<hbm>>) dst(%arg8 : memref<2x80x128xi32, #tpu.memory_space<vmem>>)
        tpu.yield
      }) : () -> ()
      %mul3A_5 = arith.constant 2 : i32
      %mul3A_6 = arith.muli %mul3A_5, %arg1 : i32
      "tpu.region"() ({
        %run_scoped3A_56 = tpu.sem_alloc : memref<!tpu.dma_semaphore, #tpu.memory_space<semaphore_mem>>
        %dma_start3A = arith.constant 0 : i32
        %dma_start3A_57 = arith.constant 0 : i32
        %dma_start3A_58 = tpu.memref_slice %arg6[%mul3A_6, %dma_start3A, %dma_start3A_57] : memref<32x80x128xi32, #tpu.memory_space<hbm>> -> memref<2x80x128xi32, #tpu.memory_space<hbm>>
        %dma_start3A_59 = arith.constant 0 : i32
        %dma_start3A_60 = arith.constant 0 : i32
        %dma_start3A_61 = tpu.memref_slice %arg6[%mul3A_6, %dma_start3A_59, %dma_start3A_60] : memref<32x80x128xi32, #tpu.memory_space<hbm>> -> memref<2x80x128xi32, #tpu.memory_space<hbm>>
        tpu.enqueue_dma source(%dma_start3A_61 : memref<2x80x128xi32, #tpu.memory_space<hbm>>) target(%arg9 : memref<2x80x128xi32, #tpu.memory_space<vmem>>) target_semaphore(%run_scoped3A_56 : memref<!tpu.dma_semaphore, #tpu.memory_space<semaphore_mem>>)
        %dma_wait3A = arith.constant 0 : i32
        %dma_wait3A_62 = arith.constant 0 : i32
        %dma_wait3A_63 = tpu.memref_slice %arg6[%mul3A_6, %dma_wait3A, %dma_wait3A_62] : memref<32x80x128xi32, #tpu.memory_space<hbm>> -> memref<2x80x128xi32, #tpu.memory_space<hbm>>
        %dma_wait3A_64 = arith.constant 0 : i32
        %dma_wait3A_65 = arith.constant 0 : i32
        %dma_wait3A_66 = tpu.memref_slice %arg6[%mul3A_6, %dma_wait3A_64, %dma_wait3A_65] : memref<32x80x128xi32, #tpu.memory_space<hbm>> -> memref<2x80x128xi32, #tpu.memory_space<hbm>>
        tpu.wait_dma2 semaphore(%run_scoped3A_56 : memref<!tpu.dma_semaphore, #tpu.memory_space<semaphore_mem>>) src(%dma_wait3A_66 : memref<2x80x128xi32, #tpu.memory_space<hbm>>) dst(%arg9 : memref<2x80x128xi32, #tpu.memory_space<vmem>>)
        tpu.yield
      }) : () -> ()
      %broadcast_in_dim3A = arith.constant 0.000000e+00 : f32
      %broadcast_in_dim3A_7 = vector.broadcast %broadcast_in_dim3A : f32 to vector<16xf32>
      %scan3A = arith.constant 0 : i32
      %scan3A_8 = arith.constant 640 : i32
      %scan3A_9 = arith.addi %scan3A, %scan3A_8 : i32
      %scan3A_10 = arith.constant 1 : i32
      scf.for %scan3A_56 = %scan3A to %scan3A_9 step %scan3A_10  : i32 {
        %mul3A_57 = arith.constant 1 : i32
        %mul3A_58 = arith.muli %scan3A_56, %mul3A_57 : i32
        %add3A_59 = arith.constant 0 : i32
        %add3A_60 = arith.addi %add3A_59, %mul3A_58 : i32
        %mul3A_61 = arith.constant 16 : i32
        %mul3A_62 = arith.muli %add3A_60, %mul3A_61 : i32
        %swap3A = arith.index_cast %mul3A_62 : i32 to index
        %swap3A_63 = tpu.vector_load %arg11[%swap3A] {strides = array<i32>} : memref<10240xf32, #tpu.memory_space<vmem>>, vector<16xf32>,
        tpu.vector_store %arg11[%swap3A], %broadcast_in_dim3A_7 {strides = array<i32>} : memref<10240xf32, #tpu.memory_space<vmem>>, vector<16xf32>,
      }
      %scan3A_11 = arith.constant 640 : i32
      %scan3A_12 = arith.constant 0 : i32
      %scan3A_13 = arith.constant 80 : i32
      %scan3A_14 = arith.addi %scan3A_12, %scan3A_13 : i32
      %scan3A_15 = arith.constant 1 : i32
      scf.for %scan3A_56 = %scan3A_12 to %scan3A_14 step %scan3A_15  : i32 {
        %mul3A_57 = arith.constant 1 : i32
        %mul3A_58 = arith.muli %scan3A_56, %mul3A_57 : i32
        %add3A_59 = arith.constant 0 : i32
        %add3A_60 = arith.addi %add3A_59, %mul3A_58 : i32
        %scan3A_61 = arith.constant 0 : i32
        %scan3A_62 = arith.constant 8 : i32
        %scan3A_63 = arith.addi %scan3A_61, %scan3A_62 : i32
        %scan3A_64 = arith.constant 1 : i32
        scf.for %scan3A_66 = %scan3A_61 to %scan3A_63 step %scan3A_64  : i32 {
          %mul3A_67 = arith.constant 1 : i32
          %mul3A_68 = arith.muli %scan3A_66, %mul3A_67 : i32
          %add3A_69 = arith.constant 0 : i32
          %add3A_70 = arith.addi %add3A_69, %mul3A_68 : i32
          %mul3A_71 = arith.constant 16 : i32
          %mul3A_72 = arith.muli %add3A_70, %mul3A_71 : i32
          %get3A_73 = arith.constant 0 : i32
          %get3A_74 = arith.index_cast %get3A_73 : i32 to index
          %get3A_75 = arith.index_cast %add3A_60 : i32 to index
          %get3A_76 = arith.index_cast %mul3A_72 : i32 to index
          %get3A_77 = tpu.vector_load %arg8[%get3A_74, %get3A_75, %get3A_76] {strides = array<i32>} : memref<2x80x128xi32, #tpu.memory_space<vmem>>, vector<16xi32>,
          %mul3A_78 = arith.constant 16 : i32
          %mul3A_79 = arith.muli %add3A_70, %mul3A_78 : i32
          %get3A_80 = arith.constant 0 : i32
          %get3A_81 = arith.index_cast %get3A_80 : i32 to index
          %get3A_82 = arith.index_cast %add3A_60 : i32 to index
          %get3A_83 = arith.index_cast %mul3A_79 : i32 to index
          %get3A_84 = tpu.vector_load %arg9[%get3A_81, %get3A_82, %get3A_83] {strides = array<i32>} : memref<2x80x128xi32, #tpu.memory_space<vmem>>, vector<16xi32>,
          %gather3A = tpu.vector_load_idx %arg10[%get3A_77] : memref<10240xf32, #tpu.memory_space<vmem>>[vector<16xi32>], vector<16xf32>,
          tpu.vector_store_idx %arg11[%get3A_84], %gather3A {add = true} : memref<10240xf32, #tpu.memory_space<vmem>>[vector<16xi32>], vector<16xf32>,
        }
        %scan3A_65 = arith.constant 8 : i32
      }
      %scan3A_16 = arith.constant 80 : i32
      %scan3A_17 = arith.constant 0 : i32
      %scan3A_18 = arith.constant 80 : i32
      %scan3A_19 = arith.addi %scan3A_17, %scan3A_18 : i32
      %scan3A_20 = arith.constant 1 : i32
      scf.for %scan3A_56 = %scan3A_17 to %scan3A_19 step %scan3A_20  : i32 {
        %mul3A_57 = arith.constant 1 : i32
        %mul3A_58 = arith.muli %scan3A_56, %mul3A_57 : i32
        %add3A_59 = arith.constant 0 : i32
        %add3A_60 = arith.addi %add3A_59, %mul3A_58 : i32
        %scan3A_61 = arith.constant 0 : i32
        %scan3A_62 = arith.constant 8 : i32
        %scan3A_63 = arith.addi %scan3A_61, %scan3A_62 : i32
        %scan3A_64 = arith.constant 1 : i32
        scf.for %scan3A_66 = %scan3A_61 to %scan3A_63 step %scan3A_64  : i32 {
          %mul3A_67 = arith.constant 1 : i32
          %mul3A_68 = arith.muli %scan3A_66, %mul3A_67 : i32
          %add3A_69 = arith.constant 0 : i32
          %add3A_70 = arith.addi %add3A_69, %mul3A_68 : i32
          %mul3A_71 = arith.constant 16 : i32
          %mul3A_72 = arith.muli %add3A_70, %mul3A_71 : i32
          %get3A_73 = arith.constant 1 : i32
          %get3A_74 = arith.index_cast %get3A_73 : i32 to index
          %get3A_75 = arith.index_cast %add3A_60 : i32 to index
          %get3A_76 = arith.index_cast %mul3A_72 : i32 to index
          %get3A_77 = tpu.vector_load %arg8[%get3A_74, %get3A_75, %get3A_76] {strides = array<i32>} : memref<2x80x128xi32, #tpu.memory_space<vmem>>, vector<16xi32>,
          %mul3A_78 = arith.constant 16 : i32
          %mul3A_79 = arith.muli %add3A_70, %mul3A_78 : i32
          %get3A_80 = arith.constant 1 : i32
          %get3A_81 = arith.index_cast %get3A_80 : i32 to index
          %get3A_82 = arith.index_cast %add3A_60 : i32 to index
          %get3A_83 = arith.index_cast %mul3A_79 : i32 to index
          %get3A_84 = tpu.vector_load %arg9[%get3A_81, %get3A_82, %get3A_83] {strides = array<i32>} : memref<2x80x128xi32, #tpu.memory_space<vmem>>, vector<16xi32>,
          %gather3A = tpu.vector_load_idx %arg10[%get3A_77] : memref<10240xf32, #tpu.memory_space<vmem>>[vector<16xi32>], vector<16xf32>,
          tpu.vector_store_idx %arg11[%get3A_84], %gather3A {add = true} : memref<10240xf32, #tpu.memory_space<vmem>>[vector<16xi32>], vector<16xf32>,
        }
        %scan3A_65 = arith.constant 8 : i32
      }
      %scan3A_21 = arith.constant 80 : i32
      "tpu.region"() ({
        %run_scoped3A_56 = tpu.sem_alloc : memref<!tpu.dma_semaphore, #tpu.memory_space<semaphore_mem>>
        %dma_start3A = arith.constant 0 : i32
        %dma_start3A_57 = tpu.memref_slice %arg17[%arg1, %dma_start3A] : memref<16x10240xf32, #tpu.memory_space<vmem_shared>> -> memref<1x10240xf32, #tpu.memory_space<vmem_shared>>
        %dma_start3A_58 = tpu.memref_squeeze %dma_start3A_57 : memref<1x10240xf32, #tpu.memory_space<vmem_shared>> -> memref<10240xf32, #tpu.memory_space<vmem_shared>>
        %dma_start3A_59 = arith.constant 0 : i32
        %dma_start3A_60 = tpu.memref_slice %arg17[%arg1, %dma_start3A_59] : memref<16x10240xf32, #tpu.memory_space<vmem_shared>> -> memref<1x10240xf32, #tpu.memory_space<vmem_shared>>
        %dma_start3A_61 = tpu.memref_squeeze %dma_start3A_60 : memref<1x10240xf32, #tpu.memory_space<vmem_shared>> -> memref<10240xf32, #tpu.memory_space<vmem_shared>>
        tpu.enqueue_dma source(%arg11 : memref<10240xf32, #tpu.memory_space<vmem>>) target(%dma_start3A_61 : memref<10240xf32, #tpu.memory_space<vmem_shared>>) target_semaphore(%run_scoped3A_56 : memref<!tpu.dma_semaphore, #tpu.memory_space<semaphore_mem>>)
        %dma_wait3A = arith.constant 0 : i32
        %dma_wait3A_62 = tpu.memref_slice %arg17[%arg1, %dma_wait3A] : memref<16x10240xf32, #tpu.memory_space<vmem_shared>> -> memref<1x10240xf32, #tpu.memory_space<vmem_shared>>
        %dma_wait3A_63 = tpu.memref_squeeze %dma_wait3A_62 : memref<1x10240xf32, #tpu.memory_space<vmem_shared>> -> memref<10240xf32, #tpu.memory_space<vmem_shared>>
        %dma_wait3A_64 = arith.constant 0 : i32
        %dma_wait3A_65 = tpu.memref_slice %arg17[%arg1, %dma_wait3A_64] : memref<16x10240xf32, #tpu.memory_space<vmem_shared>> -> memref<1x10240xf32, #tpu.memory_space<vmem_shared>>
        %dma_wait3A_66 = tpu.memref_squeeze %dma_wait3A_65 : memref<1x10240xf32, #tpu.memory_space<vmem_shared>> -> memref<10240xf32, #tpu.memory_space<vmem_shared>>
        tpu.wait_dma2 semaphore(%run_scoped3A_56 : memref<!tpu.dma_semaphore, #tpu.memory_space<semaphore_mem>>) src(%arg11 : memref<10240xf32, #tpu.memory_space<vmem>>) dst(%dma_wait3A_66 : memref<10240xf32, #tpu.memory_space<vmem_shared>>)
        tpu.yield
      }) : () -> ()
      %barrier3A = arith.constant 0 : index
      tpu.barrier barrier_id(%barrier3A)
      %mul3A_22 = arith.constant 640 : i32
      %mul3A_23 = arith.muli %arg1, %mul3A_22 : i32
      "tpu.region"() ({
        %run_scoped3A_56 = tpu.sem_alloc : memref<!tpu.dma_semaphore, #tpu.memory_space<semaphore_mem>>
        %dma_start3A = arith.constant 0 : i32
        %dma_start3A_57 = tpu.memref_slice %arg17[%dma_start3A, %mul3A_23] : memref<16x10240xf32, #tpu.memory_space<vmem_shared>> -> memref<16x640xf32, #tpu.memory_space<vmem_shared>>
        %dma_start3A_58 = arith.constant 0 : i32
        %dma_start3A_59 = tpu.memref_slice %arg17[%dma_start3A_58, %mul3A_23] : memref<16x10240xf32, #tpu.memory_space<vmem_shared>> -> memref<16x640xf32, #tpu.memory_space<vmem_shared>>
        tpu.enqueue_dma source(%dma_start3A_59 : memref<16x640xf32, #tpu.memory_space<vmem_shared>>) target(%arg16 : memref<16x640xf32, #tpu.memory_space<vmem>>) target_semaphore(%run_scoped3A_56 : memref<!tpu.dma_semaphore, #tpu.memory_space<semaphore_mem>>)
        %dma_wait3A = arith.constant 0 : i32
        %dma_wait3A_60 = tpu.memref_slice %arg17[%dma_wait3A, %mul3A_23] : memref<16x10240xf32, #tpu.memory_space<vmem_shared>> -> memref<16x640xf32, #tpu.memory_space<vmem_shared>>
        %dma_wait3A_61 = arith.constant 0 : i32
        %dma_wait3A_62 = tpu.memref_slice %arg17[%dma_wait3A_61, %mul3A_23] : memref<16x10240xf32, #tpu.memory_space<vmem_shared>> -> memref<16x640xf32, #tpu.memory_space<vmem_shared>>
        tpu.wait_dma2 semaphore(%run_scoped3A_56 : memref<!tpu.dma_semaphore, #tpu.memory_space<semaphore_mem>>) src(%dma_wait3A_62 : memref<16x640xf32, #tpu.memory_space<vmem_shared>>) dst(%arg16 : memref<16x640xf32, #tpu.memory_space<vmem>>)
        tpu.yield
      }) : () -> ()
      %get3A = arith.constant 0 : index
      %get3A_24 = tpu.vector_load %arg14[%get3A] {strides = array<i32>} : memref<16xf32, #tpu.memory_space<vmem>>, vector<16xf32>,
      %scan3A_25 = arith.constant 0 : i32
      %scan3A_26 = arith.constant 40 : i32
      %scan3A_27 = arith.addi %scan3A_25, %scan3A_26 : i32
      %scan3A_28 = arith.constant 1 : i32
      scf.for %scan3A_56 = %scan3A_25 to %scan3A_27 step %scan3A_28  : i32 {
        %mul3A_57 = arith.constant 1 : i32
        %mul3A_58 = arith.muli %scan3A_56, %mul3A_57 : i32
        %add3A_59 = arith.constant 0 : i32
        %add3A_60 = arith.addi %add3A_59, %mul3A_58 : i32
        %mul3A_61 = arith.constant 16 : i32
        %mul3A_62 = arith.muli %add3A_60, %mul3A_61 : i32
        %get3A_63 = arith.constant 0 : i32
        %get3A_64 = arith.index_cast %get3A_63 : i32 to index
        %get3A_65 = arith.index_cast %mul3A_62 : i32 to index
        %get3A_66 = tpu.vector_load %arg16[%get3A_64, %get3A_65] {strides = array<i32>} : memref<16x640xf32, #tpu.memory_space<vmem>>, vector<16xf32>,
        %mul3A_67 = arith.constant 16 : i32
        %mul3A_68 = arith.muli %add3A_60, %mul3A_67 : i32
        %get3A_69 = arith.constant 1 : i32
        %get3A_70 = arith.index_cast %get3A_69 : i32 to index
        %get3A_71 = arith.index_cast %mul3A_68 : i32 to index
        %get3A_72 = tpu.vector_load %arg16[%get3A_70, %get3A_71] {strides = array<i32>} : memref<16x640xf32, #tpu.memory_space<vmem>>, vector<16xf32>,
        %add3A_73 = arith.addf %get3A_66, %get3A_72 : vector<16xf32>
        %mul3A_74 = arith.constant 16 : i32
        %mul3A_75 = arith.muli %add3A_60, %mul3A_74 : i32
        %get3A_76 = arith.constant 2 : i32
        %get3A_77 = arith.index_cast %get3A_76 : i32 to index
        %get3A_78 = arith.index_cast %mul3A_75 : i32 to index
        %get3A_79 = tpu.vector_load %arg16[%get3A_77, %get3A_78] {strides = array<i32>} : memref<16x640xf32, #tpu.memory_space<vmem>>, vector<16xf32>,
        %add3A_80 = arith.addf %add3A_73, %get3A_79 : vector<16xf32>
        %mul3A_81 = arith.constant 16 : i32
        %mul3A_82 = arith.muli %add3A_60, %mul3A_81 : i32
        %get3A_83 = arith.constant 3 : i32
        %get3A_84 = arith.index_cast %get3A_83 : i32 to index
        %get3A_85 = arith.index_cast %mul3A_82 : i32 to index
        %get3A_86 = tpu.vector_load %arg16[%get3A_84, %get3A_85] {strides = array<i32>} : memref<16x640xf32, #tpu.memory_space<vmem>>, vector<16xf32>,
        %add3A_87 = arith.addf %add3A_80, %get3A_86 : vector<16xf32>
        %mul3A_88 = arith.constant 16 : i32
        %mul3A_89 = arith.muli %add3A_60, %mul3A_88 : i32
        %get3A_90 = arith.constant 4 : i32
        %get3A_91 = arith.index_cast %get3A_90 : i32 to index
        %get3A_92 = arith.index_cast %mul3A_89 : i32 to index
        %get3A_93 = tpu.vector_load %arg16[%get3A_91, %get3A_92] {strides = array<i32>} : memref<16x640xf32, #tpu.memory_space<vmem>>, vector<16xf32>,
        %add3A_94 = arith.addf %add3A_87, %get3A_93 : vector<16xf32>
        %mul3A_95 = arith.constant 16 : i32
        %mul3A_96 = arith.muli %add3A_60, %mul3A_95 : i32
        %get3A_97 = arith.constant 5 : i32
        %get3A_98 = arith.index_cast %get3A_97 : i32 to index
        %get3A_99 = arith.index_cast %mul3A_96 : i32 to index
        %get3A_100 = tpu.vector_load %arg16[%get3A_98, %get3A_99] {strides = array<i32>} : memref<16x640xf32, #tpu.memory_space<vmem>>, vector<16xf32>,
        %add3A_101 = arith.addf %add3A_94, %get3A_100 : vector<16xf32>
        %mul3A_102 = arith.constant 16 : i32
        %mul3A_103 = arith.muli %add3A_60, %mul3A_102 : i32
        %get3A_104 = arith.constant 6 : i32
        %get3A_105 = arith.index_cast %get3A_104 : i32 to index
        %get3A_106 = arith.index_cast %mul3A_103 : i32 to index
        %get3A_107 = tpu.vector_load %arg16[%get3A_105, %get3A_106] {strides = array<i32>} : memref<16x640xf32, #tpu.memory_space<vmem>>, vector<16xf32>,
        %add3A_108 = arith.addf %add3A_101, %get3A_107 : vector<16xf32>
        %mul3A_109 = arith.constant 16 : i32
        %mul3A_110 = arith.muli %add3A_60, %mul3A_109 : i32
        %get3A_111 = arith.constant 7 : i32
        %get3A_112 = arith.index_cast %get3A_111 : i32 to index
        %get3A_113 = arith.index_cast %mul3A_110 : i32 to index
        %get3A_114 = tpu.vector_load %arg16[%get3A_112, %get3A_113] {strides = array<i32>} : memref<16x640xf32, #tpu.memory_space<vmem>>, vector<16xf32>,
        %add3A_115 = arith.addf %add3A_108, %get3A_114 : vector<16xf32>
        %mul3A_116 = arith.constant 16 : i32
        %mul3A_117 = arith.muli %add3A_60, %mul3A_116 : i32
        %get3A_118 = arith.constant 8 : i32
        %get3A_119 = arith.index_cast %get3A_118 : i32 to index
        %get3A_120 = arith.index_cast %mul3A_117 : i32 to index
        %get3A_121 = tpu.vector_load %arg16[%get3A_119, %get3A_120] {strides = array<i32>} : memref<16x640xf32, #tpu.memory_space<vmem>>, vector<16xf32>,
        %add3A_122 = arith.addf %add3A_115, %get3A_121 : vector<16xf32>
        %mul3A_123 = arith.constant 16 : i32
        %mul3A_124 = arith.muli %add3A_60, %mul3A_123 : i32
        %get3A_125 = arith.constant 9 : i32
        %get3A_126 = arith.index_cast %get3A_125 : i32 to index
        %get3A_127 = arith.index_cast %mul3A_124 : i32 to index
        %get3A_128 = tpu.vector_load %arg16[%get3A_126, %get3A_127] {strides = array<i32>} : memref<16x640xf32, #tpu.memory_space<vmem>>, vector<16xf32>,
        %add3A_129 = arith.addf %add3A_122, %get3A_128 : vector<16xf32>
        %mul3A_130 = arith.constant 16 : i32
        %mul3A_131 = arith.muli %add3A_60, %mul3A_130 : i32
        %get3A_132 = arith.constant 10 : i32
        %get3A_133 = arith.index_cast %get3A_132 : i32 to index
        %get3A_134 = arith.index_cast %mul3A_131 : i32 to index
        %get3A_135 = tpu.vector_load %arg16[%get3A_133, %get3A_134] {strides = array<i32>} : memref<16x640xf32, #tpu.memory_space<vmem>>, vector<16xf32>,
        %add3A_136 = arith.addf %add3A_129, %get3A_135 : vector<16xf32>
        %mul3A_137 = arith.constant 16 : i32
        %mul3A_138 = arith.muli %add3A_60, %mul3A_137 : i32
        %get3A_139 = arith.constant 11 : i32
        %get3A_140 = arith.index_cast %get3A_139 : i32 to index
        %get3A_141 = arith.index_cast %mul3A_138 : i32 to index
        %get3A_142 = tpu.vector_load %arg16[%get3A_140, %get3A_141] {strides = array<i32>} : memref<16x640xf32, #tpu.memory_space<vmem>>, vector<16xf32>,
        %add3A_143 = arith.addf %add3A_136, %get3A_142 : vector<16xf32>
        %mul3A_144 = arith.constant 16 : i32
        %mul3A_145 = arith.muli %add3A_60, %mul3A_144 : i32
        %get3A_146 = arith.constant 12 : i32
        %get3A_147 = arith.index_cast %get3A_146 : i32 to index
        %get3A_148 = arith.index_cast %mul3A_145 : i32 to index
        %get3A_149 = tpu.vector_load %arg16[%get3A_147, %get3A_148] {strides = array<i32>} : memref<16x640xf32, #tpu.memory_space<vmem>>, vector<16xf32>,
        %add3A_150 = arith.addf %add3A_143, %get3A_149 : vector<16xf32>
        %mul3A_151 = arith.constant 16 : i32
        %mul3A_152 = arith.muli %add3A_60, %mul3A_151 : i32
        %get3A_153 = arith.constant 13 : i32
        %get3A_154 = arith.index_cast %get3A_153 : i32 to index
        %get3A_155 = arith.index_cast %mul3A_152 : i32 to index
        %get3A_156 = tpu.vector_load %arg16[%get3A_154, %get3A_155] {strides = array<i32>} : memref<16x640xf32, #tpu.memory_space<vmem>>, vector<16xf32>,
        %add3A_157 = arith.addf %add3A_150, %get3A_156 : vector<16xf32>
        %mul3A_158 = arith.constant 16 : i32
        %mul3A_159 = arith.muli %add3A_60, %mul3A_158 : i32
        %get3A_160 = arith.constant 14 : i32
        %get3A_161 = arith.index_cast %get3A_160 : i32 to index
        %get3A_162 = arith.index_cast %mul3A_159 : i32 to index
        %get3A_163 = tpu.vector_load %arg16[%get3A_161, %get3A_162] {strides = array<i32>} : memref<16x640xf32, #tpu.memory_space<vmem>>, vector<16xf32>,
        %add3A_164 = arith.addf %add3A_157, %get3A_163 : vector<16xf32>
        %mul3A_165 = arith.constant 16 : i32
        %mul3A_166 = arith.muli %add3A_60, %mul3A_165 : i32
        %get3A_167 = arith.constant 15 : i32
        %get3A_168 = arith.index_cast %get3A_167 : i32 to index
        %get3A_169 = arith.index_cast %mul3A_166 : i32 to index
        %get3A_170 = tpu.vector_load %arg16[%get3A_168, %get3A_169] {strides = array<i32>} : memref<16x640xf32, #tpu.memory_space<vmem>>, vector<16xf32>,
        %add3A_171 = arith.addf %add3A_164, %get3A_170 : vector<16xf32>
        %mul3A_172 = arith.constant 640 : i32
        %mul3A_173 = arith.muli %arg1, %mul3A_172 : i32
        %mul3A_174 = arith.constant 16 : i32
        %mul3A_175 = arith.muli %add3A_60, %mul3A_174 : i32
        %add3A_176 = arith.addi %mul3A_173, %mul3A_175 : i32
        %get3A_177 = arith.index_cast %add3A_176 : i32 to index
        %get3A_178 = tpu.vector_load %arg10[%get3A_177] {strides = array<i32>} : memref<10240xf32, #tpu.memory_space<vmem>>, vector<16xf32>,
        %mul3A_179 = arith.constant 16 : i32
        %mul3A_180 = arith.muli %add3A_60, %mul3A_179 : i32
        %get3A_181 = arith.index_cast %mul3A_180 : i32 to index
        %get3A_182 = tpu.vector_load %arg13[%get3A_181] {strides = array<i32>} : memref<640xf32, #tpu.memory_space<vmem>>, vector<16xf32>,
        %add3A_183 = arith.addf %add3A_171, %get3A_178 : vector<16xf32>
        %mul3A_184 = arith.mulf %get3A_182, %add3A_183 : vector<16xf32>
        %add3A_185 = arith.addf %mul3A_184, %get3A_24 : vector<16xf32>
        %mul3A_186 = arith.constant 16 : i32
        %mul3A_187 = arith.muli %add3A_60, %mul3A_186 : i32
        %swap3A = arith.index_cast %mul3A_187 : i32 to index
        %swap3A_188 = tpu.vector_load %arg12[%swap3A] {strides = array<i32>} : memref<640xf32, #tpu.memory_space<vmem>>, vector<16xf32>,
        tpu.vector_store %arg12[%swap3A], %add3A_185 {strides = array<i32>} : memref<640xf32, #tpu.memory_space<vmem>>, vector<16xf32>,
      }
      %scan3A_29 = arith.constant 40 : i32
      %barrier3A_30 = arith.constant 0 : index
      tpu.barrier barrier_id(%barrier3A_30)
      %mul3A_31 = arith.constant 640 : i32
      %mul3A_32 = arith.muli %arg1, %mul3A_31 : i32
      %run_scoped3A = arith.constant 0 : i32
      "tpu.region"() ({
        %run_scoped3A_56 = tpu.sem_alloc : memref<!tpu.dma_semaphore, #tpu.memory_space<semaphore_mem>>
        %dma_start3A = arith.constant 0 : i32
        %dma_start3A_57 = tpu.memref_slice %arg17[%run_scoped3A, %dma_start3A] : memref<16x10240xf32, #tpu.memory_space<vmem_shared>> -> memref<1x10240xf32, #tpu.memory_space<vmem_shared>>
        %dma_start3A_58 = tpu.memref_squeeze %dma_start3A_57 : memref<1x10240xf32, #tpu.memory_space<vmem_shared>> -> memref<10240xf32, #tpu.memory_space<vmem_shared>>
        %dma_start3A_59 = tpu.memref_slice %dma_start3A_58[%mul3A_32] : memref<10240xf32, #tpu.memory_space<vmem_shared>> -> memref<640xf32, #tpu.memory_space<vmem_shared>>
        %dma_start3A_60 = arith.constant 0 : i32
        %dma_start3A_61 = tpu.memref_slice %arg17[%run_scoped3A, %dma_start3A_60] : memref<16x10240xf32, #tpu.memory_space<vmem_shared>> -> memref<1x10240xf32, #tpu.memory_space<vmem_shared>>
        %dma_start3A_62 = tpu.memref_squeeze %dma_start3A_61 : memref<1x10240xf32, #tpu.memory_space<vmem_shared>> -> memref<10240xf32, #tpu.memory_space<vmem_shared>>
        %dma_start3A_63 = tpu.memref_slice %dma_start3A_62[%mul3A_32] : memref<10240xf32, #tpu.memory_space<vmem_shared>> -> memref<640xf32, #tpu.memory_space<vmem_shared>>
        tpu.enqueue_dma source(%arg12 : memref<640xf32, #tpu.memory_space<vmem>>) target(%dma_start3A_63 : memref<640xf32, #tpu.memory_space<vmem_shared>>) target_semaphore(%run_scoped3A_56 : memref<!tpu.dma_semaphore, #tpu.memory_space<semaphore_mem>>)
        %dma_wait3A = arith.constant 0 : i32
        %dma_wait3A_64 = tpu.memref_slice %arg17[%run_scoped3A, %dma_wait3A] : memref<16x10240xf32, #tpu.memory_space<vmem_shared>> -> memref<1x10240xf32, #tpu.memory_space<vmem_shared>>
        %dma_wait3A_65 = tpu.memref_squeeze %dma_wait3A_64 : memref<1x10240xf32, #tpu.memory_space<vmem_shared>> -> memref<10240xf32, #tpu.memory_space<vmem_shared>>
        %dma_wait3A_66 = tpu.memref_slice %dma_wait3A_65[%mul3A_32] : memref<10240xf32, #tpu.memory_space<vmem_shared>> -> memref<640xf32, #tpu.memory_space<vmem_shared>>
        %dma_wait3A_67 = arith.constant 0 : i32
        %dma_wait3A_68 = tpu.memref_slice %arg17[%run_scoped3A, %dma_wait3A_67] : memref<16x10240xf32, #tpu.memory_space<vmem_shared>> -> memref<1x10240xf32, #tpu.memory_space<vmem_shared>>
        %dma_wait3A_69 = tpu.memref_squeeze %dma_wait3A_68 : memref<1x10240xf32, #tpu.memory_space<vmem_shared>> -> memref<10240xf32, #tpu.memory_space<vmem_shared>>
        %dma_wait3A_70 = tpu.memref_slice %dma_wait3A_69[%mul3A_32] : memref<10240xf32, #tpu.memory_space<vmem_shared>> -> memref<640xf32, #tpu.memory_space<vmem_shared>>
        tpu.wait_dma2 semaphore(%run_scoped3A_56 : memref<!tpu.dma_semaphore, #tpu.memory_space<semaphore_mem>>) src(%arg12 : memref<640xf32, #tpu.memory_space<vmem>>) dst(%dma_wait3A_70 : memref<640xf32, #tpu.memory_space<vmem_shared>>)
        tpu.yield
      }) : () -> ()
      %barrier3A_33 = arith.constant 0 : index
      tpu.barrier barrier_id(%barrier3A_33)
      %run_scoped3A_34 = arith.constant 0 : i32
      "tpu.region"() ({
        %run_scoped3A_56 = tpu.sem_alloc : memref<!tpu.dma_semaphore, #tpu.memory_space<semaphore_mem>>
        %dma_start3A = arith.constant 0 : i32
        %dma_start3A_57 = tpu.memref_slice %arg17[%run_scoped3A_34, %dma_start3A] : memref<16x10240xf32, #tpu.memory_space<vmem_shared>> -> memref<1x10240xf32, #tpu.memory_space<vmem_shared>>
        %dma_start3A_58 = tpu.memref_squeeze %dma_start3A_57 : memref<1x10240xf32, #tpu.memory_space<vmem_shared>> -> memref<10240xf32, #tpu.memory_space<vmem_shared>>
        %dma_start3A_59 = arith.constant 0 : i32
        %dma_start3A_60 = tpu.memref_slice %arg17[%run_scoped3A_34, %dma_start3A_59] : memref<16x10240xf32, #tpu.memory_space<vmem_shared>> -> memref<1x10240xf32, #tpu.memory_space<vmem_shared>>
        %dma_start3A_61 = tpu.memref_squeeze %dma_start3A_60 : memref<1x10240xf32, #tpu.memory_space<vmem_shared>> -> memref<10240xf32, #tpu.memory_space<vmem_shared>>
        tpu.enqueue_dma source(%dma_start3A_61 : memref<10240xf32, #tpu.memory_space<vmem_shared>>) target(%arg10 : memref<10240xf32, #tpu.memory_space<vmem>>) target_semaphore(%run_scoped3A_56 : memref<!tpu.dma_semaphore, #tpu.memory_space<semaphore_mem>>)
        %dma_wait3A = arith.constant 0 : i32
        %dma_wait3A_62 = tpu.memref_slice %arg17[%run_scoped3A_34, %dma_wait3A] : memref<16x10240xf32, #tpu.memory_space<vmem_shared>> -> memref<1x10240xf32, #tpu.memory_space<vmem_shared>>
        %dma_wait3A_63 = tpu.memref_squeeze %dma_wait3A_62 : memref<1x10240xf32, #tpu.memory_space<vmem_shared>> -> memref<10240xf32, #tpu.memory_space<vmem_shared>>
        %dma_wait3A_64 = arith.constant 0 : i32
        %dma_wait3A_65 = tpu.memref_slice %arg17[%run_scoped3A_34, %dma_wait3A_64] : memref<16x10240xf32, #tpu.memory_space<vmem_shared>> -> memref<1x10240xf32, #tpu.memory_space<vmem_shared>>
        %dma_wait3A_66 = tpu.memref_squeeze %dma_wait3A_65 : memref<1x10240xf32, #tpu.memory_space<vmem_shared>> -> memref<10240xf32, #tpu.memory_space<vmem_shared>>
        tpu.wait_dma2 semaphore(%run_scoped3A_56 : memref<!tpu.dma_semaphore, #tpu.memory_space<semaphore_mem>>) src(%dma_wait3A_66 : memref<10240xf32, #tpu.memory_space<vmem_shared>>) dst(%arg10 : memref<10240xf32, #tpu.memory_space<vmem>>)
        tpu.yield
      }) : () -> ()
      %scan3A_35 = arith.constant 0 : i32
      %scan3A_36 = arith.constant 80 : i32
      %scan3A_37 = arith.addi %scan3A_35, %scan3A_36 : i32
      %scan3A_38 = arith.constant 1 : i32
      scf.for %scan3A_56 = %scan3A_35 to %scan3A_37 step %scan3A_38  : i32 {
        %mul3A_57 = arith.constant 1 : i32
        %mul3A_58 = arith.muli %scan3A_56, %mul3A_57 : i32
        %add3A_59 = arith.constant 0 : i32
        %add3A_60 = arith.addi %add3A_59, %mul3A_58 : i32
        %scan3A_61 = arith.constant 0 : i32
        %scan3A_62 = arith.constant 8 : i32
        %scan3A_63 = arith.addi %scan3A_61, %scan3A_62 : i32
        %scan3A_64 = arith.constant 1 : i32
        scf.for %scan3A_66 = %scan3A_61 to %scan3A_63 step %scan3A_64  : i32 {
          %mul3A_67 = arith.constant 1 : i32
          %mul3A_68 = arith.muli %scan3A_66, %mul3A_67 : i32
          %add3A_69 = arith.constant 0 : i32
          %add3A_70 = arith.addi %add3A_69, %mul3A_68 : i32
          %mul3A_71 = arith.constant 16 : i32
          %mul3A_72 = arith.muli %add3A_70, %mul3A_71 : i32
          %get3A_73 = arith.constant 0 : i32
          %get3A_74 = arith.index_cast %get3A_73 : i32 to index
          %get3A_75 = arith.index_cast %add3A_60 : i32 to index
          %get3A_76 = arith.index_cast %mul3A_72 : i32 to index
          %get3A_77 = tpu.vector_load %arg8[%get3A_74, %get3A_75, %get3A_76] {strides = array<i32>} : memref<2x80x128xi32, #tpu.memory_space<vmem>>, vector<16xi32>,
          %mul3A_78 = arith.constant 16 : i32
          %mul3A_79 = arith.muli %add3A_70, %mul3A_78 : i32
          %get3A_80 = arith.constant 0 : i32
          %get3A_81 = arith.index_cast %get3A_80 : i32 to index
          %get3A_82 = arith.index_cast %add3A_60 : i32 to index
          %get3A_83 = arith.index_cast %mul3A_79 : i32 to index
          %get3A_84 = tpu.vector_load %arg9[%get3A_81, %get3A_82, %get3A_83] {strides = array<i32>} : memref<2x80x128xi32, #tpu.memory_space<vmem>>, vector<16xi32>,
          %gather3A = tpu.vector_load_idx %arg10[%get3A_77] : memref<10240xf32, #tpu.memory_space<vmem>>[vector<16xi32>], vector<16xf32>,
          %gather3A_85 = tpu.vector_load_idx %arg10[%get3A_84] : memref<10240xf32, #tpu.memory_space<vmem>>[vector<16xi32>], vector<16xf32>,
          %mul3A_86 = arith.mulf %gather3A, %gather3A_85 : vector<16xf32>
          %neg3A = arith.constant 0.000000e+00 : f32
          %neg3A_87 = vector.broadcast %neg3A : f32 to vector<16xf32>
          %neg3A_88 = arith.subf %neg3A_87, %mul3A_86 : vector<16xf32>
          %exp3A = math.exp %neg3A_88 : vector<16xf32>
          %add3A_89 = arith.constant 1.000000e+00 : f32
          %add3A_90 = vector.broadcast %add3A_89 : f32 to vector<16xf32>
          %add3A_91 = arith.addf %add3A_90, %exp3A : vector<16xf32>
          %div3A = arith.constant 1.000000e+00 : f32
          %div3A_92 = vector.broadcast %div3A : f32 to vector<16xf32>
          %div3A_93 = arith.divf %div3A_92, %add3A_91 : vector<16xf32>
          %mul3A_94 = arith.constant 8 : i32
          %mul3A_95 = arith.muli %add3A_60, %mul3A_94 : i32
          %add3A_96 = arith.addi %mul3A_95, %add3A_70 : i32
          %mul3A_97 = arith.constant 16 : i32
          %mul3A_98 = arith.muli %add3A_96, %mul3A_97 : i32
          %swap3A = arith.index_cast %mul3A_98 : i32 to index
          %swap3A_99 = tpu.vector_load %arg15[%swap3A] {strides = array<i32>} : memref<10240xf32, #tpu.memory_space<vmem>>, vector<16xf32>,
          tpu.vector_store %arg15[%swap3A], %div3A_93 {strides = array<i32>} : memref<10240xf32, #tpu.memory_space<vmem>>, vector<16xf32>,
        }
        %scan3A_65 = arith.constant 8 : i32
      }
      %scan3A_39 = arith.constant 80 : i32
      %mul3A_40 = arith.constant 2 : i32
      %mul3A_41 = arith.muli %mul3A_40, %arg1 : i32
      %add3A = arith.constant 0 : i32
      %add3A_42 = arith.addi %mul3A_41, %add3A : i32
      %mul3A_43 = arith.constant 10000 : i32
      %mul3A_44 = arith.muli %add3A_42, %mul3A_43 : i32
      "tpu.region"() ({
        %run_scoped3A_56 = tpu.sem_alloc : memref<!tpu.dma_semaphore, #tpu.memory_space<semaphore_mem>>
        %dma_start3A = arith.constant 0 : i32
        %dma_start3A_57 = tpu.memref_slice %arg15[%dma_start3A] : memref<10240xf32, #tpu.memory_space<vmem>> -> memref<10000xf32, #tpu.memory_space<vmem>>
        %dma_start3A_58 = tpu.memref_slice %arg7[%mul3A_44] : memref<320000xf32, #tpu.memory_space<hbm>> -> memref<10000xf32, #tpu.memory_space<hbm>>
        %dma_start3A_59 = tpu.memref_slice %arg7[%mul3A_44] : memref<320000xf32, #tpu.memory_space<hbm>> -> memref<10000xf32, #tpu.memory_space<hbm>>
        %dma_start3A_60 = arith.constant 0 : i32
        %dma_start3A_61 = tpu.memref_slice %arg15[%dma_start3A_60] : memref<10240xf32, #tpu.memory_space<vmem>> -> memref<10000xf32, #tpu.memory_space<vmem>>
        tpu.enqueue_dma source(%dma_start3A_61 : memref<10000xf32, #tpu.memory_space<vmem>>) target(%dma_start3A_59 : memref<10000xf32, #tpu.memory_space<hbm>>) target_semaphore(%run_scoped3A_56 : memref<!tpu.dma_semaphore, #tpu.memory_space<semaphore_mem>>)
        %dma_wait3A = arith.constant 0 : i32
        %dma_wait3A_62 = tpu.memref_slice %arg15[%dma_wait3A] : memref<10240xf32, #tpu.memory_space<vmem>> -> memref<10000xf32, #tpu.memory_space<vmem>>
        %dma_wait3A_63 = tpu.memref_slice %arg7[%mul3A_44] : memref<320000xf32, #tpu.memory_space<hbm>> -> memref<10000xf32, #tpu.memory_space<hbm>>
        %dma_wait3A_64 = tpu.memref_slice %arg7[%mul3A_44] : memref<320000xf32, #tpu.memory_space<hbm>> -> memref<10000xf32, #tpu.memory_space<hbm>>
        %dma_wait3A_65 = arith.constant 0 : i32
        %dma_wait3A_66 = tpu.memref_slice %arg15[%dma_wait3A_65] : memref<10240xf32, #tpu.memory_space<vmem>> -> memref<10000xf32, #tpu.memory_space<vmem>>
        tpu.wait_dma2 semaphore(%run_scoped3A_56 : memref<!tpu.dma_semaphore, #tpu.memory_space<semaphore_mem>>) src(%dma_wait3A_66 : memref<10000xf32, #tpu.memory_space<vmem>>) dst(%dma_wait3A_64 : memref<10000xf32, #tpu.memory_space<hbm>>)
        tpu.yield
      }) : () -> ()
      %scan3A_45 = arith.constant 0 : i32
      %scan3A_46 = arith.constant 80 : i32
      %scan3A_47 = arith.addi %scan3A_45, %scan3A_46 : i32
      %scan3A_48 = arith.constant 1 : i32
      scf.for %scan3A_56 = %scan3A_45 to %scan3A_47 step %scan3A_48  : i32 {
        %mul3A_57 = arith.constant 1 : i32
        %mul3A_58 = arith.muli %scan3A_56, %mul3A_57 : i32
        %add3A_59 = arith.constant 0 : i32
        %add3A_60 = arith.addi %add3A_59, %mul3A_58 : i32
        %scan3A_61 = arith.constant 0 : i32
        %scan3A_62 = arith.constant 8 : i32
        %scan3A_63 = arith.addi %scan3A_61, %scan3A_62 : i32
        %scan3A_64 = arith.constant 1 : i32
        scf.for %scan3A_66 = %scan3A_61 to %scan3A_63 step %scan3A_64  : i32 {
          %mul3A_67 = arith.constant 1 : i32
          %mul3A_68 = arith.muli %scan3A_66, %mul3A_67 : i32
          %add3A_69 = arith.constant 0 : i32
          %add3A_70 = arith.addi %add3A_69, %mul3A_68 : i32
          %mul3A_71 = arith.constant 16 : i32
          %mul3A_72 = arith.muli %add3A_70, %mul3A_71 : i32
          %get3A_73 = arith.constant 1 : i32
          %get3A_74 = arith.index_cast %get3A_73 : i32 to index
          %get3A_75 = arith.index_cast %add3A_60 : i32 to index
          %get3A_76 = arith.index_cast %mul3A_72 : i32 to index
          %get3A_77 = tpu.vector_load %arg8[%get3A_74, %get3A_75, %get3A_76] {strides = array<i32>} : memref<2x80x128xi32, #tpu.memory_space<vmem>>, vector<16xi32>,
          %mul3A_78 = arith.constant 16 : i32
          %mul3A_79 = arith.muli %add3A_70, %mul3A_78 : i32
          %get3A_80 = arith.constant 1 : i32
          %get3A_81 = arith.index_cast %get3A_80 : i32 to index
          %get3A_82 = arith.index_cast %add3A_60 : i32 to index
          %get3A_83 = arith.index_cast %mul3A_79 : i32 to index
          %get3A_84 = tpu.vector_load %arg9[%get3A_81, %get3A_82, %get3A_83] {strides = array<i32>} : memref<2x80x128xi32, #tpu.memory_space<vmem>>, vector<16xi32>,
          %gather3A = tpu.vector_load_idx %arg10[%get3A_77] : memref<10240xf32, #tpu.memory_space<vmem>>[vector<16xi32>], vector<16xf32>,
          %gather3A_85 = tpu.vector_load_idx %arg10[%get3A_84] : memref<10240xf32, #tpu.memory_space<vmem>>[vector<16xi32>], vector<16xf32>,
          %mul3A_86 = arith.mulf %gather3A, %gather3A_85 : vector<16xf32>
          %neg3A = arith.constant 0.000000e+00 : f32
          %neg3A_87 = vector.broadcast %neg3A : f32 to vector<16xf32>
          %neg3A_88 = arith.subf %neg3A_87, %mul3A_86 : vector<16xf32>
          %exp3A = math.exp %neg3A_88 : vector<16xf32>
          %add3A_89 = arith.constant 1.000000e+00 : f32
          %add3A_90 = vector.broadcast %add3A_89 : f32 to vector<16xf32>
          %add3A_91 = arith.addf %add3A_90, %exp3A : vector<16xf32>
          %div3A = arith.constant 1.000000e+00 : f32
          %div3A_92 = vector.broadcast %div3A : f32 to vector<16xf32>
          %div3A_93 = arith.divf %div3A_92, %add3A_91 : vector<16xf32>
          %mul3A_94 = arith.constant 8 : i32
          %mul3A_95 = arith.muli %add3A_60, %mul3A_94 : i32
          %add3A_96 = arith.addi %mul3A_95, %add3A_70 : i32
          %mul3A_97 = arith.constant 16 : i32
          %mul3A_98 = arith.muli %add3A_96, %mul3A_97 : i32
          %swap3A = arith.index_cast %mul3A_98 : i32 to index
          %swap3A_99 = tpu.vector_load %arg15[%swap3A] {strides = array<i32>} : memref<10240xf32, #tpu.memory_space<vmem>>, vector<16xf32>,
          tpu.vector_store %arg15[%swap3A], %div3A_93 {strides = array<i32>} : memref<10240xf32, #tpu.memory_space<vmem>>, vector<16xf32>,
        }
        %scan3A_65 = arith.constant 8 : i32
      }
      %scan3A_49 = arith.constant 80 : i32
      %mul3A_50 = arith.constant 2 : i32
      %mul3A_51 = arith.muli %mul3A_50, %arg1 : i32
      %add3A_52 = arith.constant 1 : i32
      %add3A_53 = arith.addi %mul3A_51, %add3A_52 : i32
      %mul3A_54 = arith.constant 10000 : i32
      %mul3A_55 = arith.muli %add3A_53, %mul3A_54 : i32
      "tpu.region"() ({
        %run_scoped3A_56 = tpu.sem_alloc : memref<!tpu.dma_semaphore, #tpu.memory_space<semaphore_mem>>
        %dma_start3A = arith.constant 0 : i32
        %dma_start3A_57 = tpu.memref_slice %arg15[%dma_start3A] : memref<10240xf32, #tpu.memory_space<vmem>> -> memref<10000xf32, #tpu.memory_space<vmem>>
        %dma_start3A_58 = tpu.memref_slice %arg7[%mul3A_55] : memref<320000xf32, #tpu.memory_space<hbm>> -> memref<10000xf32, #tpu.memory_space<hbm>>
        %dma_start3A_59 = tpu.memref_slice %arg7[%mul3A_55] : memref<320000xf32, #tpu.memory_space<hbm>> -> memref<10000xf32, #tpu.memory_space<hbm>>
        %dma_start3A_60 = arith.constant 0 : i32
        %dma_start3A_61 = tpu.memref_slice %arg15[%dma_start3A_60] : memref<10240xf32, #tpu.memory_space<vmem>> -> memref<10000xf32, #tpu.memory_space<vmem>>
        tpu.enqueue_dma source(%dma_start3A_61 : memref<10000xf32, #tpu.memory_space<vmem>>) target(%dma_start3A_59 : memref<10000xf32, #tpu.memory_space<hbm>>) target_semaphore(%run_scoped3A_56 : memref<!tpu.dma_semaphore, #tpu.memory_space<semaphore_mem>>)
        %dma_wait3A = arith.constant 0 : i32
        %dma_wait3A_62 = tpu.memref_slice %arg15[%dma_wait3A] : memref<10240xf32, #tpu.memory_space<vmem>> -> memref<10000xf32, #tpu.memory_space<vmem>>
        %dma_wait3A_63 = tpu.memref_slice %arg7[%mul3A_55] : memref<320000xf32, #tpu.memory_space<hbm>> -> memref<10000xf32, #tpu.memory_space<hbm>>
        %dma_wait3A_64 = tpu.memref_slice %arg7[%mul3A_55] : memref<320000xf32, #tpu.memory_space<hbm>> -> memref<10000xf32, #tpu.memory_space<hbm>>
        %dma_wait3A_65 = arith.constant 0 : i32
        %dma_wait3A_66 = tpu.memref_slice %arg15[%dma_wait3A_65] : memref<10240xf32, #tpu.memory_space<vmem>> -> memref<10000xf32, #tpu.memory_space<vmem>>
        tpu.wait_dma2 semaphore(%run_scoped3A_56 : memref<!tpu.dma_semaphore, #tpu.memory_space<semaphore_mem>>) src(%dma_wait3A_66 : memref<10000xf32, #tpu.memory_space<vmem>>) dst(%dma_wait3A_64 : memref<10000xf32, #tpu.memory_space<hbm>>)
        tpu.yield
      }) : () -> ()
    } else {
    }
    return
  }
}

module attributes {stable_mosaic.version = 14 : i64} {
  func.func @body(%arg0: i32, %arg1: memref<1280x128xf32, #tpu.memory_space<vmem>>, %arg2: memref<128x128xf32, #tpu.memory_space<vmem>>, %arg3: memref<1280x32xf32, #tpu.memory_space<vmem>>, %arg4: memref<1280x1xf32, #tpu.memory_space<vmem>>, %arg5: memref<2x1280x64xf32, #tpu.memory_space<vmem>>) attributes {dimension_semantics = [#tpu.dimension_semantics<arbitrary>], iteration_bounds = array<i64: 8>, scalar_prefetch = 0 : i64, scratch_operands = 0 : i64, tpu.core_type = #tpu.core_type<tc>, window_params = [{transform_indices = @transform_0, window_bounds = array<i64: 1280, 128>}, {pipeline_mode = #tpu.pipeline_mode<synchronous>, transform_indices = @transform_1, window_bounds = array<i64: 128, 128>}, {transform_indices = @transform_2, window_bounds = array<i64: 1280, 32>}, {transform_indices = @transform_3, window_bounds = array<i64: 1280, 1>}, {transform_indices = @transform_4, window_bounds = array<i64: 2, 1280, 64>}]} {
    %get3A = arith.constant 0 : index
    %get3A_0 = arith.constant 0 : index
    %get3A_1 = vector.load %arg1[%get3A, %get3A_0] : memref<1280x128xf32, #tpu.memory_space<vmem>>, vector<1280x128xf32>
    %get3A_2 = arith.constant 0 : index
    %get3A_3 = arith.constant 0 : index
    %get3A_4 = vector.load %arg2[%get3A_2, %get3A_3] : memref<128x128xf32, #tpu.memory_space<vmem>>, vector<128x128xf32>
    %dot_general3A = arith.constant dense<0.000000e+00> : vector<1280x128xf32>
    %dot_general3A_5 = tpu.matmul %get3A_1, %get3A_4, %dot_general3A {dimension_numbers = #tpu.dot_dimension_numbers<[1], [0], [0], [1], [0, 0, 1, 1], [], []>, transpose_lhs_hint = false} : vector<1280x128xf32>, vector<128x128xf32>, vector<1280x128xf32> -> vector<1280x128xf32>
    %get3A_6 = arith.constant 0 : index
    %get3A_7 = arith.constant 0 : index
    %get3A_8 = vector.load %arg3[%get3A_6, %get3A_7] : memref<1280x32xf32, #tpu.memory_space<vmem>>, vector<1280x32xf32>
    %reduce_sum3A = arith.constant dense<0.000000e+00> : vector<1280xf32>
    %reduce_sum3A_9 = vector.multi_reduction <add>, %get3A_8, %reduce_sum3A [1] : vector<1280x32xf32> to vector<1280xf32>
    %broadcast_in_dim3A = vector.shape_cast %reduce_sum3A_9 : vector<1280xf32> to vector<1280x1xf32>
    %add3A = arith.constant 1.000000e+00 : f32
    %add3A_10 = vector.broadcast %add3A : f32 to vector<1280x1xf32>
    %add3A_11 = arith.addf %broadcast_in_dim3A, %add3A_10 : vector<1280x1xf32>
    %rsqrt3A = math.rsqrt %add3A_11 : vector<1280x1xf32>
    %swap3A = arith.constant 0 : index
    %swap3A_12 = arith.constant 0 : index
    %swap3A_13 = vector.load %arg4[%swap3A, %swap3A_12] : memref<1280x1xf32, #tpu.memory_space<vmem>>, vector<1280x1xf32>
    tpu.vector_store %arg4[%swap3A, %swap3A_12], %rsqrt3A {strides = array<i32>} : memref<1280x1xf32, #tpu.memory_space<vmem>>, vector<1280x1xf32>,
    %mul3A = vector.broadcast %rsqrt3A : vector<1280x1xf32> to vector<1280x128xf32>
    %mul3A_14 = arith.mulf %dot_general3A_5, %mul3A : vector<1280x128xf32>
    %slice3A = vector.extract_strided_slice %mul3A_14 {offsets = [0, 0], sizes = [1280, 64], strides = [1, 1]} : vector<1280x128xf32> to vector<1280x64xf32>
    %swap3A_15 = arith.constant 0 : index
    %swap3A_16 = arith.constant 0 : index
    %swap3A_17 = arith.constant 0 : index
    %swap3A_18 = vector.load %arg5[%swap3A_15, %swap3A_16, %swap3A_17] : memref<2x1280x64xf32, #tpu.memory_space<vmem>>, vector<1x1280x64xf32>
    %swap3A_19 = vector.shape_cast %swap3A_18 : vector<1x1280x64xf32> to vector<1280x64xf32>
    %swap3A_20 = vector.shape_cast %slice3A : vector<1280x64xf32> to vector<1x1280x64xf32>
    tpu.vector_store %arg5[%swap3A_15, %swap3A_16, %swap3A_17], %swap3A_20 {strides = array<i32>} : memref<2x1280x64xf32, #tpu.memory_space<vmem>>, vector<1x1280x64xf32>,
    %slice3A_21 = vector.extract_strided_slice %mul3A_14 {offsets = [0, 64], sizes = [1280, 64], strides = [1, 1]} : vector<1280x128xf32> to vector<1280x64xf32>
    %swap3A_22 = arith.constant 1 : index
    %swap3A_23 = arith.constant 0 : index
    %swap3A_24 = arith.constant 0 : index
    %swap3A_25 = vector.load %arg5[%swap3A_22, %swap3A_23, %swap3A_24] : memref<2x1280x64xf32, #tpu.memory_space<vmem>>, vector<1x1280x64xf32>
    %swap3A_26 = vector.shape_cast %swap3A_25 : vector<1x1280x64xf32> to vector<1280x64xf32>
    %swap3A_27 = vector.shape_cast %slice3A_21 : vector<1280x64xf32> to vector<1x1280x64xf32>
    tpu.vector_store %arg5[%swap3A_22, %swap3A_23, %swap3A_24], %swap3A_27 {strides = array<i32>} : memref<2x1280x64xf32, #tpu.memory_space<vmem>>, vector<1x1280x64xf32>,
    return
  }
  func.func @transform_0(%arg0: i32) -> (i32, i32) {
    %c0_i32 = arith.constant 0 : i32
    %c0_i32_0 = arith.constant 0 : i32
    return %arg0, %c0_i32 : i32, i32
  }
  func.func @transform_1(%arg0: i32) -> (i32, i32) {
    %c0_i32 = arith.constant 0 : i32
    %c0_i32_0 = arith.constant 0 : i32
    %c0_i32_1 = arith.constant 0 : i32
    return %c0_i32, %c0_i32_0 : i32, i32
  }
  func.func @transform_2(%arg0: i32) -> (i32, i32) {
    %c0_i32 = arith.constant 0 : i32
    %c0_i32_0 = arith.constant 0 : i32
    return %arg0, %c0_i32 : i32, i32
  }
  func.func @transform_3(%arg0: i32) -> (i32, i32) {
    %c0_i32 = arith.constant 0 : i32
    %c0_i32_0 = arith.constant 0 : i32
    return %arg0, %c0_i32 : i32, i32
  }
  func.func @transform_4(%arg0: i32) -> (i32, i32, i32) {
    %c0_i32 = arith.constant 0 : i32
    %c0_i32_0 = arith.constant 0 : i32
    %c0_i32_1 = arith.constant 0 : i32
    return %c0_i32, %arg0, %c0_i32_0 : i32, i32, i32
  }
}

module attributes {stable_mosaic.version = 14 : i64} {
  func.func @body(%arg0: i32, %arg1: memref<2x1280x64xf32, #tpu.memory_space<vmem>>, %arg2: memref<2x1280x64xf32, #tpu.memory_space<vmem>>, %arg3: memref<1280x1xf32, #tpu.memory_space<vmem>>, %arg4: memref<2x64xf32, #tpu.memory_space<vmem>>, %arg5: memref<2x64xf32, #tpu.memory_space<vmem>>, %arg6: memref<1280x1xf32, #tpu.memory_space<vmem>>) attributes {dimension_semantics = [#tpu.dimension_semantics<arbitrary>], iteration_bounds = array<i64: 8>, scalar_prefetch = 0 : i64, scratch_operands = 0 : i64, tpu.core_type = #tpu.core_type<tc>, window_params = [{transform_indices = @transform_0, window_bounds = array<i64: 2, 1280, 64>}, {transform_indices = @transform_1, window_bounds = array<i64: 2, 1280, 64>}, {transform_indices = @transform_2, window_bounds = array<i64: 1280, 1>}, {pipeline_mode = #tpu.pipeline_mode<synchronous>, transform_indices = @transform_3, window_bounds = array<i64: 2, 64>}, {pipeline_mode = #tpu.pipeline_mode<synchronous>, transform_indices = @transform_4, window_bounds = array<i64: 2, 64>}, {transform_indices = @transform_5, window_bounds = array<i64: 1280, 1>}]} {
    %get3A = arith.constant 0 : index
    %get3A_0 = arith.constant 0 : index
    %get3A_1 = vector.load %arg3[%get3A, %get3A_0] : memref<1280x1xf32, #tpu.memory_space<vmem>>, vector<1280x1xf32>
    %get3A_2 = arith.constant 0 : index
    %get3A_3 = arith.constant 0 : index
    %get3A_4 = vector.load %arg4[%get3A_2, %get3A_3] : memref<2x64xf32, #tpu.memory_space<vmem>>, vector<2x64xf32>
    %get3A_5 = arith.constant 0 : index
    %get3A_6 = arith.constant 0 : index
    %get3A_7 = vector.load %arg5[%get3A_5, %get3A_6] : memref<2x64xf32, #tpu.memory_space<vmem>>, vector<2x64xf32>
    %mul3A = arith.constant 0.000000e+00 : f32
    %mul3A_8 = vector.broadcast %mul3A : f32 to vector<1280x1xf32>
    %mul3A_9 = arith.mulf %get3A_1, %mul3A_8 : vector<1280x1xf32>
    %get3A_10 = arith.constant 0 : index
    %get3A_11 = arith.constant 0 : index
    %get3A_12 = arith.constant 0 : index
    %get3A_13 = vector.load %arg1[%get3A_10, %get3A_11, %get3A_12] : memref<2x1280x64xf32, #tpu.memory_space<vmem>>, vector<1x1280x64xf32>
    %get3A_14 = vector.shape_cast %get3A_13 : vector<1x1280x64xf32> to vector<1280x64xf32>
    %get3A_15 = arith.constant 0 : index
    %get3A_16 = arith.constant 0 : index
    %get3A_17 = arith.constant 0 : index
    %get3A_18 = vector.load %arg2[%get3A_15, %get3A_16, %get3A_17] : memref<2x1280x64xf32, #tpu.memory_space<vmem>>, vector<1x1280x64xf32>
    %get3A_19 = vector.shape_cast %get3A_18 : vector<1x1280x64xf32> to vector<1280x64xf32>
    %add3A = arith.addf %get3A_14, %get3A_19 : vector<1280x64xf32>
    %mul3A_20 = vector.broadcast %get3A_1 : vector<1280x1xf32> to vector<1280x64xf32>
    %mul3A_21 = arith.mulf %mul3A_20, %add3A : vector<1280x64xf32>
    %slice3A = vector.extract_strided_slice %get3A_4 {offsets = [0, 0], sizes = [1, 64], strides = [1, 1]} : vector<2x64xf32> to vector<1x64xf32>
    %squeeze3A = vector.shape_cast %slice3A : vector<1x64xf32> to vector<64xf32>
    %broadcast_in_dim3A = vector.shape_cast %squeeze3A : vector<64xf32> to vector<1x64xf32>
    %add3A_22 = vector.broadcast %broadcast_in_dim3A : vector<1x64xf32> to vector<1280x64xf32>
    %add3A_23 = arith.addf %mul3A_21, %add3A_22 : vector<1280x64xf32>
    %max3A = arith.constant 0.000000e+00 : f32
    %max3A_24 = vector.broadcast %max3A : f32 to vector<1280x64xf32>
    %max3A_25 = arith.maximumf %add3A_23, %max3A_24 : vector<1280x64xf32>
    %slice3A_26 = vector.extract_strided_slice %get3A_7 {offsets = [0, 0], sizes = [1, 64], strides = [1, 1]} : vector<2x64xf32> to vector<1x64xf32>
    %squeeze3A_27 = vector.shape_cast %slice3A_26 : vector<1x64xf32> to vector<64xf32>
    %broadcast_in_dim3A_28 = vector.shape_cast %squeeze3A_27 : vector<64xf32> to vector<1x64xf32>
    %mul3A_29 = vector.broadcast %broadcast_in_dim3A_28 : vector<1x64xf32> to vector<1280x64xf32>
    %mul3A_30 = arith.mulf %max3A_25, %mul3A_29 : vector<1280x64xf32>
    %reduce_sum3A = arith.constant dense<0.000000e+00> : vector<1280xf32>
    %reduce_sum3A_31 = vector.multi_reduction <add>, %mul3A_30, %reduce_sum3A [1] : vector<1280x64xf32> to vector<1280xf32>
    %broadcast_in_dim3A_32 = vector.shape_cast %reduce_sum3A_31 : vector<1280xf32> to vector<1280x1xf32>
    %add3A_33 = arith.addf %mul3A_9, %broadcast_in_dim3A_32 : vector<1280x1xf32>
    %get3A_34 = arith.constant 1 : index
    %get3A_35 = arith.constant 0 : index
    %get3A_36 = arith.constant 0 : index
    %get3A_37 = vector.load %arg1[%get3A_34, %get3A_35, %get3A_36] : memref<2x1280x64xf32, #tpu.memory_space<vmem>>, vector<1x1280x64xf32>
    %get3A_38 = vector.shape_cast %get3A_37 : vector<1x1280x64xf32> to vector<1280x64xf32>
    %get3A_39 = arith.constant 1 : index
    %get3A_40 = arith.constant 0 : index
    %get3A_41 = arith.constant 0 : index
    %get3A_42 = vector.load %arg2[%get3A_39, %get3A_40, %get3A_41] : memref<2x1280x64xf32, #tpu.memory_space<vmem>>, vector<1x1280x64xf32>
    %get3A_43 = vector.shape_cast %get3A_42 : vector<1x1280x64xf32> to vector<1280x64xf32>
    %add3A_44 = arith.addf %get3A_38, %get3A_43 : vector<1280x64xf32>
    %mul3A_45 = vector.broadcast %get3A_1 : vector<1280x1xf32> to vector<1280x64xf32>
    %mul3A_46 = arith.mulf %mul3A_45, %add3A_44 : vector<1280x64xf32>
    %slice3A_47 = vector.extract_strided_slice %get3A_4 {offsets = [1, 0], sizes = [1, 64], strides = [1, 1]} : vector<2x64xf32> to vector<1x64xf32>
    %squeeze3A_48 = vector.shape_cast %slice3A_47 : vector<1x64xf32> to vector<64xf32>
    %broadcast_in_dim3A_49 = vector.shape_cast %squeeze3A_48 : vector<64xf32> to vector<1x64xf32>
    %add3A_50 = vector.broadcast %broadcast_in_dim3A_49 : vector<1x64xf32> to vector<1280x64xf32>
    %add3A_51 = arith.addf %mul3A_46, %add3A_50 : vector<1280x64xf32>
    %max3A_52 = arith.constant 0.000000e+00 : f32
    %max3A_53 = vector.broadcast %max3A_52 : f32 to vector<1280x64xf32>
    %max3A_54 = arith.maximumf %add3A_51, %max3A_53 : vector<1280x64xf32>
    %slice3A_55 = vector.extract_strided_slice %get3A_7 {offsets = [1, 0], sizes = [1, 64], strides = [1, 1]} : vector<2x64xf32> to vector<1x64xf32>
    %squeeze3A_56 = vector.shape_cast %slice3A_55 : vector<1x64xf32> to vector<64xf32>
    %broadcast_in_dim3A_57 = vector.shape_cast %squeeze3A_56 : vector<64xf32> to vector<1x64xf32>
    %mul3A_58 = vector.broadcast %broadcast_in_dim3A_57 : vector<1x64xf32> to vector<1280x64xf32>
    %mul3A_59 = arith.mulf %max3A_54, %mul3A_58 : vector<1280x64xf32>
    %reduce_sum3A_60 = arith.constant dense<0.000000e+00> : vector<1280xf32>
    %reduce_sum3A_61 = vector.multi_reduction <add>, %mul3A_59, %reduce_sum3A_60 [1] : vector<1280x64xf32> to vector<1280xf32>
    %broadcast_in_dim3A_62 = vector.shape_cast %reduce_sum3A_61 : vector<1280xf32> to vector<1280x1xf32>
    %add3A_63 = arith.addf %add3A_33, %broadcast_in_dim3A_62 : vector<1280x1xf32>
    %mul3A_64 = arith.mulf %get3A_1, %add3A_63 : vector<1280x1xf32>
    %swap3A = arith.constant 0 : index
    %swap3A_65 = arith.constant 0 : index
    %swap3A_66 = vector.load %arg6[%swap3A, %swap3A_65] : memref<1280x1xf32, #tpu.memory_space<vmem>>, vector<1280x1xf32>
    tpu.vector_store %arg6[%swap3A, %swap3A_65], %mul3A_64 {strides = array<i32>} : memref<1280x1xf32, #tpu.memory_space<vmem>>, vector<1280x1xf32>,
    return
  }
  func.func @transform_0(%arg0: i32) -> (i32, i32, i32) {
    %c0_i32 = arith.constant 0 : i32
    %c0_i32_0 = arith.constant 0 : i32
    %c0_i32_1 = arith.constant 0 : i32
    return %c0_i32, %arg0, %c0_i32_0 : i32, i32, i32
  }
  func.func @transform_1(%arg0: i32) -> (i32, i32, i32) {
    %c0_i32 = arith.constant 0 : i32
    %c0_i32_0 = arith.constant 0 : i32
    %c0_i32_1 = arith.constant 0 : i32
    return %c0_i32, %arg0, %c0_i32_0 : i32, i32, i32
  }
  func.func @transform_2(%arg0: i32) -> (i32, i32) {
    %c0_i32 = arith.constant 0 : i32
    %c0_i32_0 = arith.constant 0 : i32
    return %arg0, %c0_i32 : i32, i32
  }
  func.func @transform_3(%arg0: i32) -> (i32, i32) {
    %c0_i32 = arith.constant 0 : i32
    %c0_i32_0 = arith.constant 0 : i32
    %c0_i32_1 = arith.constant 0 : i32
    return %c0_i32, %c0_i32_0 : i32, i32
  }
  func.func @transform_4(%arg0: i32) -> (i32, i32) {
    %c0_i32 = arith.constant 0 : i32
    %c0_i32_0 = arith.constant 0 : i32
    %c0_i32_1 = arith.constant 0 : i32
    return %c0_i32, %c0_i32_0 : i32, i32
  }
  func.func @transform_5(%arg0: i32) -> (i32, i32) {
    %c0_i32 = arith.constant 0 : i32
    %c0_i32_0 = arith.constant 0 : i32
    return %arg0, %c0_i32 : i32, i32
  }
}

</mosaic_0001>

<sc_bundles>
// kernel: kernel.10.cloned.1.call-start
scs
__scs_entry_jumppad:
0x0: {  	(pc) =	sbr.rel $0x88, $3  }
0x1: {  	(tag) =	ssettag $0x0;
	lr =	simm.s32 $0x1  }
0x2: {  	[smem:$0x3F9B] =	sst lr;
	_ =	strace $0xD0000000  }
0x3: {  	_ = 	snop  }
0x4: {  	_ = 	snop  }
0x5: {  	_ = 	snop  }
0x6: {  	_ = 	snop  }
0x7: {  	_ = 	snop  }
__scs_overlays_trampoline_lowered:
0x8: {  	[smem:$0x3FAA] =	sst s0  }
0x9: {  	[smem:$0x3FAB] =	sst s1  }
0xa: {  	[smem:$0x3FAC] =	sst s2  }
0xb: {  	[smem:$0x3FAD] =	sst s3  }
0xc: {  	[smem:$0x3FAE] =	sst s4  }
0xd: {  	[smem:$0x3FAF] =	sst s5  }
0xe: {  	[smem:$0x3FB0] =	sst s6  }
0xf: {  	[smem:$0x3FB1] =	sst s7  }
0x10: {  	[smem:$0x3FB2] =	sst s8  }
0x11: {  	[smem:$0x3FB3] =	sst s9;
	s0 =	simm.s32 @!p0 $0x0  }
0x12: {  	s1 =	sld [smem:$0x3F99];
	s0 =	simm.s32 @p0 $0x1  }
0x13: {  	[smem:$0x3FB4] =	sst s0;
	s0 =	simm.s32 @!p1 $0x0  }
0x14: {  	s2 =	sld [smem:$0x3F98];
	s0 =	simm.s32 @p1 $0x1  }
0x15: {  	[smem:$0x3FB5] =	sst s0;
	s0 =	simm.s32 @!p2 $0x0  }
0x16: {  	s3 =	sld [smem:$0x3FDB];
	s0 =	simm.s32 @p2 $0x1  }
0x17: {  	s4 =	simm.s32 $0x1BF5;
	[smem:$0x3FB7] =	sst s0  }
0x18: {  	s0 =	sld [smem:$0x3F9A];
	_ =	swait.ge [sflag:s4], $0x0  }
0x19: {  	s7 =	sld [smem:$0x3F9B]  }
0x1a: {  	s8 =	sadd.s32 $0xFFFFE003, lr  }
0x1b: {  	s9 =	sadd.s32 $0xFFFFFEF7, lr;
	s5 =	simm.s32 $0xFFFFFFFF;
	p2 =	slt.u32 s8, $0xFFFFF086  }
0x1c: {  	p1 =	slt.u32 s9, $0xF7A;
	s5 =	simm.s32 @!p2 $0x0  }
0x1d: {  	s5 =	simm.s32 @p1 $0x1;
	p0 =	seq.s32 s7, s2  }
0x1e: {  	s7 =	smul.u32 @!p0 $0xF7A, s2;
	p2 =	seq.s32 @!p0 s5, $0x0  }
0x1f: {  	s9 =	smul.u32 $0xF7A, s1;
	s8 =	simm.s32 @!p0 $0x1BF5;
	p2 =	por !p2, p0  }
0x20: {  	[sflag:s8] =	ssyncset.s32 @!p0 $0xFFFFF086;
	s6 =	sadd.s32 @!p0 s3, s7;
	s7 =	simm.s32 @!p0 $0x108  }
0x21: {  	s3 =	sadd.s32 s3, s9;
	s6 =	sadd.s32 @!p0 $0x88, s6;
	s7 =	simm.s32 @p2 $0x1082  }
0x22: {  	[simem:s7], [sflag:s8] =	dma.local @!p0 [hbm:s6], $0xF7A  }
0x23: {  	s9 =	sor.u32 $0xD0000000, s2;
	s6 =	simm.s32 $0x108;
	_ =	swait.ge @!p0 [sflag:s8], $0x0  }
0x24: {  	s3 =	sadd.s32 $0x88, s3;
	s6 =	simm.s32 @!p1 $0x1082;
	[sflag:s4] =	ssyncset.s32 $0xFFFFF086  }
0x25: {  	[simem:s6], [sflag:s4] =	dma.local [hbm:s3], $0xF7A  }
0x26: {  	[smem:$0x3F9B] =	sst s1;
	(tag) =	ssettag s2;
	_ =	strace s9  }
0x27: {  	s1 =	sld [smem:$0x3FAB]  }
0x28: {  	s2 =	sld [smem:$0x3FAC]  }
0x29: {  	s4 =	sld [smem:$0x3FAE]  }
0x2a: {  	p0 =	seq.s32 s5, $0x0;
	s5 =	sld [smem:$0x3FAF]  }
0x2b: {  	s6 =	sld [smem:$0x3FB0]  }
0x2c: {  	s7 =	sld [smem:$0x3FB1]  }
0x2d: {  	s3 =	simm.s32 $0x108;
	s8 =	sld [smem:$0x3FB2]  }
0x2e: {  	s3 =	simm.s32 @!p0 $0x1082;
	s9 =	sld [smem:$0x3FB3]  }
0x2f: {  	lr =	sadd.s32 s0, s3;
	s0 =	sld [smem:$0x3FAA]  }
0x30: {  	s3 =	sld [smem:$0x3FAD]  }
0x31: {  	[smem:$0x3FB6] =	sst s10  }
0x32: {  	s10 =	sld [smem:$0x3FB4];
	_ =	sdelay $0x3  }
0x33: {  	p0 =	seq.s32 s10, $0x1;
	s10 =	sld [smem:$0x3FB6];
	_ =	sdelay $0x3  }
0x34: {  	[smem:$0x3FB6] =	sst s10  }
0x35: {  	s10 =	sld [smem:$0x3FB5];
	_ =	sdelay $0x3  }
0x36: {  	p1 =	seq.s32 s10, $0x1;
	s10 =	sld [smem:$0x3FB6];
	_ =	sdelay $0x3  }
0x37: {  	[smem:$0x3FB6] =	sst s10  }
0x38: {  	s10 =	sld [smem:$0x3FB7]  }
0x39: {  	_ = 	snop;
	(pc) =	sbr.ind lr, $3  }
0x3a: {  	_ = 	snop  }
0x3b: {  	_ = 	snop  }
0x3c: {  	p2 =	seq.s32 s10, $0x1;
	s10 =	sld [smem:$0x3FB6]  }
0x3d: {  	_ =	shalt  }
0x3e: {  	_ =	shalt  }
0x3f: {  	_ =	shalt  }
0x40: {  	_ =	shalt  }
0x41: {  	_ =	shalt  }
0x42: {  	_ =	shalt  }
0x43: {  	_ =	shalt  }
0x44: {  	_ =	shalt  }
0x45: {  	_ =	shalt  }
0x46: {  	_ =	shalt  }
0x47: {  	_ =	shalt  }
0x48: {  	_ =	shalt  }
0x49: {  	_ =	shalt  }
0x4a: {  	_ =	shalt  }
0x4b: {  	_ =	shalt  }
0x4c: {  	_ =	shalt  }
0x4d: {  	_ =	shalt  }
0x4e: {  	_ =	shalt  }
0x4f: {  	_ =	shalt  }
0x50: {  	_ =	shalt  }
0x51: {  	_ =	shalt  }
0x52: {  	_ =	shalt  }
0x53: {  	_ =	shalt  }
0x54: {  	_ =	shalt  }
0x55: {  	_ =	shalt  }
0x56: {  	_ =	shalt  }
0x57: {  	_ =	shalt  }
0x58: {  	_ =	shalt  }
0x59: {  	_ =	shalt  }
0x5a: {  	_ =	shalt  }
0x5b: {  	_ =	shalt  }
0x5c: {  	_ =	shalt  }
0x5d: {  	_ =	shalt  }
0x5e: {  	_ =	shalt  }
0x5f: {  	_ =	shalt  }
0x60: {  	_ =	shalt  }
0x61: {  	_ =	shalt  }
0x62: {  	_ =	shalt  }
0x63: {  	_ =	shalt  }
0x64: {  	_ =	shalt  }
0x65: {  	_ =	shalt  }
0x66: {  	_ =	shalt  }
0x67: {  	_ =	shalt  }
0x68: {  	_ =	shalt  }
0x69: {  	_ =	shalt  }
0x6a: {  	_ =	shalt  }
0x6b: {  	_ =	shalt  }
0x6c: {  	_ =	shalt  }
0x6d: {  	_ =	shalt  }
0x6e: {  	_ =	shalt  }
0x6f: {  	_ =	shalt  }
0x70: {  	_ =	shalt  }
0x71: {  	_ =	shalt  }
0x72: {  	_ =	shalt  }
0x73: {  	_ =	shalt  }
0x74: {  	_ =	shalt  }
0x75: {  	_ =	shalt  }
0x76: {  	_ =	shalt  }
0x77: {  	_ =	shalt  }
0x78: {  	_ =	shalt  }
0x79: {  	_ =	shalt  }
0x7a: {  	_ =	shalt  }
0x7b: {  	_ =	shalt  }
0x7c: {  	_ =	shalt  }
0x7d: {  	_ =	shalt  }
0x7e: {  	_ =	shalt  }
0x7f: {  	_ =	shalt  }
0x80: {  	_ =	shalt  }
0x81: {  	_ =	shalt  }
0x82: {  	_ =	shalt  }
0x83: {  	_ =	shalt  }
0x84: {  	_ =	shalt  }
0x85: {  	_ =	shalt  }
0x86: {  	_ =	shalt  }
0x87: {  	_ =	shalt  }
.Lfunc_end0:
.L_simem_size_0:
called_computation.1_lowered:
.L_overlay_start_0:
0x88: {  	s2 =	sld [smem:$0x3FD9]  }
0x89: {  	s3 =	sld [smem:$0x3FFE];
	_ =	sdelay $0x1  }
0x8a: {  	s1 =	srdreg.scid  }
0x8b: {  	s0 =	sand.u32 $0x1, s1  }
0x8c: {  	s16 =	sshll.u32 s0, $0xA;
	s2 =	sadd.s32 s3, s2  }
0x8d: {  	s2 =	sadd.s32 s2, s16  }
0x8e: {  	[smem:$0x3FC2] =	sst s2  }
0x8f: {  	_ = 	snop  }
0x90: {  	(tm) =	ssettm $0x1  }
0x91: {  	s17 =	sld [smem:$0x3FFB];
	_ =	sdelay $0x3  }
0x92: {  	_ =	strace s17  }
0x93: {  	s2 =	sld [smem:$0x3FFC];
	_ =	sdelay $0x3  }
0x94: {  	_ =	strace s2  }
0x95: {  	s2 =	sld [smem:$0x3FFD];
	_ =	sdelay $0x3  }
0x96: {  	_ =	strace s2  }
0x97: {  	_ =	strace $0x8FFFFFFF  }
0x98: {  	s18 =	sld [smem:$0x3FDB];
	_ =	sdelay $0x1  }
0x99: {  	s19 =	simm.s32 $_scs_section_size  }
0x9a: {  	s4 =	simm.s32 $_size__tile_overlayer_lowered;
	s5 =	simm.s32 $_tile_overlayer_lowered  }
0x9b: {  	s22 =	simm.s32 $0x1BFF;
	s21 =	sshll.u32 s5, $0x1;
	s2 =	sadd.s32 s19, s18  }
0x9c: {  	s6 =	simm.s32 $0x0;
	s20 =	sshll.u32 s4, $0x1;
	s4 =	sadd.s32 s21, s2  }
0x9d: {  	[timem:s6], [sflag:s22] =	dma.local [hbm:s4], s20  }
0x9e: {  	_ =	swait.ge [sflag:s22], s20  }
0x9f: {  	s3 =	ssub.s32 $0x0, s20;
	[sflag:s22] =	ssyncset.done $0x0  }
0xa0: {  	[sflag:s22] =	ssyncadd.s32 s3;
	_ =	sdelay $0x1  }
0xa1: {  	s23 =	simm.s32 $0x1B8B  }
0xa2: {  	_ =	swait.ge [sflag:s23], $0x1  }
0xa3: {  	[sflag:s23] =	ssyncset.done $0x0  }
0xa4: {  	s25 =	simm.s32 $0x1B8E;
	s24 =	sld [smem:$0x3FFE];
	[sflag:s23] =	ssyncadd.s32 $0xFFFFFFFF  }
0xa5: {  	s26 =	simm.s32 $execute0_lowered;
	[smem:$0x3FD2] =	sst s25  }
0xa6: {  	s4 =	sshll.u32 s26, $0x1;
	_ =	strace $0x80000049;
	[dreg:$0x1] =	wrdreg $0xFFFFFFFF  }
0xa7: {  	s28 =	simm.s32 $_size_execute0_lowered;
	s2 =	sadd.s32 s2, s4;
	[dreg:$0x0] =	wrdreg $0x0  }
0xa8: {  	s4 =	sshll.u32 s28, $0x1;
	[dreg:$0x2] =	wrdreg s2  }
0xa9: {  	[dreg:$0x3] =	wrdreg s4  }
0xaa: {  	[dreg:$0x4] =	wrdreg $0xC0  }
0xab: {  	_ =	task [dreg:s6], $0x5FFFF  }
0xac: {  	[dreg:$0x1] =	wrdreg $0xFFFFFFFF  }
0xad: {  	[dreg:$0x0] =	wrdreg $0x60  }
0xae: {  	[dreg:$0x2] =	wrdreg s24  }
0xaf: {  	[dreg:$0x3] =	wrdreg $0x108000  }
0xb0: {  	[dreg:$0x4] =	wrdreg $0x68000  }
0xb1: {  	[dreg:$0x5] =	wrdreg $0x9  }
0xb2: {  	_ =	task.clear_ibuf [dreg:s6], $0x6FFFF;
	_ =	strace $0x90000049  }
0xb3: {  	s29 =	simm.s32 $0x9;
	_ =	strace $0x8000004B  }
0xb4: {  	_ =	swait.ge [sflag:s29], $0x1  }
0xb5: {  	[sflag:s29] =	ssyncadd.s32 $0xFFFFFFFF  }
0xb6: {  	_ =	strace $0x9000004B  }
0xb7: {  	_ =	sfence  }
0xb8: {  	s30 =	sld [smem:$0x0];
	_ =	sdelay $0x2  }
0xb9: {  	s31 =	sshll.u32 s1, $0xD;
	s1 =	sshrl.u32 s1, $0x2  }
0xba: {  	s3 =	sand.u32 $0x4000, s31;
	s1 =	sadd.s32 s1, s30  }
0xbb: {  	s0 =	sor.u32 s3, s0;
	s1 =	sshll.u32 s1, $0x11  }
0xbc: {  	s0 =	sor.u32 s1, s0  }
0xbd: {  	s0 =	sadd.s32 $0x8F2B, s0  }
0xbe: {  	[sflag:s0] =	ssyncadd.remote.s32 $0x1  }
0xbf: {  	_ =	sfence.sel $0xFFFF  }
0xc0: {  	[dreg:$0x0] =	wrdreg $0xFFFFFFFF;
	(pc) =	sbr.abs _section_cstart, $3  }
0xc1: {  	[dreg:$0x1] =	wrdreg $0xFFFFFFFF  }
0xc2: {  	_ =	task.clear_ibuf [dreg:s6], $0x2FFFF;
	_ =	strace $0x9FFFFFFF  }
0xc3: {  	(tm) =	ssettm $0x7FFFFFFF  }
tec
execute0_lowered:
.L_overlay_start_1:
0x0: {  	(tag) =	ssettag $0x1  }
0x1: {  	s0 =	rddreg [dreg:$0x0]  }
0x2: {  	s1 =	rddreg [dreg:$0x1];
	s11 =	stileid.u32  }
0x3: {  	s2 =	rddreg [dreg:$0x2];
	s6 =	smul.u32 $0x28000, s11  }
0x4: {  	s3 =	simm.s32 $0x0;
	s4 =	srdreg.scid;
	s7 =	smul.u32 $0x2800, s11  }
0x5: {  	s28 =	simm.s32 $0x0;
	[smem:$0x7FF] =	sst s3;
	s8 =	smul.u32 $0x500, s11  }
0x6: {  	s4 =	sand.u32 $0x1, s4;
	s9 =	sadd.s32 $0x14200, s0;
	s12 =	smul.u32 $0xA000, s11  }
0x7: {  	s10 =	sadd.s32 $0x200, s0;
	s5 =	smul.u32 $0x14000, s4;
	s4 =	ssub.s32 $0x2, s4  }
0x8: {  	_ =	strace $0x8000004A;
	s25 =	sshrl.u32 s4, $0x1;
	s6 =	sshrl.u32 s6, $0x2  }
0x9: {  	s26 =	sshrl.u32 s7, $0x3;
	s7 =	sadd.s32 s9, s8;
	s8 =	sadd.s32 s10, s8  }
0xa: {  	s29 =	sadd.s32 s12, s1;
	s31 =	sadd.s32 $0x2000, s12;
	s14 =	sshrl.u32 s12, $0x3  }
0xb: {  	s17 =	sadd.s32 s12, s2;
	s19 =	sadd.s32 $0x4000, s12;
	s13 =	sadd.s32 $0x6000, s12  }
0xc: {  	s12 =	sadd.s32 $0x8000, s12;
	s0 =	sadd.s32 s5, s0;
	s4 =	ssub.s32 s4, s25  }
0xd: {  	s5 =	sadd.s32 s6, s1;
	s11 =	sadd.s32 $0x5000, s26;
	[dreg:$0x4] =	wrdreg s29  }
0xe: {  	[dreg:$0x6] =	wrdreg s17;
	s16 =	sshrl.u32 s31, $0x3;
	s18 =	sadd.s32 s31, s2  }
0xf: {  	s15 =	sadd.s32 s19, s2;
	s20 =	sshrl.u32 s13, $0x3;
	s21 =	sadd.s32 s13, s2  }
0x10: {  	s22 =	sadd.s32 s19, s1;
	s23 =	sadd.s32 s13, s1;
	s25 =	sshrl.u32 s12, $0x3  }
0x11: {  	s24 =	sadd.s32 s12, s2;
	s26 =	sadd.s32 s12, s1;
	[dreg:$0x7] =	wrdreg s18  }
0x12: {  	s12 =	simm.s32 $0x5;
	s13 =	simm.s32 $0x4800;
	[dreg:$0x8] =	wrdreg s15  }
0x13: {  	s17 =	simm.s32 $0x80;
	s6 =	sadd.s32 $0x6E200, s0;
	[dreg:$0x9] =	wrdreg s21  }
0x14: {  	s9 =	sadd.s32 s9, s11;
	s10 =	sadd.s32 s10, s11;
	[dreg:$0xb] =	wrdreg s22  }
0x15: {  	s11 =	sadd.s32 $0x96200, s0;
	s30 =	smax.u32 s4, $0x1;
	[dreg:$0xc] =	wrdreg s23  }
0x16: {  	s18 =	sshrl.u32 s19, $0x3;
	s0 =	sadd.s32 s31, s1;
	[dreg:$0xd] =	wrdreg s24  }
0x17: {  	[dreg:$0xe] =	wrdreg s26;
	s29 =	sadd.s32 $0x2000, s5;
	s31 =	sadd.s32 $0x6000, s5  }
0x18: {  	s4 =	simm.s32 $0x2800;
	s15 =	simm.s32 $0x1400;
	[dreg:$0x5] =	wrdreg s30  }
0x19: {  	s19 =	simm.s32 $0x1;
	s21 =	simm.s32 $0x2;
	[dreg:$0xa] =	wrdreg s0  }
0x1a: {  	s22 =	simm.s32 $0x3;
	s23 =	simm.s32 $0x4;
	[dreg:$0xf] =	wrdreg s29  }
0x1b: {  	s24 =	simm.s32 $0x2700;
	s30 =	sadd.s32 $0x4000, s5;
	[dreg:$0x11] =	wrdreg s31  }
0x1c: {  	v0 =	vimm.f32 $0.0e+00;
	s26 =	simm.s32 $0x2780;
	s0 =	sadd.s32 $0x8000, s5;
	[dreg:$0x10] =	wrdreg s30  }
.LBB2_1:
0x1d: {  	s30 =	simm.s32 $0x100;
	s29 =	simm.s32 $0x0  }
.LBB2_2:
0x1e: {  	p0 =	sne.s32 s30, $0x7F00;
	[tilespmem:s29+$0x2830] =	vst v0;
	s31 =	smov.u32 s30;
	s30 =	sadd.s32 $0x100, s30  }
.Ltmp0:
0x1f: {  	[tilespmem:s29+$0x2820] =	vst v0;
	(pc) =	sbr.rel @p0 .LBB2_2-.Ltmp0, $3  }
0x20: {  	[tilespmem:s29+$0x2800] =	vst v0  }
0x21: {  	[tilespmem:s29+$0x2810] =	vst v0;
	_ =	sdelay $0x1  }
0x22: {  	s29 =	sshra.s32 s31, $0x2  }
0x23: {  	[tilespmem:s29+$0x2830] =	vst v0  }
0x24: {  	[tilespmem:s29+$0x2820] =	vst v0  }
0x25: {  	[tilespmem:s29+$0x2800] =	vst v0  }
0x26: {  	[tilespmem:s29+$0x2810] =	vst v0  }
0x27: {  	[spmem:s5] =	stream.linear.scatter [tilespmem:s4], [sflag:$0x5], $0x2000, $0x38;
	[tilespmem:$0x1A800] =	vst v63  }
0x28: {  	_ =	swait.ge [sflag:s12], $0x2000  }
0x29: {  	[sflag:s12] =	ssyncset.done $0x0  }
0x2a: {  	s29 =	rddreg [dreg:$0xf];
	[sflag:s12] =	ssyncadd.s32 $0xFFFFE000  }
0x2b: {  	[spmem:s29] =	stream.linear.scatter [tilespmem:s4], [sflag:$0x5], $0x2000, $0x38;
	[tilespmem:$0x1A800] =	vst v63  }
0x2c: {  	_ =	swait.ge [sflag:s12], $0x2000  }
0x2d: {  	[sflag:s12] =	ssyncset.done $0x0  }
0x2e: {  	s29 =	rddreg [dreg:$0x10];
	[sflag:s12] =	ssyncadd.s32 $0xFFFFE000  }
0x2f: {  	[spmem:s29] =	stream.linear.scatter [tilespmem:s4], [sflag:$0x5], $0x2000, $0x38;
	[tilespmem:$0x1A800] =	vst v63  }
0x30: {  	_ =	swait.ge [sflag:s12], $0x2000  }
0x31: {  	[sflag:s12] =	ssyncset.done $0x0  }
0x32: {  	s29 =	rddreg [dreg:$0x11];
	[sflag:s12] =	ssyncadd.s32 $0xFFFFE000  }
0x33: {  	[spmem:s29] =	stream.linear.scatter [tilespmem:s4], [sflag:$0x5], $0x2000, $0x38;
	[tilespmem:$0x1A800] =	vst v63  }
0x34: {  	_ =	swait.ge [sflag:s12], $0x2000  }
0x35: {  	[sflag:s12] =	ssyncset.done $0x0  }
0x36: {  	[sflag:s12] =	ssyncadd.s32 $0xFFFFE000  }
0x37: {  	[spmem:s0] =	stream.linear.scatter [tilespmem:s4], [sflag:$0x5], $0x2000, $0x38;
	[tilespmem:$0x1A800] =	vst v63  }
0x38: {  	_ =	swait.ge [sflag:s12], $0x2000  }
0x39: {  	[sflag:s12] =	ssyncset.done $0x0  }
0x3a: {  	s30 =	simm.s32 $0x0;
	s29 =	sadd.s32 s14, s6;
	[sflag:s12] =	ssyncadd.s32 $0xFFFFE000  }
0x3b: {  	[tilespmem:s13], [sflag:$0x5] =	stream.linear.gather [hbm4b:s29+s30], $0x2000, $0x38;
	[tilespmem:$0x1A800] =	vst v63  }
0x3c: {  	_ =	swait.ge [sflag:s12], $0x2000  }
0x3d: {  	[sflag:s12] =	ssyncset.done $0x0  }
0x3e: {  	s29 =	rddreg [dreg:$0x6];
	[sflag:s12] =	ssyncadd.s32 $0xFFFFE000  }
0x3f: {  	[spmem:s29] =	stream.linear.scatter [tilespmem:s13], [sflag:$0x5], $0x2000, $0x38;
	[tilespmem:$0x1A800] =	vst v63  }
0x40: {  	_ =	swait.ge [sflag:s12], $0x2000  }
0x41: {  	[sflag:s12] =	ssyncset.done $0x0  }
0x42: {  	s29 =	sadd.s32 s16, s6;
	[sflag:s12] =	ssyncadd.s32 $0xFFFFE000  }
0x43: {  	[tilespmem:s13], [sflag:$0x5] =	stream.linear.gather [hbm4b:s29+s30], $0x2000, $0x38;
	[tilespmem:$0x1A800] =	vst v63  }
0x44: {  	_ =	swait.ge [sflag:s12], $0x2000  }
0x45: {  	[sflag:s12] =	ssyncset.done $0x0  }
0x46: {  	s29 =	rddreg [dreg:$0x7];
	[sflag:s12] =	ssyncadd.s32 $0xFFFFE000  }
0x47: {  	[spmem:s29] =	stream.linear.scatter [tilespmem:s13], [sflag:$0x5], $0x2000, $0x38;
	[tilespmem:$0x1A800] =	vst v63  }
0x48: {  	_ =	swait.ge [sflag:s12], $0x2000  }
0x49: {  	[sflag:s12] =	ssyncset.done $0x0  }
0x4a: {  	s29 =	sadd.s32 s18, s6;
	[sflag:s12] =	ssyncadd.s32 $0xFFFFE000  }
0x4b: {  	[tilespmem:s13], [sflag:$0x5] =	stream.linear.gather [hbm4b:s29+s30], $0x2000, $0x38;
	[tilespmem:$0x1A800] =	vst v63  }
0x4c: {  	_ =	swait.ge [sflag:s12], $0x2000  }
0x4d: {  	[sflag:s12] =	ssyncset.done $0x0  }
0x4e: {  	s29 =	rddreg [dreg:$0x8];
	[sflag:s12] =	ssyncadd.s32 $0xFFFFE000  }
0x4f: {  	[spmem:s29] =	stream.linear.scatter [tilespmem:s13], [sflag:$0x5], $0x2000, $0x38;
	[tilespmem:$0x1A800] =	vst v63  }
0x50: {  	_ =	swait.ge [sflag:s12], $0x2000  }
0x51: {  	[sflag:s12] =	ssyncset.done $0x0  }
0x52: {  	s29 =	sadd.s32 s20, s6;
	[sflag:s12] =	ssyncadd.s32 $0xFFFFE000  }
0x53: {  	[tilespmem:s13], [sflag:$0x5] =	stream.linear.gather [hbm4b:s29+s30], $0x2000, $0x38;
	[tilespmem:$0x1A800] =	vst v63  }
0x54: {  	_ =	swait.ge [sflag:s12], $0x2000  }
0x55: {  	[sflag:s12] =	ssyncset.done $0x0  }
0x56: {  	s29 =	rddreg [dreg:$0x9];
	[sflag:s12] =	ssyncadd.s32 $0xFFFFE000  }
0x57: {  	[spmem:s29] =	stream.linear.scatter [tilespmem:s13], [sflag:$0x5], $0x2000, $0x38;
	[tilespmem:$0x1A800] =	vst v63  }
0x58: {  	_ =	swait.ge [sflag:s12], $0x2000  }
0x59: {  	[sflag:s12] =	ssyncset.done $0x0  }
0x5a: {  	s29 =	sadd.s32 s25, s6;
	[sflag:s12] =	ssyncadd.s32 $0xFFFFE000  }
0x5b: {  	[tilespmem:s13], [sflag:$0x5] =	stream.linear.gather [hbm4b:s29+s30], $0x2000, $0x38;
	[tilespmem:$0x1A800] =	vst v63  }
0x5c: {  	_ =	swait.ge [sflag:s12], $0x2000  }
0x5d: {  	[sflag:s12] =	ssyncset.done $0x0  }
0x5e: {  	s29 =	rddreg [dreg:$0xd];
	[sflag:s12] =	ssyncadd.s32 $0xFFFFE000  }
0x5f: {  	[spmem:s29] =	stream.linear.scatter [tilespmem:s13], [sflag:$0x5], $0x2000, $0x38;
	[tilespmem:$0x1A800] =	vst v63  }
0x60: {  	_ =	swait.ge [sflag:s12], $0x2000  }
0x61: {  	[sflag:s12] =	ssyncset.done $0x0  }
0x62: {  	[sflag:s12] =	ssyncadd.s32 $0xFFFFE000  }
0x63: {  	[bflag:$0x0] =	sbarrier.arrive $0xFFFF  }
0x64: {  	[tilespmem:s30], [sflag:$0x5] =	stream.linear.gather [hbm4b:s7+s30], $0x1400, $0x38;
	[tilespmem:$0x1A800] =	vst v63  }
0x65: {  	_ =	swait.ge [sflag:s12], $0x1400  }
0x66: {  	[sflag:s12] =	ssyncset.done $0x0  }
0x67: {  	[sflag:s12] =	ssyncadd.s32 $0xFFFFEC00  }
0x68: {  	[tilespmem:s15], [sflag:$0x5] =	stream.linear.gather [hbm4b:s8+s30], $0x1400, $0x38;
	[tilespmem:$0x1A800] =	vst v63  }
0x69: {  	_ =	swait.ge [sflag:s12], $0x1400  }
0x6a: {  	[sflag:s12] =	ssyncset.done $0x0  }
0x6b: {  	[sflag:s12] =	ssyncadd.s32 $0xFFFFEC00  }
0x6c: {  	[tilespmem:s4], [sflag:$0x1] =	stream.indirect.gather [spmem:s2], $0x40, s30, s17, $0xb8;
	[tilespmem:$0x1A800] =	vst v63  }
0x6d: {  	_ = 	snop  }
0x6e: {  	[tilespmem:s13], [sflag:$0x2] =	stream.indirect.gather [spmem:s2], $0x40, s17, s17, $0xb8;
	[tilespmem:$0x1A800] =	vst v63  }
0x6f: {  	_ =	swait.ge [sflag:s19], $0x2000  }
0x70: {  	[sflag:s19] =	ssyncset.done $0x0  }
0x71: {  	s29 =	simm.s32 $0x1400;
	[sflag:s19] =	ssyncadd.s32 $0xFFFFE000  }
0x72: {  	[spmem:s1] =	stream.indirect.scatter.add.f32 [tilespmem:s4], [sflag:$0x3], $0x40, s29, s17, $0xb8;
	[tilespmem:$0x1A800] =	vst v63  }
0x73: {  	_ =	swait.ge [sflag:s21], $0x2000  }
0x74: {  	[sflag:s21] =	ssyncset.done $0x0  }
0x75: {  	s29 =	simm.s32 $0x1480;
	[sflag:s21] =	ssyncadd.s32 $0xFFFFE000  }
0x76: {  	[spmem:s1] =	stream.indirect.scatter.add.f32 [tilespmem:s13], [sflag:$0x4], $0x40, s29, s17, $0xb8;
	[tilespmem:$0x1A800] =	vst v63  }
0x77: {  	_ =	swait.ge [sflag:s22], $0x2000  }
0x78: {  	[sflag:s22] =	ssyncset.done $0x0  }
0x79: {  	s29 =	simm.s32 $0x100;
	[sflag:s22] =	ssyncadd.s32 $0xFFFFE000  }
0x7a: {  	[tilespmem:s4], [sflag:$0x1] =	stream.indirect.gather [spmem:s2], $0x40, s29, s17, $0xb8;
	[tilespmem:$0x1A800] =	vst v63  }
0x7b: {  	_ =	swait.ge [sflag:s23], $0x2000  }
0x7c: {  	[sflag:s23] =	ssyncset.done $0x0  }
0x7d: {  	s30 =	simm.s32 $0x180;
	s29 =	simm.s32 $0x400;
	[sflag:s23] =	ssyncadd.s32 $0xFFFFE000  }
.LBB2_4:
0x7e: {  	[tilespmem:s13], [sflag:$0x2] =	stream.indirect.gather [spmem:s2], $0x40, s30, s17, $0xb8;
	[tilespmem:$0x1A800] =	vst v63  }
0x7f: {  	s30 =	smov.u32 s29  }
0x80: {  	p0 =	sne.s32 s29, $0x4800;
	s29 =	sadd.s32 $0x400, s29;
	_ =	swait.ge [sflag:s19], $0x2000  }
0x81: {  	s30 =	sshra.s32 s30, $0x2;
	[sflag:s19] =	ssyncset.done $0x0  }
0x82: {  	s31 =	sadd.s32 $0x1400, s30;
	[sflag:s19] =	ssyncadd.s32 $0xFFFFE000  }
0x83: {  	[spmem:s1] =	stream.indirect.scatter.add.f32 [tilespmem:s4], [sflag:$0x3], $0x40, s31, s17, $0xb8;
	[tilespmem:$0x1A800] =	vst v63  }
0x84: {  	_ =	swait.ge [sflag:s21], $0x2000  }
0x85: {  	[sflag:s21] =	ssyncset.done $0x0  }
0x86: {  	s31 =	sadd.s32 $0x1480, s30;
	[sflag:s21] =	ssyncadd.s32 $0xFFFFE000  }
0x87: {  	[spmem:s1] =	stream.indirect.scatter.add.f32 [tilespmem:s13], [sflag:$0x4], $0x40, s31, s17, $0xb8;
	[tilespmem:$0x1A800] =	vst v63  }
0x88: {  	_ =	swait.ge [sflag:s22], $0x2000  }
0x89: {  	[sflag:s22] =	ssyncset.done $0x0  }
.Ltmp1:
0x8a: {  	s31 =	sadd.s32 $0x100, s30;
	[sflag:s22] =	ssyncadd.s32 $0xFFFFE000;
	(pc) =	sbr.rel @p0 .LBB2_4-.Ltmp1, $4  }
0x8b: {  	[tilespmem:s4], [sflag:$0x1] =	stream.indirect.gather [spmem:s2], $0x40, s31, s17, $0xb8;
	[tilespmem:$0x1A800] =	vst v63  }
0x8c: {  	_ =	swait.ge [sflag:s23], $0x2000  }
0x8d: {  	[sflag:s23] =	ssyncset.done $0x0  }
0x8e: {  	s30 =	sadd.s32 $0x180, s30;
	[sflag:s23] =	ssyncadd.s32 $0xFFFFE000  }
0x8f: {  	[tilespmem:s13], [sflag:$0x2] =	stream.indirect.gather [spmem:s2], $0x40, s30, s17, $0xb8;
	[tilespmem:$0x1A800] =	vst v63  }
0x90: {  	_ =	swait.ge [sflag:s19], $0x2000  }
0x91: {  	[sflag:s19] =	ssyncset.done $0x0  }
0x92: {  	[sflag:s19] =	ssyncadd.s32 $0xFFFFE000  }
0x93: {  	[spmem:s1] =	stream.indirect.scatter.add.f32 [tilespmem:s4], [sflag:$0x3], $0x40, s24, s17, $0xb8;
	[tilespmem:$0x1A800] =	vst v63  }
0x94: {  	_ =	swait.ge [sflag:s21], $0x2000  }
0x95: {  	[sflag:s21] =	ssyncset.done $0x0  }
0x96: {  	[sflag:s21] =	ssyncadd.s32 $0xFFFFE000  }
0x97: {  	[spmem:s1] =	stream.indirect.scatter.add.f32 [tilespmem:s13], [sflag:$0x4], $0x40, s26, s17, $0xb8;
	[tilespmem:$0x1A800] =	vst v63  }
0x98: {  	_ =	swait.ge [sflag:s22], $0x2000  }
0x99: {  	[sflag:s22] =	ssyncset.done $0x0  }
0x9a: {  	[sflag:s22] =	ssyncadd.s32 $0xFFFFE000  }
0x9b: {  	_ =	swait.ge [sflag:s23], $0x2000  }
0x9c: {  	[sflag:s23] =	ssyncset.done $0x0  }
0x9d: {  	s29 =	sadd.s32 $0x280, s7;
	s30 =	simm.s32 $0x0;
	[sflag:s23] =	ssyncadd.s32 $0xFFFFE000  }
0x9e: {  	[tilespmem:s30], [sflag:$0x5] =	stream.linear.gather [hbm4b:s29+s30], $0x1400, $0x38;
	[tilespmem:$0x1A800] =	vst v63  }
0x9f: {  	_ =	swait.ge [sflag:s12], $0x1400  }
0xa0: {  	[sflag:s12] =	ssyncset.done $0x0  }
0xa1: {  	s29 =	sadd.s32 $0x280, s8;
	[sflag:s12] =	ssyncadd.s32 $0xFFFFEC00  }
0xa2: {  	[tilespmem:s15], [sflag:$0x5] =	stream.linear.gather [hbm4b:s29+s30], $0x1400, $0x38;
	[tilespmem:$0x1A800] =	vst v63  }
0xa3: {  	_ =	swait.ge [sflag:s12], $0x1400  }
0xa4: {  	[sflag:s12] =	ssyncset.done $0x0  }
0xa5: {  	[sflag:s12] =	ssyncadd.s32 $0xFFFFEC00  }
0xa6: {  	[tilespmem:s4], [sflag:$0x1] =	stream.indirect.gather [spmem:s2], $0x40, s30, s17, $0xb8;
	[tilespmem:$0x1A800] =	vst v63  }
0xa7: {  	_ = 	snop  }
0xa8: {  	[tilespmem:s13], [sflag:$0x2] =	stream.indirect.gather [spmem:s2], $0x40, s17, s17, $0xb8;
	[tilespmem:$0x1A800] =	vst v63  }
0xa9: {  	_ =	swait.ge [sflag:s19], $0x2000  }
0xaa: {  	[sflag:s19] =	ssyncset.done $0x0  }
0xab: {  	s29 =	simm.s32 $0x1400;
	[sflag:s19] =	ssyncadd.s32 $0xFFFFE000  }
0xac: {  	[spmem:s1] =	stream.indirect.scatter.add.f32 [tilespmem:s4], [sflag:$0x3], $0x40, s29, s17, $0xb8;
	[tilespmem:$0x1A800] =	vst v63  }
0xad: {  	_ =	swait.ge [sflag:s21], $0x2000  }
0xae: {  	[sflag:s21] =	ssyncset.done $0x0  }
0xaf: {  	s29 =	simm.s32 $0x1480;
	[sflag:s21] =	ssyncadd.s32 $0xFFFFE000  }
0xb0: {  	[spmem:s1] =	stream.indirect.scatter.add.f32 [tilespmem:s13], [sflag:$0x4], $0x40, s29, s17, $0xb8;
	[tilespmem:$0x1A800] =	vst v63  }
0xb1: {  	_ =	swait.ge [sflag:s22], $0x2000  }
0xb2: {  	[sflag:s22] =	ssyncset.done $0x0  }
0xb3: {  	s29 =	simm.s32 $0x100;
	[sflag:s22] =	ssyncadd.s32 $0xFFFFE000  }
0xb4: {  	[tilespmem:s4], [sflag:$0x1] =	stream.indirect.gather [spmem:s2], $0x40, s29, s17, $0xb8;
	[tilespmem:$0x1A800] =	vst v63  }
0xb5: {  	_ =	swait.ge [sflag:s23], $0x2000  }
0xb6: {  	[sflag:s23] =	ssyncset.done $0x0  }
0xb7: {  	s30 =	simm.s32 $0x180;
	s29 =	simm.s32 $0x400;
	[sflag:s23] =	ssyncadd.s32 $0xFFFFE000  }
.LBB2_6:
0xb8: {  	[tilespmem:s13], [sflag:$0x2] =	stream.indirect.gather [spmem:s2], $0x40, s30, s17, $0xb8;
	[tilespmem:$0x1A800] =	vst v63  }
0xb9: {  	s30 =	smov.u32 s29  }
0xba: {  	p0 =	sne.s32 s29, $0x4800;
	s29 =	sadd.s32 $0x400, s29;
	_ =	swait.ge [sflag:s19], $0x2000  }
0xbb: {  	s30 =	sshra.s32 s30, $0x2;
	[sflag:s19] =	ssyncset.done $0x0  }
0xbc: {  	s31 =	sadd.s32 $0x1400, s30;
	[sflag:s19] =	ssyncadd.s32 $0xFFFFE000  }
0xbd: {  	[spmem:s1] =	stream.indirect.scatter.add.f32 [tilespmem:s4], [sflag:$0x3], $0x40, s31, s17, $0xb8;
	[tilespmem:$0x1A800] =	vst v63  }
0xbe: {  	_ =	swait.ge [sflag:s21], $0x2000  }
0xbf: {  	[sflag:s21] =	ssyncset.done $0x0  }
0xc0: {  	s31 =	sadd.s32 $0x1480, s30;
	[sflag:s21] =	ssyncadd.s32 $0xFFFFE000  }
0xc1: {  	[spmem:s1] =	stream.indirect.scatter.add.f32 [tilespmem:s13], [sflag:$0x4], $0x40, s31, s17, $0xb8;
	[tilespmem:$0x1A800] =	vst v63  }
0xc2: {  	_ =	swait.ge [sflag:s22], $0x2000  }
0xc3: {  	[sflag:s22] =	ssyncset.done $0x0  }
.Ltmp2:
0xc4: {  	s31 =	sadd.s32 $0x100, s30;
	[sflag:s22] =	ssyncadd.s32 $0xFFFFE000;
	(pc) =	sbr.rel @p0 .LBB2_6-.Ltmp2, $4  }
0xc5: {  	[tilespmem:s4], [sflag:$0x1] =	stream.indirect.gather [spmem:s2], $0x40, s31, s17, $0xb8;
	[tilespmem:$0x1A800] =	vst v63  }
0xc6: {  	_ =	swait.ge [sflag:s23], $0x2000  }
0xc7: {  	[sflag:s23] =	ssyncset.done $0x0  }
0xc8: {  	s30 =	sadd.s32 $0x180, s30;
	[sflag:s23] =	ssyncadd.s32 $0xFFFFE000  }
0xc9: {  	[tilespmem:s13], [sflag:$0x2] =	stream.indirect.gather [spmem:s2], $0x40, s30, s17, $0xb8;
	[tilespmem:$0x1A800] =	vst v63  }
0xca: {  	_ =	swait.ge [sflag:s19], $0x2000  }
0xcb: {  	[sflag:s19] =	ssyncset.done $0x0  }
0xcc: {  	[sflag:s19] =	ssyncadd.s32 $0xFFFFE000  }
0xcd: {  	[spmem:s1] =	stream.indirect.scatter.add.f32 [tilespmem:s4], [sflag:$0x3], $0x40, s24, s17, $0xb8;
	[tilespmem:$0x1A800] =	vst v63  }
0xce: {  	_ =	swait.ge [sflag:s21], $0x2000  }
0xcf: {  	[sflag:s21] =	ssyncset.done $0x0  }
0xd0: {  	[sflag:s21] =	ssyncadd.s32 $0xFFFFE000  }
0xd1: {  	[spmem:s1] =	stream.indirect.scatter.add.f32 [tilespmem:s13], [sflag:$0x4], $0x40, s26, s17, $0xb8;
	[tilespmem:$0x1A800] =	vst v63  }
0xd2: {  	_ =	swait.ge [sflag:s22], $0x2000  }
0xd3: {  	[sflag:s22] =	ssyncset.done $0x0  }
0xd4: {  	[sflag:s22] =	ssyncadd.s32 $0xFFFFE000  }
0xd5: {  	_ =	swait.ge [sflag:s23], $0x2000  }
0xd6: {  	[sflag:s23] =	ssyncset.done $0x0  }
0xd7: {  	s29 =	simm.s32 $0x0;
	[sflag:s23] =	ssyncadd.s32 $0xFFFFE000  }
0xd8: {  	[tilespmem:s29], [sflag:$0x5] =	stream.linear.gather [hbm4b:s9+s29], $0x1400, $0x38;
	[tilespmem:$0x1A800] =	vst v63  }
0xd9: {  	_ =	swait.ge [sflag:s12], $0x1400  }
0xda: {  	[sflag:s12] =	ssyncset.done $0x0  }
0xdb: {  	[sflag:s12] =	ssyncadd.s32 $0xFFFFEC00  }
0xdc: {  	[tilespmem:s15], [sflag:$0x5] =	stream.linear.gather [hbm4b:s10+s29], $0x1400, $0x38;
	[tilespmem:$0x1A800] =	vst v63  }
0xdd: {  	_ =	swait.ge [sflag:s12], $0x1400  }
0xde: {  	[sflag:s12] =	ssyncset.done $0x0  }
0xdf: {  	[sflag:s12] =	ssyncadd.s32 $0xFFFFEC00  }
0xe0: {  	[tilespmem:s4], [sflag:$0x1] =	stream.indirect.gather [spmem:s2], $0x40, s29, s17, $0xb8;
	[tilespmem:$0x1A800] =	vst v63  }
0xe1: {  	_ = 	snop  }
0xe2: {  	[tilespmem:s13], [sflag:$0x2] =	stream.indirect.gather [spmem:s2], $0x40, s17, s17, $0xb8;
	[tilespmem:$0x1A800] =	vst v63  }
0xe3: {  	_ =	swait.ge [sflag:s19], $0x2000  }
0xe4: {  	[sflag:s19] =	ssyncset.done $0x0  }
0xe5: {  	s29 =	simm.s32 $0x1400;
	[sflag:s19] =	ssyncadd.s32 $0xFFFFE000  }
0xe6: {  	[spmem:s1] =	stream.indirect.scatter.add.f32 [tilespmem:s4], [sflag:$0x3], $0x40, s29, s17, $0xb8;
	[tilespmem:$0x1A800] =	vst v63  }
0xe7: {  	_ =	swait.ge [sflag:s21], $0x2000  }
0xe8: {  	[sflag:s21] =	ssyncset.done $0x0  }
0xe9: {  	s29 =	simm.s32 $0x1480;
	[sflag:s21] =	ssyncadd.s32 $0xFFFFE000  }
0xea: {  	[spmem:s1] =	stream.indirect.scatter.add.f32 [tilespmem:s13], [sflag:$0x4], $0x40, s29, s17, $0xb8;
	[tilespmem:$0x1A800] =	vst v63  }
0xeb: {  	_ =	swait.ge [sflag:s22], $0x2000  }
0xec: {  	[sflag:s22] =	ssyncset.done $0x0  }
0xed: {  	s29 =	simm.s32 $0x100;
	[sflag:s22] =	ssyncadd.s32 $0xFFFFE000  }
0xee: {  	[tilespmem:s4], [sflag:$0x1] =	stream.indirect.gather [spmem:s2], $0x40, s29, s17, $0xb8;
	[tilespmem:$0x1A800] =	vst v63  }
0xef: {  	_ =	swait.ge [sflag:s23], $0x2000  }
0xf0: {  	[sflag:s23] =	ssyncset.done $0x0  }
0xf1: {  	s30 =	simm.s32 $0x180;
	s29 =	simm.s32 $0x400;
	[sflag:s23] =	ssyncadd.s32 $0xFFFFE000  }
.LBB2_8:
0xf2: {  	[tilespmem:s13], [sflag:$0x2] =	stream.indirect.gather [spmem:s2], $0x40, s30, s17, $0xb8;
	[tilespmem:$0x1A800] =	vst v63  }
0xf3: {  	s30 =	smov.u32 s29  }
0xf4: {  	p0 =	sne.s32 s29, $0x4800;
	s29 =	sadd.s32 $0x400, s29;
	_ =	swait.ge [sflag:s19], $0x2000  }
0xf5: {  	s30 =	sshra.s32 s30, $0x2;
	[sflag:s19] =	ssyncset.done $0x0  }
0xf6: {  	s31 =	sadd.s32 $0x1400, s30;
	[sflag:s19] =	ssyncadd.s32 $0xFFFFE000  }
0xf7: {  	[spmem:s1] =	stream.indirect.scatter.add.f32 [tilespmem:s4], [sflag:$0x3], $0x40, s31, s17, $0xb8;
	[tilespmem:$0x1A800] =	vst v63  }
0xf8: {  	_ =	swait.ge [sflag:s21], $0x2000  }
0xf9: {  	[sflag:s21] =	ssyncset.done $0x0  }
0xfa: {  	s31 =	sadd.s32 $0x1480, s30;
	[sflag:s21] =	ssyncadd.s32 $0xFFFFE000  }
0xfb: {  	[spmem:s1] =	stream.indirect.scatter.add.f32 [tilespmem:s13], [sflag:$0x4], $0x40, s31, s17, $0xb8;
	[tilespmem:$0x1A800] =	vst v63  }
0xfc: {  	_ =	swait.ge [sflag:s22], $0x2000  }
0xfd: {  	[sflag:s22] =	ssyncset.done $0x0  }
.Ltmp3:
0xfe: {  	s31 =	sadd.s32 $0x100, s30;
	[sflag:s22] =	ssyncadd.s32 $0xFFFFE000;
	(pc) =	sbr.rel @p0 .LBB2_8-.Ltmp3, $4  }
0xff: {  	[tilespmem:s4], [sflag:$0x1] =	stream.indirect.gather [spmem:s2], $0x40, s31, s17, $0xb8;
	[tilespmem:$0x1A800] =	vst v63  }
0x100: {  	_ =	swait.ge [sflag:s23], $0x2000  }
0x101: {  	[sflag:s23] =	ssyncset.done $0x0  }
0x102: {  	s30 =	sadd.s32 $0x180, s30;
	[sflag:s23] =	ssyncadd.s32 $0xFFFFE000  }
0x103: {  	[tilespmem:s13], [sflag:$0x2] =	stream.indirect.gather [spmem:s2], $0x40, s30, s17, $0xb8;
	[tilespmem:$0x1A800] =	vst v63  }
0x104: {  	_ =	swait.ge [sflag:s19], $0x2000  }
0x105: {  	[sflag:s19] =	ssyncset.done $0x0  }
0x106: {  	[sflag:s19] =	ssyncadd.s32 $0xFFFFE000  }
0x107: {  	[spmem:s1] =	stream.indirect.scatter.add.f32 [tilespmem:s4], [sflag:$0x3], $0x40, s24, s17, $0xb8;
	[tilespmem:$0x1A800] =	vst v63  }
0x108: {  	_ =	swait.ge [sflag:s21], $0x2000  }
0x109: {  	[sflag:s21] =	ssyncset.done $0x0  }
0x10a: {  	[sflag:s21] =	ssyncadd.s32 $0xFFFFE000  }
0x10b: {  	[spmem:s1] =	stream.indirect.scatter.add.f32 [tilespmem:s13], [sflag:$0x4], $0x40, s26, s17, $0xb8;
	[tilespmem:$0x1A800] =	vst v63  }
0x10c: {  	_ =	swait.ge [sflag:s22], $0x2000  }
0x10d: {  	[sflag:s22] =	ssyncset.done $0x0  }
0x10e: {  	[sflag:s22] =	ssyncadd.s32 $0xFFFFE000  }
0x10f: {  	_ =	swait.ge [sflag:s23], $0x2000  }
0x110: {  	[sflag:s23] =	ssyncset.done $0x0  }
0x111: {  	s29 =	sadd.s32 $0x280, s9;
	s30 =	simm.s32 $0x0;
	[sflag:s23] =	ssyncadd.s32 $0xFFFFE000  }
0x112: {  	[tilespmem:s30], [sflag:$0x5] =	stream.linear.gather [hbm4b:s29+s30], $0x1400, $0x38;
	[tilespmem:$0x1A800] =	vst v63  }
0x113: {  	_ =	swait.ge [sflag:s12], $0x1400  }
0x114: {  	[sflag:s12] =	ssyncset.done $0x0  }
0x115: {  	s29 =	sadd.s32 $0x280, s10;
	[sflag:s12] =	ssyncadd.s32 $0xFFFFEC00  }
0x116: {  	[tilespmem:s15], [sflag:$0x5] =	stream.linear.gather [hbm4b:s29+s30], $0x1400, $0x38;
	[tilespmem:$0x1A800] =	vst v63  }
0x117: {  	_ =	swait.ge [sflag:s12], $0x1400  }
0x118: {  	[sflag:s12] =	ssyncset.done $0x0  }
0x119: {  	[sflag:s12] =	ssyncadd.s32 $0xFFFFEC00  }
0x11a: {  	[tilespmem:s4], [sflag:$0x1] =	stream.indirect.gather [spmem:s2], $0x40, s30, s17, $0xb8;
	[tilespmem:$0x1A800] =	vst v63  }
0x11b: {  	_ = 	snop  }
0x11c: {  	[tilespmem:s13], [sflag:$0x2] =	stream.indirect.gather [spmem:s2], $0x40, s17, s17, $0xb8;
	[tilespmem:$0x1A800] =	vst v63  }
0x11d: {  	_ =	swait.ge [sflag:s19], $0x2000  }
0x11e: {  	[sflag:s19] =	ssyncset.done $0x0  }
0x11f: {  	s29 =	simm.s32 $0x1400;
	[sflag:s19] =	ssyncadd.s32 $0xFFFFE000  }
0x120: {  	[spmem:s1] =	stream.indirect.scatter.add.f32 [tilespmem:s4], [sflag:$0x3], $0x40, s29, s17, $0xb8;
	[tilespmem:$0x1A800] =	vst v63  }
0x121: {  	_ =	swait.ge [sflag:s21], $0x2000  }
0x122: {  	[sflag:s21] =	ssyncset.done $0x0  }
0x123: {  	s29 =	simm.s32 $0x1480;
	[sflag:s21] =	ssyncadd.s32 $0xFFFFE000  }
0x124: {  	[spmem:s1] =	stream.indirect.scatter.add.f32 [tilespmem:s13], [sflag:$0x4], $0x40, s29, s17, $0xb8;
	[tilespmem:$0x1A800] =	vst v63  }
0x125: {  	_ =	swait.ge [sflag:s22], $0x2000  }
0x126: {  	[sflag:s22] =	ssyncset.done $0x0  }
0x127: {  	s29 =	simm.s32 $0x100;
	[sflag:s22] =	ssyncadd.s32 $0xFFFFE000  }
0x128: {  	[tilespmem:s4], [sflag:$0x1] =	stream.indirect.gather [spmem:s2], $0x40, s29, s17, $0xb8;
	[tilespmem:$0x1A800] =	vst v63  }
0x129: {  	_ =	swait.ge [sflag:s23], $0x2000  }
0x12a: {  	[sflag:s23] =	ssyncset.done $0x0  }
0x12b: {  	s30 =	simm.s32 $0x180;
	s29 =	simm.s32 $0x400;
	[sflag:s23] =	ssyncadd.s32 $0xFFFFE000  }
.LBB2_10:
0x12c: {  	[tilespmem:s13], [sflag:$0x2] =	stream.indirect.gather [spmem:s2], $0x40, s30, s17, $0xb8;
	[tilespmem:$0x1A800] =	vst v63  }
0x12d: {  	s30 =	smov.u32 s29  }
0x12e: {  	p0 =	sne.s32 s29, $0x4800;
	s29 =	sadd.s32 $0x400, s29;
	_ =	swait.ge [sflag:s19], $0x2000  }
0x12f: {  	s30 =	sshra.s32 s30, $0x2;
	[sflag:s19] =	ssyncset.done $0x0  }
0x130: {  	s31 =	sadd.s32 $0x1400, s30;
	[sflag:s19] =	ssyncadd.s32 $0xFFFFE000  }
0x131: {  	[spmem:s1] =	stream.indirect.scatter.add.f32 [tilespmem:s4], [sflag:$0x3], $0x40, s31, s17, $0xb8;
	[tilespmem:$0x1A800] =	vst v63  }
0x132: {  	_ =	swait.ge [sflag:s21], $0x2000  }
0x133: {  	[sflag:s21] =	ssyncset.done $0x0  }
0x134: {  	s31 =	sadd.s32 $0x1480, s30;
	[sflag:s21] =	ssyncadd.s32 $0xFFFFE000  }
0x135: {  	[spmem:s1] =	stream.indirect.scatter.add.f32 [tilespmem:s13], [sflag:$0x4], $0x40, s31, s17, $0xb8;
	[tilespmem:$0x1A800] =	vst v63  }
0x136: {  	_ =	swait.ge [sflag:s22], $0x2000  }
0x137: {  	[sflag:s22] =	ssyncset.done $0x0  }
.Ltmp4:
0x138: {  	s31 =	sadd.s32 $0x100, s30;
	[sflag:s22] =	ssyncadd.s32 $0xFFFFE000;
	(pc) =	sbr.rel @p0 .LBB2_10-.Ltmp4, $4  }
0x139: {  	[tilespmem:s4], [sflag:$0x1] =	stream.indirect.gather [spmem:s2], $0x40, s31, s17, $0xb8;
	[tilespmem:$0x1A800] =	vst v63  }
0x13a: {  	_ =	swait.ge [sflag:s23], $0x2000  }
0x13b: {  	[sflag:s23] =	ssyncset.done $0x0  }
0x13c: {  	s30 =	sadd.s32 $0x180, s30;
	[sflag:s23] =	ssyncadd.s32 $0xFFFFE000  }
0x13d: {  	[tilespmem:s13], [sflag:$0x2] =	stream.indirect.gather [spmem:s2], $0x40, s30, s17, $0xb8;
	[tilespmem:$0x1A800] =	vst v63  }
0x13e: {  	_ =	swait.ge [sflag:s19], $0x2000  }
0x13f: {  	[sflag:s19] =	ssyncset.done $0x0  }
0x140: {  	[sflag:s19] =	ssyncadd.s32 $0xFFFFE000  }
0x141: {  	[spmem:s1] =	stream.indirect.scatter.add.f32 [tilespmem:s4], [sflag:$0x3], $0x40, s24, s17, $0xb8;
	[tilespmem:$0x1A800] =	vst v63  }
0x142: {  	_ =	swait.ge [sflag:s21], $0x2000  }
0x143: {  	[sflag:s21] =	ssyncset.done $0x0  }
0x144: {  	[sflag:s21] =	ssyncadd.s32 $0xFFFFE000  }
0x145: {  	[spmem:s1] =	stream.indirect.scatter.add.f32 [tilespmem:s13], [sflag:$0x4], $0x40, s26, s17, $0xb8;
	[tilespmem:$0x1A800] =	vst v63  }
0x146: {  	_ =	swait.ge [sflag:s22], $0x2000  }
0x147: {  	[sflag:s22] =	ssyncset.done $0x0  }
0x148: {  	[sflag:s22] =	ssyncadd.s32 $0xFFFFE000  }
0x149: {  	_ =	swait.ge [sflag:s23], $0x2000  }
0x14a: {  	[sflag:s23] =	ssyncset.done $0x0  }
0x14b: {  	[sflag:s23] =	ssyncadd.s32 $0xFFFFE000  }
0x14c: {  	[bflag:$0x0] =	sbarrier.arrive $0xFFFF  }
0x14d: {  	s29 =	rddreg [dreg:$0x4]  }
0x14e: {  	[tilespmem:s4], [sflag:$0x5] =	stream.linear.gather [spmem:s29], $0x2000, $0x38;
	[tilespmem:$0x1A800] =	vst v63  }
0x14f: {  	_ =	swait.ge [sflag:s12], $0x2000  }
0x150: {  	[sflag:s12] =	ssyncset.done $0x0  }
0x151: {  	s30 =	sadd.s32 s14, s11;
	[sflag:s12] =	ssyncadd.s32 $0xFFFFE000  }
0x152: {  	[hbm4b:s30+s3] =	stream.linear.scatter [tilespmem:s4], [sflag:$0x5], $0x2000, $0x38;
	[tilespmem:$0x1A800] =	vst v63  }
0x153: {  	_ =	swait.ge [sflag:s12], $0x2000  }
0x154: {  	[sflag:s12] =	ssyncset.done $0x0  }
0x155: {  	s31 =	rddreg [dreg:$0xa];
	[sflag:s12] =	ssyncadd.s32 $0xFFFFE000  }
0x156: {  	[tilespmem:s4], [sflag:$0x5] =	stream.linear.gather [spmem:s31], $0x2000, $0x38;
	[tilespmem:$0x1A800] =	vst v63  }
0x157: {  	_ =	swait.ge [sflag:s12], $0x2000  }
0x158: {  	[sflag:s12] =	ssyncset.done $0x0  }
0x159: {  	s30 =	sadd.s32 s16, s11;
	[sflag:s12] =	ssyncadd.s32 $0xFFFFE000  }
0x15a: {  	[hbm4b:s30+s3] =	stream.linear.scatter [tilespmem:s4], [sflag:$0x5], $0x2000, $0x38;
	[tilespmem:$0x1A800] =	vst v63  }
0x15b: {  	_ =	swait.ge [sflag:s12], $0x2000  }
0x15c: {  	[sflag:s12] =	ssyncset.done $0x0  }
0x15d: {  	s31 =	rddreg [dreg:$0xb];
	[sflag:s12] =	ssyncadd.s32 $0xFFFFE000  }
0x15e: {  	[tilespmem:s4], [sflag:$0x5] =	stream.linear.gather [spmem:s31], $0x2000, $0x38;
	[tilespmem:$0x1A800] =	vst v63  }
0x15f: {  	_ =	swait.ge [sflag:s12], $0x2000  }
0x160: {  	[sflag:s12] =	ssyncset.done $0x0  }
0x161: {  	s30 =	sadd.s32 s18, s11;
	[sflag:s12] =	ssyncadd.s32 $0xFFFFE000  }
0x162: {  	[hbm4b:s30+s3] =	stream.linear.scatter [tilespmem:s4], [sflag:$0x5], $0x2000, $0x38;
	[tilespmem:$0x1A800] =	vst v63  }
0x163: {  	_ =	swait.ge [sflag:s12], $0x2000  }
0x164: {  	[sflag:s12] =	ssyncset.done $0x0  }
0x165: {  	s31 =	rddreg [dreg:$0xc];
	[sflag:s12] =	ssyncadd.s32 $0xFFFFE000  }
0x166: {  	[tilespmem:s4], [sflag:$0x5] =	stream.linear.gather [spmem:s31], $0x2000, $0x38;
	[tilespmem:$0x1A800] =	vst v63  }
0x167: {  	_ =	swait.ge [sflag:s12], $0x2000  }
0x168: {  	[sflag:s12] =	ssyncset.done $0x0  }
0x169: {  	s30 =	sadd.s32 s20, s11;
	[sflag:s12] =	ssyncadd.s32 $0xFFFFE000  }
0x16a: {  	[hbm4b:s30+s3] =	stream.linear.scatter [tilespmem:s4], [sflag:$0x5], $0x2000, $0x38;
	[tilespmem:$0x1A800] =	vst v63  }
0x16b: {  	_ =	swait.ge [sflag:s12], $0x2000  }
0x16c: {  	[sflag:s12] =	ssyncset.done $0x0  }
0x16d: {  	s31 =	rddreg [dreg:$0xe];
	[sflag:s12] =	ssyncadd.s32 $0xFFFFE000  }
0x16e: {  	[tilespmem:s4], [sflag:$0x5] =	stream.linear.gather [spmem:s31], $0x2000, $0x38;
	[tilespmem:$0x1A800] =	vst v63  }
0x16f: {  	_ =	swait.ge [sflag:s12], $0x2000  }
0x170: {  	[sflag:s12] =	ssyncset.done $0x0  }
0x171: {  	s30 =	sadd.s32 s25, s11;
	[sflag:s12] =	ssyncadd.s32 $0xFFFFE000  }
0x172: {  	[hbm4b:s30+s3] =	stream.linear.scatter [tilespmem:s4], [sflag:$0x5], $0x2000, $0x38;
	[tilespmem:$0x1A800] =	vst v63  }
0x173: {  	_ =	swait.ge [sflag:s12], $0x2000  }
0x174: {  	s28 =	sadd.s32 $0x1, s28;
	s31 =	rddreg [dreg:$0x5]  }
0x175: {  	p0 =	sne.s32 s28, s31  }
.Ltmp5:
0x176: {  	_ = 	snop;
	(pc) =	sbr.rel @p0 .LBB2_1-.Ltmp5, $3  }
0x177: {  	_ =	sdelay $0x1  }
0x178: {  	[sflag:s12] =	ssyncset.done $0x0  }
0x179: {  	[sflag:s12] =	ssyncadd.s32 $0xFFFFE000  }
0x17a: {  	_ =	sfence.sel $0x180000  }
0x17b: {  	[bflag:$0x0] =	sbarrier.arrive $0xFFFF  }
0x17c: {  	_ =	strace $0x9000004A  }
0x17d: {  	s0 =	stileid.u32;
	[bflag:$0x2] =	sbarrier.arrive $0xFFFF  }
0x17e: {  	p0 =	sne.s32 s0, $0x0;
	s0 =	rddreg [dreg:$0x3]  }
0x17f: {  	s0 =	sadd.s32 @!p0 $0x100000, s0  }
0x180: {  	[sflag:s0] =	ssyncadd.tile.s32 @!p0 $0x1;
	_ =	shalt  }
.Lfunc_end2:
_tile_overlayer_lowered:
.L_overlay_start_2:
0x181: {  	(tag) =	ssettag $0x2  }
0x182: {  	s0 =	rddreg [dreg:$0x0];
	s2 =	stileid.u32  }
0x183: {  	s1 =	rddreg [dreg:$0x1];
	p0 =	sne.s32 s2, $0x0  }
0x184: {  	s3 =	rddreg [dreg:$0x2];
	[bflag:$0x3] =	sbarrier.arrive $0xFFFF;
	s2 =	simm.s32 @!p0 $0x1C05  }
0x185: {  	[timem:s3], [sflag:s2] =	dma.local @!p0 [hbm:s0], s1  }
0x186: {  	s0 =	simm.s32 @!p0 $0x5  }
0x187: {  	_ =	swait.ge @!p0 [sflag:s0], s1  }
0x188: {  	s1 =	ssub.s32 @!p0 $0x0, s1;
	[sflag:s0] =	ssyncset.done @!p0 $0x0  }
0x189: {  	[sflag:s0] =	ssyncadd.s32 @!p0 s1  }
0x18a: {  	[bflag:$0x3] =	sbarrier.arrive $0xFFFF  }
0x18b: {  	_ =	shalt  }

// kernel: kernel.13.cloned.1.call-start
scs
__scs_entry_jumppad:
0x0: {  	(pc) =	sbr.rel $0x88, $3  }
0x1: {  	(tag) =	ssettag $0x0;
	lr =	simm.s32 $0x1  }
0x2: {  	[smem:$0x3F9B] =	sst lr;
	_ =	strace $0xD0000000  }
0x3: {  	_ = 	snop  }
0x4: {  	_ = 	snop  }
0x5: {  	_ = 	snop  }
0x6: {  	_ = 	snop  }
0x7: {  	_ = 	snop  }
__scs_overlays_trampoline_lowered:
0x8: {  	[smem:$0x3FAA] =	sst s0  }
0x9: {  	[smem:$0x3FAB] =	sst s1  }
0xa: {  	[smem:$0x3FAC] =	sst s2  }
0xb: {  	[smem:$0x3FAD] =	sst s3  }
0xc: {  	[smem:$0x3FAE] =	sst s4  }
0xd: {  	[smem:$0x3FAF] =	sst s5  }
0xe: {  	[smem:$0x3FB0] =	sst s6  }
0xf: {  	[smem:$0x3FB1] =	sst s7  }
0x10: {  	[smem:$0x3FB2] =	sst s8  }
0x11: {  	[smem:$0x3FB3] =	sst s9;
	s0 =	simm.s32 @!p0 $0x0  }
0x12: {  	s1 =	sld [smem:$0x3F99];
	s0 =	simm.s32 @p0 $0x1  }
0x13: {  	[smem:$0x3FB4] =	sst s0;
	s0 =	simm.s32 @!p1 $0x0  }
0x14: {  	s2 =	sld [smem:$0x3F98];
	s0 =	simm.s32 @p1 $0x1  }
0x15: {  	[smem:$0x3FB5] =	sst s0;
	s0 =	simm.s32 @!p2 $0x0  }
0x16: {  	s3 =	sld [smem:$0x3FDB];
	s0 =	simm.s32 @p2 $0x1  }
0x17: {  	s4 =	simm.s32 $0x1BF5;
	[smem:$0x3FB7] =	sst s0  }
0x18: {  	s0 =	sld [smem:$0x3F9A];
	_ =	swait.ge [sflag:s4], $0x0  }
0x19: {  	s7 =	sld [smem:$0x3F9B]  }
0x1a: {  	s8 =	sadd.s32 $0xFFFFE003, lr  }
0x1b: {  	s9 =	sadd.s32 $0xFFFFFEF7, lr;
	s5 =	simm.s32 $0xFFFFFFFF;
	p2 =	slt.u32 s8, $0xFFFFF086  }
0x1c: {  	p1 =	slt.u32 s9, $0xF7A;
	s5 =	simm.s32 @!p2 $0x0  }
0x1d: {  	s5 =	simm.s32 @p1 $0x1;
	p0 =	seq.s32 s7, s2  }
0x1e: {  	s7 =	smul.u32 @!p0 $0xF7A, s2;
	p2 =	seq.s32 @!p0 s5, $0x0  }
0x1f: {  	s9 =	smul.u32 $0xF7A, s1;
	s8 =	simm.s32 @!p0 $0x1BF5;
	p2 =	por !p2, p0  }
0x20: {  	[sflag:s8] =	ssyncset.s32 @!p0 $0xFFFFF086;
	s6 =	sadd.s32 @!p0 s3, s7;
	s7 =	simm.s32 @!p0 $0x108  }
0x21: {  	s3 =	sadd.s32 s3, s9;
	s6 =	sadd.s32 @!p0 $0x88, s6;
	s7 =	simm.s32 @p2 $0x1082  }
0x22: {  	[simem:s7], [sflag:s8] =	dma.local @!p0 [hbm:s6], $0xF7A  }
0x23: {  	s9 =	sor.u32 $0xD0000000, s2;
	s6 =	simm.s32 $0x108;
	_ =	swait.ge @!p0 [sflag:s8], $0x0  }
0x24: {  	s3 =	sadd.s32 $0x88, s3;
	s6 =	simm.s32 @!p1 $0x1082;
	[sflag:s4] =	ssyncset.s32 $0xFFFFF086  }
0x25: {  	[simem:s6], [sflag:s4] =	dma.local [hbm:s3], $0xF7A  }
0x26: {  	[smem:$0x3F9B] =	sst s1;
	(tag) =	ssettag s2;
	_ =	strace s9  }
0x27: {  	s1 =	sld [smem:$0x3FAB]  }
0x28: {  	s2 =	sld [smem:$0x3FAC]  }
0x29: {  	s4 =	sld [smem:$0x3FAE]  }
0x2a: {  	p0 =	seq.s32 s5, $0x0;
	s5 =	sld [smem:$0x3FAF]  }
0x2b: {  	s6 =	sld [smem:$0x3FB0]  }
0x2c: {  	s7 =	sld [smem:$0x3FB1]  }
0x2d: {  	s3 =	simm.s32 $0x108;
	s8 =	sld [smem:$0x3FB2]  }
0x2e: {  	s3 =	simm.s32 @!p0 $0x1082;
	s9 =	sld [smem:$0x3FB3]  }
0x2f: {  	lr =	sadd.s32 s0, s3;
	s0 =	sld [smem:$0x3FAA]  }
0x30: {  	s3 =	sld [smem:$0x3FAD]  }
0x31: {  	[smem:$0x3FB6] =	sst s10  }
0x32: {  	s10 =	sld [smem:$0x3FB4];
	_ =	sdelay $0x3  }
0x33: {  	p0 =	seq.s32 s10, $0x1;
	s10 =	sld [smem:$0x3FB6];
	_ =	sdelay $0x3  }
0x34: {  	[smem:$0x3FB6] =	sst s10  }
0x35: {  	s10 =	sld [smem:$0x3FB5];
	_ =	sdelay $0x3  }
0x36: {  	p1 =	seq.s32 s10, $0x1;
	s10 =	sld [smem:$0x3FB6];
	_ =	sdelay $0x3  }
0x37: {  	[smem:$0x3FB6] =	sst s10  }
0x38: {  	s10 =	sld [smem:$0x3FB7]  }
0x39: {  	_ = 	snop;
	(pc) =	sbr.ind lr, $3  }
0x3a: {  	_ = 	snop  }
0x3b: {  	_ = 	snop  }
0x3c: {  	p2 =	seq.s32 s10, $0x1;
	s10 =	sld [smem:$0x3FB6]  }
0x3d: {  	_ =	shalt  }
0x3e: {  	_ =	shalt  }
0x3f: {  	_ =	shalt  }
0x40: {  	_ =	shalt  }
0x41: {  	_ =	shalt  }
0x42: {  	_ =	shalt  }
0x43: {  	_ =	shalt  }
0x44: {  	_ =	shalt  }
0x45: {  	_ =	shalt  }
0x46: {  	_ =	shalt  }
0x47: {  	_ =	shalt  }
0x48: {  	_ =	shalt  }
0x49: {  	_ =	shalt  }
0x4a: {  	_ =	shalt  }
0x4b: {  	_ =	shalt  }
0x4c: {  	_ =	shalt  }
0x4d: {  	_ =	shalt  }
0x4e: {  	_ =	shalt  }
0x4f: {  	_ =	shalt  }
0x50: {  	_ =	shalt  }
0x51: {  	_ =	shalt  }
0x52: {  	_ =	shalt  }
0x53: {  	_ =	shalt  }
0x54: {  	_ =	shalt  }
0x55: {  	_ =	shalt  }
0x56: {  	_ =	shalt  }
0x57: {  	_ =	shalt  }
0x58: {  	_ =	shalt  }
0x59: {  	_ =	shalt  }
0x5a: {  	_ =	shalt  }
0x5b: {  	_ =	shalt  }
0x5c: {  	_ =	shalt  }
0x5d: {  	_ =	shalt  }
0x5e: {  	_ =	shalt  }
0x5f: {  	_ =	shalt  }
0x60: {  	_ =	shalt  }
0x61: {  	_ =	shalt  }
0x62: {  	_ =	shalt  }
0x63: {  	_ =	shalt  }
0x64: {  	_ =	shalt  }
0x65: {  	_ =	shalt  }
0x66: {  	_ =	shalt  }
0x67: {  	_ =	shalt  }
0x68: {  	_ =	shalt  }
0x69: {  	_ =	shalt  }
0x6a: {  	_ =	shalt  }
0x6b: {  	_ =	shalt  }
0x6c: {  	_ =	shalt  }
0x6d: {  	_ =	shalt  }
0x6e: {  	_ =	shalt  }
0x6f: {  	_ =	shalt  }
0x70: {  	_ =	shalt  }
0x71: {  	_ =	shalt  }
0x72: {  	_ =	shalt  }
0x73: {  	_ =	shalt  }
0x74: {  	_ =	shalt  }
0x75: {  	_ =	shalt  }
0x76: {  	_ =	shalt  }
0x77: {  	_ =	shalt  }
0x78: {  	_ =	shalt  }
0x79: {  	_ =	shalt  }
0x7a: {  	_ =	shalt  }
0x7b: {  	_ =	shalt  }
0x7c: {  	_ =	shalt  }
0x7d: {  	_ =	shalt  }
0x7e: {  	_ =	shalt  }
0x7f: {  	_ =	shalt  }
0x80: {  	_ =	shalt  }
0x81: {  	_ =	shalt  }
0x82: {  	_ =	shalt  }
0x83: {  	_ =	shalt  }
0x84: {  	_ =	shalt  }
0x85: {  	_ =	shalt  }
0x86: {  	_ =	shalt  }
0x87: {  	_ =	shalt  }
.Lfunc_end0:
.L_simem_size_0:
called_computation.2_lowered:
.L_overlay_start_0:
0x88: {  	s2 =	sld [smem:$0x3FD9]  }
0x89: {  	s3 =	sld [smem:$0x3FFE];
	_ =	sdelay $0x1  }
0x8a: {  	s1 =	srdreg.scid  }
0x8b: {  	s0 =	sand.u32 $0x1, s1  }
0x8c: {  	s17 =	sshll.u32 s0, $0xA;
	s2 =	sadd.s32 s3, s2  }
0x8d: {  	s2 =	sadd.s32 s2, s17  }
0x8e: {  	[smem:$0x3FC2] =	sst s2  }
0x8f: {  	_ = 	snop  }
0x90: {  	s2 =	sld [smem:$0x3FD0];
	(tm) =	ssettm $0x1  }
0x91: {  	s18 =	sld [smem:$0x3FFB];
	_ =	sdelay $0x3  }
0x92: {  	_ =	strace s18  }
0x93: {  	s3 =	sld [smem:$0x3FFC];
	_ =	sdelay $0x3  }
0x94: {  	_ =	strace s3  }
0x95: {  	s3 =	sld [smem:$0x3FFD];
	_ =	sdelay $0x3  }
0x96: {  	_ =	strace s3  }
0x97: {  	_ =	strace $0x8FFFFFFF  }
0x98: {  	s19 =	sld [smem:$0x3FDB];
	_ =	sdelay $0x1  }
0x99: {  	s4 =	simm.s32 $_scs_section_size  }
0x9a: {  	s5 =	simm.s32 $_size__tile_overlayer_lowered;
	s6 =	simm.s32 $_tile_overlayer_lowered  }
0x9b: {  	s22 =	simm.s32 $0x1BFF;
	s21 =	sshll.u32 s6, $0x1;
	s3 =	sadd.s32 s4, s19  }
0x9c: {  	s7 =	simm.s32 $0x0;
	s20 =	sshll.u32 s5, $0x1;
	s5 =	sadd.s32 s21, s3  }
0x9d: {  	[timem:s7], [sflag:s22] =	dma.local [hbm:s5], s20  }
0x9e: {  	_ =	swait.ge [sflag:s22], s20  }
0x9f: {  	s4 =	ssub.s32 $0x0, s20;
	[sflag:s22] =	ssyncset.done $0x0  }
0xa0: {  	[sflag:s22] =	ssyncadd.s32 s4;
	_ =	sdelay $0x1  }
0xa1: {  	s23 =	simm.s32 $0x1B8B  }
0xa2: {  	_ =	swait.ge [sflag:s23], $0x1  }
0xa3: {  	[sflag:s23] =	ssyncset.done $0x0  }
0xa4: {  	s25 =	simm.s32 $0x1B8E;
	s24 =	sld [smem:$0x3FFE];
	[sflag:s23] =	ssyncadd.s32 $0xFFFFFFFF  }
0xa5: {  	s26 =	simm.s32 $execute0_lowered;
	[smem:$0x3FD2] =	sst s25  }
0xa6: {  	s5 =	sshll.u32 s26, $0x1;
	_ =	strace $0x8000004C;
	[dreg:$0x1] =	wrdreg $0xFFFFFFFF  }
0xa7: {  	s28 =	simm.s32 $_size_execute0_lowered;
	s3 =	sadd.s32 s3, s5;
	[dreg:$0x0] =	wrdreg $0x0  }
0xa8: {  	s5 =	sshll.u32 s28, $0x1;
	[dreg:$0x2] =	wrdreg s3  }
0xa9: {  	[dreg:$0x3] =	wrdreg s5  }
0xaa: {  	[dreg:$0x4] =	wrdreg $0xC0  }
0xab: {  	_ =	task [dreg:s7], $0x5FFFF  }
0xac: {  	[dreg:$0x1] =	wrdreg $0xFFFFFFFF  }
0xad: {  	[dreg:$0x0] =	wrdreg $0x60  }
0xae: {  	[dreg:$0x2] =	wrdreg s24  }
0xaf: {  	[dreg:$0x3] =	wrdreg s2  }
0xb0: {  	[dreg:$0x4] =	wrdreg $0x145100  }
0xb1: {  	[dreg:$0x5] =	wrdreg $0x9  }
0xb2: {  	_ =	task.clear_ibuf [dreg:s7], $0x6FFFF;
	_ =	strace $0x9000004C  }
0xb3: {  	s29 =	simm.s32 $0x9;
	_ =	strace $0x8000004E  }
0xb4: {  	_ =	swait.ge [sflag:s29], $0x1  }
0xb5: {  	[sflag:s29] =	ssyncadd.s32 $0xFFFFFFFF  }
0xb6: {  	_ =	strace $0x9000004E  }
0xb7: {  	_ =	sfence  }
0xb8: {  	s30 =	sld [smem:$0x0];
	_ =	sdelay $0x2  }
0xb9: {  	s31 =	sshll.u32 s1, $0xD;
	s1 =	sshrl.u32 s1, $0x2  }
0xba: {  	s3 =	sand.u32 $0x4000, s31;
	s1 =	sadd.s32 s1, s30  }
0xbb: {  	s0 =	sor.u32 s3, s0;
	s1 =	sshll.u32 s1, $0x11  }
0xbc: {  	s0 =	sor.u32 s1, s0  }
0xbd: {  	s0 =	sadd.s32 $0x8F2B, s0  }
0xbe: {  	[sflag:s0] =	ssyncadd.remote.s32 $0x1  }
0xbf: {  	_ =	sfence.sel $0xFFFF  }
0xc0: {  	[dreg:$0x0] =	wrdreg $0xFFFFFFFF;
	(pc) =	sbr.abs _section_cstart, $3  }
0xc1: {  	[dreg:$0x1] =	wrdreg $0xFFFFFFFF  }
0xc2: {  	_ =	task.clear_ibuf [dreg:s7], $0x2FFFF;
	_ =	strace $0x9FFFFFFF  }
0xc3: {  	(tm) =	ssettm $0x7FFFFFFF  }
tec
execute0_lowered:
.L_overlay_start_1:
0x0: {  	(tag) =	ssettag $0x1  }
0x1: {  	s1 =	srdreg.scid  }
0x2: {  	s1 =	sand.u32 $0x1, s1  }
0x3: {  	p0 =	seq.s32 s1, $0x1  }
.Ltmp0:
0x4: {  	s5 =	rddreg [dreg:$0x0];
	(pc) =	sbr.rel @p0 .LBB2_14-.Ltmp0, $4  }
0x5: {  	s2 =	rddreg [dreg:$0x1]  }
0x6: {  	s4 =	rddreg [dreg:$0x2];
	s3 =	simm.s32 $0x0  }
0x7: {  	[smem:$0x7FF] =	sst s3  }
0x8: {  	s0 =	rddreg [dreg:$0x3];
	_ =	strace $0x8000004D;
	s1 =	stileid.u32  }
0x9: {  	s6 =	sadd.s32 $0xA800, s5  }
0xa: {  	s7 =	simm.s32 $0xA000;
	s21 =	smul.u32 $0x280, s1;
	s8 =	simm.s32 $0x1  }
0xb: {  	[tilespmem:s7], [sflag:$0x1] =	stream.linear.gather [hbm4b:s6+s3], $0x2800, $0x38;
	[tilespmem:$0x16D10] =	vst v63  }
0xc: {  	_ =	swait.ge [sflag:s8], $0x2800  }
0xd: {  	s22 =	sadd.s32 $0xA200, s5;
	s9 =	sshrl.u32 s21, $0x3;
	[sflag:s8] =	ssyncset.done $0x0  }
0xe: {  	s23 =	simm.s32 $0xF280;
	s7 =	sadd.s32 s22, s9;
	[sflag:s8] =	ssyncadd.s32 $0xFFFFD800  }
0xf: {  	[tilespmem:s23], [sflag:$0x1] =	stream.linear.gather [hbm4b:s7+s3], $0x280, $0x38;
	[tilespmem:$0x16D10] =	vst v63  }
0x10: {  	_ =	swait.ge [sflag:s8], $0x280  }
0x11: {  	s24 =	sadd.s32 $0xAE00, s5;
	[sflag:s8] =	ssyncset.done $0x0  }
0x12: {  	s25 =	smul.u32 $0xA000, s1;
	s10 =	simm.s32 $0xF500;
	[sflag:s8] =	ssyncadd.s32 $0xFFFFFD80  }
0x13: {  	[tilespmem:s10], [sflag:$0x1] =	stream.linear.gather [hbm4b:s24+s3], $0x10, $0x38;
	[tilespmem:$0x16D10] =	vst v63  }
0x14: {  	s26 =	sadd.s32 $0x14200, s5;
	s28 =	smul.u32 $0xA00, s1;
	_ =	swait.ge [sflag:s8], $0x10  }
0x15: {  	s11 =	sadd.s32 $0x200, s5;
	s30 =	smul.u32 $0x4E20, s1;
	[sflag:s8] =	ssyncset.done $0x0  }
0x16: {  	s12 =	smul.u32 $0x9C4, s1;
	s7 =	sadd.s32 s26, s28;
	[sflag:s8] =	ssyncadd.s32 $0xFFFFFFF0  }
0x17: {  	[tilespmem:s3], [sflag:$0x1] =	stream.linear.gather [hbm4b:s7+s3], $0x5000, $0x38;
	[tilespmem:$0x16D10] =	vst v63  }
0x18: {  	s31 =	simm.s32 $0x5000;
	s29 =	sshrl.u32 s25, $0x2;
	_ =	swait.ge [sflag:s8], $0x5000  }
0x19: {  	s5 =	sadd.s32 s21, s4;
	s6 =	sadd.s32 $0xA000, s21;
	[sflag:s8] =	ssyncset.done $0x0  }
0x1a: {  	s9 =	sshrl.u32 s30, $0x3;
	s10 =	sadd.s32 s11, s28;
	[sflag:s8] =	ssyncadd.s32 $0xFFFFB000  }
0x1b: {  	[tilespmem:s31], [sflag:$0x1] =	stream.linear.gather [hbm4b:s10+s3], $0x5000, $0x38;
	[tilespmem:$0x16D10] =	vst v63  }
0x1c: {  	s9 =	sadd.s32 s2, s9;
	s7 =	sadd.s32 s29, s4;
	_ =	swait.ge [sflag:s8], $0x5000  }
0x1d: {  	s3 =	sadd.s32 s2, s12;
	s2 =	sadd.s32 $0x4E2, s9;
	[sflag:s8] =	ssyncset.done $0x0  }
0x1e: {  	v0 =	vimm.f32 $0.0e+00;
	s9 =	simm.s32 $0x0;
	[sflag:s8] =	ssyncadd.s32 $0xFFFFB000;
	s8 =	simm.s32 $0x40  }
.LBB2_2:
0x1f: {  	p0 =	sne.s32 s8, $0x9FC0;
	[tilespmem:s9+$0xC800] =	vst v0;
	s9 =	smov.u32 s8;
	s8 =	sadd.s32 $0x40, s8  }
.Ltmp1:
0x20: {  	(pc) =	sbr.rel @p0 .LBB2_2-.Ltmp1, $2  }
0x21: {  	_ =	sdelay $0x2  }
0x22: {  	s9 =	sshra.s32 s9, $0x2  }
0x23: {  	[tilespmem:s9+$0xC800] =	vst v0;
	s8 =	simm.s32 $0x0;
	s9 =	simm.s32 $0xA000;
	s10 =	simm.s32 $0xC800  }
.LBB2_4:
0x24: {  	s11 =	sshra.s32 s8, $0x2  }
0x25: {  	v0 =	vld [tilespmem:s11+$0x0];
	_ =	sdelay $0x4  }
0x26: {  	v1 =	vld [tilespmem:s11+$0x5000];
	_ =	sdelay $0x2  }
0x27: {  	v0 =	vld.idx.msk [tilespmem:v0+s9+$0x0], $0xffff;
	_ =	sdelay $0x4  }
0x28: {  	[tilespmem:v1+s10+$0x0] =	vst.idx.add.f32.msk $0xffff, v0  }
0x29: {  	v0 =	vld [tilespmem:s11+$0x10];
	_ =	sdelay $0x4  }
0x2a: {  	v1 =	vld [tilespmem:s11+$0x5010];
	_ =	sdelay $0x2  }
0x2b: {  	v0 =	vld.idx.msk [tilespmem:v0+s9+$0x0], $0xffff;
	_ =	sdelay $0x4  }
0x2c: {  	[tilespmem:v1+s10+$0x0] =	vst.idx.add.f32.msk $0xffff, v0  }
0x2d: {  	v0 =	vld [tilespmem:s11+$0x20];
	_ =	sdelay $0x4  }
0x2e: {  	v1 =	vld [tilespmem:s11+$0x5020];
	_ =	sdelay $0x2  }
0x2f: {  	v0 =	vld.idx.msk [tilespmem:v0+s9+$0x0], $0xffff;
	_ =	sdelay $0x4  }
0x30: {  	[tilespmem:v1+s10+$0x0] =	vst.idx.add.f32.msk $0xffff, v0  }
0x31: {  	v0 =	vld [tilespmem:s11+$0x30];
	_ =	sdelay $0x4  }
0x32: {  	v1 =	vld [tilespmem:s11+$0x5030];
	_ =	sdelay $0x2  }
0x33: {  	v0 =	vld.idx.msk [tilespmem:v0+s9+$0x0], $0xffff;
	_ =	sdelay $0x4  }
0x34: {  	[tilespmem:v1+s10+$0x0] =	vst.idx.add.f32.msk $0xffff, v0  }
0x35: {  	v0 =	vld [tilespmem:s11+$0x40];
	_ =	sdelay $0x4  }
0x36: {  	v1 =	vld [tilespmem:s11+$0x5040];
	_ =	sdelay $0x2  }
0x37: {  	v0 =	vld.idx.msk [tilespmem:v0+s9+$0x0], $0xffff;
	_ =	sdelay $0x4  }
0x38: {  	[tilespmem:v1+s10+$0x0] =	vst.idx.add.f32.msk $0xffff, v0  }
0x39: {  	v0 =	vld [tilespmem:s11+$0x50];
	_ =	sdelay $0x4  }
0x3a: {  	v1 =	vld [tilespmem:s11+$0x5050];
	_ =	sdelay $0x2  }
0x3b: {  	v0 =	vld.idx.msk [tilespmem:v0+s9+$0x0], $0xffff;
	_ =	sdelay $0x4  }
0x3c: {  	[tilespmem:v1+s10+$0x0] =	vst.idx.add.f32.msk $0xffff, v0  }
0x3d: {  	v0 =	vld [tilespmem:s11+$0x60];
	_ =	sdelay $0x4  }
0x3e: {  	v1 =	vld [tilespmem:s11+$0x5060];
	_ =	sdelay $0x2  }
0x3f: {  	v0 =	vld.idx.msk [tilespmem:v0+s9+$0x0], $0xffff;
	_ =	sdelay $0x4  }
0x40: {  	[tilespmem:v1+s10+$0x0] =	vst.idx.add.f32.msk $0xffff, v0  }
0x41: {  	v0 =	vld [tilespmem:s11+$0x70];
	_ =	sdelay $0x4  }
0x42: {  	v1 =	vld [tilespmem:s11+$0x5070];
	_ =	sdelay $0x2  }
0x43: {  	p0 =	sne.s32 s8, $0x9E00;
	v0 =	vld.idx.msk [tilespmem:v0+s9+$0x0], $0xffff  }
.Ltmp2:
0x44: {  	_ = 	snop;
	(pc) =	sbr.rel @p0 .LBB2_4-.Ltmp2, $2  }
0x45: {  	_ =	sdelay $0x2  }
0x46: {  	s8 =	sadd.s32 $0x200, s8;
	[tilespmem:v1+s10+$0x0] =	vst.idx.add.f32.msk $0xffff, v0  }
0x47: {  	s8 =	simm.s32 $0x0;
	s9 =	simm.s32 $0xA000;
	s10 =	simm.s32 $0xC800  }
.LBB2_6:
0x48: {  	s11 =	sshra.s32 s8, $0x2  }
0x49: {  	v0 =	vld [tilespmem:s11+$0x2800];
	_ =	sdelay $0x4  }
0x4a: {  	v1 =	vld [tilespmem:s11+$0x7800];
	_ =	sdelay $0x2  }
0x4b: {  	v0 =	vld.idx.msk [tilespmem:v0+s9+$0x0], $0xffff;
	_ =	sdelay $0x4  }
0x4c: {  	[tilespmem:v1+s10+$0x0] =	vst.idx.add.f32.msk $0xffff, v0  }
0x4d: {  	v0 =	vld [tilespmem:s11+$0x2810];
	_ =	sdelay $0x4  }
0x4e: {  	v1 =	vld [tilespmem:s11+$0x7810];
	_ =	sdelay $0x2  }
0x4f: {  	v0 =	vld.idx.msk [tilespmem:v0+s9+$0x0], $0xffff;
	_ =	sdelay $0x4  }
0x50: {  	[tilespmem:v1+s10+$0x0] =	vst.idx.add.f32.msk $0xffff, v0  }
0x51: {  	v0 =	vld [tilespmem:s11+$0x2820];
	_ =	sdelay $0x4  }
0x52: {  	v1 =	vld [tilespmem:s11+$0x7820];
	_ =	sdelay $0x2  }
0x53: {  	v0 =	vld.idx.msk [tilespmem:v0+s9+$0x0], $0xffff;
	_ =	sdelay $0x4  }
0x54: {  	[tilespmem:v1+s10+$0x0] =	vst.idx.add.f32.msk $0xffff, v0  }
0x55: {  	v0 =	vld [tilespmem:s11+$0x2830];
	_ =	sdelay $0x4  }
0x56: {  	v1 =	vld [tilespmem:s11+$0x7830];
	_ =	sdelay $0x2  }
0x57: {  	v0 =	vld.idx.msk [tilespmem:v0+s9+$0x0], $0xffff;
	_ =	sdelay $0x4  }
0x58: {  	[tilespmem:v1+s10+$0x0] =	vst.idx.add.f32.msk $0xffff, v0  }
0x59: {  	v0 =	vld [tilespmem:s11+$0x2840];
	_ =	sdelay $0x4  }
0x5a: {  	v1 =	vld [tilespmem:s11+$0x7840];
	_ =	sdelay $0x2  }
0x5b: {  	v0 =	vld.idx.msk [tilespmem:v0+s9+$0x0], $0xffff;
	_ =	sdelay $0x4  }
0x5c: {  	[tilespmem:v1+s10+$0x0] =	vst.idx.add.f32.msk $0xffff, v0  }
0x5d: {  	v0 =	vld [tilespmem:s11+$0x2850];
	_ =	sdelay $0x4  }
0x5e: {  	v1 =	vld [tilespmem:s11+$0x7850];
	_ =	sdelay $0x2  }
0x5f: {  	v0 =	vld.idx.msk [tilespmem:v0+s9+$0x0], $0xffff;
	_ =	sdelay $0x4  }
0x60: {  	[tilespmem:v1+s10+$0x0] =	vst.idx.add.f32.msk $0xffff, v0  }
0x61: {  	v0 =	vld [tilespmem:s11+$0x2860];
	_ =	sdelay $0x4  }
0x62: {  	v1 =	vld [tilespmem:s11+$0x7860];
	_ =	sdelay $0x2  }
0x63: {  	v0 =	vld.idx.msk [tilespmem:v0+s9+$0x0], $0xffff;
	_ =	sdelay $0x4  }
0x64: {  	[tilespmem:v1+s10+$0x0] =	vst.idx.add.f32.msk $0xffff, v0  }
0x65: {  	v0 =	vld [tilespmem:s11+$0x2870];
	_ =	sdelay $0x4  }
0x66: {  	v1 =	vld [tilespmem:s11+$0x7870];
	_ =	sdelay $0x2  }
0x67: {  	p0 =	sne.s32 s8, $0x9E00;
	v0 =	vld.idx.msk [tilespmem:v0+s9+$0x0], $0xffff  }
.Ltmp3:
0x68: {  	_ = 	snop;
	(pc) =	sbr.rel @p0 .LBB2_6-.Ltmp3, $2  }
0x69: {  	_ =	sdelay $0x2  }
0x6a: {  	s8 =	sadd.s32 $0x200, s8;
	[tilespmem:v1+s10+$0x0] =	vst.idx.add.f32.msk $0xffff, v0  }
0x6b: {  	s8 =	simm.s32 $0xC800;
	s30 =	simm.s32 $0x1  }
0x6c: {  	[spmem:s7] =	stream.linear.scatter [tilespmem:s8], [sflag:$0x1], $0x2800, $0x38;
	[tilespmem:$0x16D10] =	vst v63  }
0x6d: {  	_ =	swait.ge [sflag:s30], $0x2800  }
0x6e: {  	[sflag:s30] =	ssyncset.done $0x0  }
0x6f: {  	s31 =	simm.s32 $0x280;
	[sflag:s30] =	ssyncadd.s32 $0xFFFFD800  }
0x70: {  	s9 =	simm.s32 $0x2800;
	s10 =	simm.s32 $0x11D10;
	[bflag:$0x0] =	sbarrier.arrive $0xFFFF  }
0x71: {  	[tilespmem:s10], [sflag:$0x1] =	stream.strided.gather [spmem:s5], $0x2800, s9, s31, $0x38;
	[tilespmem:$0x16D10] =	vst v63  }
0x72: {  	_ =	swait.ge [sflag:s30], $0x2800  }
0x73: {  	[sflag:s30] =	ssyncset.done $0x0  }
0x74: {  	s8 =	simm.s32 $0x0;
	[sflag:s30] =	ssyncadd.s32 $0xFFFFD800  }
0x75: {  	v0 =	vld [tilespmem:s8+$0x11D10]  }
0x76: {  	v1 =	vld [tilespmem:s8+$0x11F90];
	_ =	sdelay $0x1  }
0x77: {  	v2 =	vld [tilespmem:s8+$0x12210];
	_ =	sdelay $0x1  }
0x78: {  	v3 =	vld [tilespmem:s8+$0x12490]  }
0x79: {  	v0 =	vadd.f32 v1, v0  }
0x7a: {  	v1 =	vld [tilespmem:s8+$0x12710]  }
0x7b: {  	v0 =	vadd.f32 v2, v0  }
0x7c: {  	v2 =	vld [tilespmem:s8+$0x12990]  }
0x7d: {  	v0 =	vadd.f32 v3, v0  }
0x7e: {  	v3 =	vld [tilespmem:s8+$0x12C10]  }
0x7f: {  	v1 =	vadd.f32 v1, v0  }
0x80: {  	v4 =	vld [tilespmem:s8+$0x12E90]  }
0x81: {  	v5 =	vld [tilespmem:s8+$0x13390];
	v1 =	vadd.f32 v2, v1  }
0x82: {  	s7 =	simm.s32 $0x10;
	v2 =	vld [tilespmem:s8+$0x13110]  }
0x83: {  	v6 =	vld [tilespmem:s7+$0x11D10];
	v1 =	vadd.f32 v3, v1  }
0x84: {  	v7 =	vld [tilespmem:s7+$0x12210]  }
0x85: {  	v3 =	vld [tilespmem:s8+$0x13610];
	v1 =	vadd.f32 v4, v1  }
0x86: {  	v4 =	vld [tilespmem:s7+$0x11F90]  }
0x87: {  	v8 =	vld [tilespmem:s7+$0x12490];
	v1 =	vadd.f32 v2, v1  }
0x88: {  	v2 =	vld [tilespmem:s8+$0x13890]  }
0x89: {  	v9 =	vld [tilespmem:s7+$0x12710];
	v1 =	vadd.f32 v5, v1  }
0x8a: {  	v5 =	vld [tilespmem:s8+$0x13B10]  }
0x8b: {  	v10 =	vld [tilespmem:s7+$0x12C10];
	v4 =	vadd.f32 v4, v6;
	v3 =	vadd.f32 v3, v1  }
0x8c: {  	v6 =	vld [tilespmem:s8+$0x13D90]  }
0x8d: {  	v1 =	vmov s6;
	v4 =	vadd.f32 v7, v4;
	v7 =	vld [tilespmem:s7+$0x12990];
	v2 =	vadd.f32 v2, v3  }
0x8e: {  	v3 =	vld [tilespmem:s8+$0x14010]  }
0x8f: {  	v11 =	vld [tilespmem:s7+$0x12E90];
	v4 =	vadd.f32 v8, v4;
	v2 =	vadd.f32 v5, v2  }
0x90: {  	v8 =	vld [tilespmem:s8+$0x14290]  }
0x91: {  	v0 =	vld [tilespmem:$0xF500];
	v4 =	vadd.f32 v9, v4;
	v2 =	vadd.f32 v6, v2  }
0x92: {  	v9 =	vld.idx.msk [tilespmem:v1+s8+$0x0 ss:$0x1], $0xffff  }
0x93: {  	v5 =	vld [tilespmem:s7+$0x13110];
	v4 =	vadd.f32 v7, v4;
	v6 =	vadd.f32 v3, v2  }
0x94: {  	v3 =	vld [tilespmem:s8+$0xF280]  }
0x95: {  	v2 =	vld [tilespmem:s7+$0x13610];
	v7 =	vadd.f32 v10, v4;
	v8 =	vadd.f32 v8, v6  }
0x96: {  	s6 =	simm.s32 $0x20;
	v6 =	vld [tilespmem:s7+$0x13390]  }
0x97: {  	s9 =	simm.s32 $0xC0;
	v4 =	vld [tilespmem:s6+$0x11D10];
	v7 =	vadd.f32 v11, v7;
	v8 =	vadd.f32 v9, v8  }
.LBB2_8:
0x98: {  	p0 =	sne.s32 s9, $0x9C0;
	v9 =	vld [tilespmem:s6+$0x11F90]  }
0x99: {  	v5 =	vadd.f32 v5, v7;
	v7 =	vld [tilespmem:s7+$0x13890];
	v3 =	vmul.f32 v8, v3  }
0x9a: {  	v8 =	vld [tilespmem:s6+$0x12210]  }
0x9b: {  	v5 =	vadd.f32 v6, v5;
	v6 =	vld [tilespmem:s7+$0x13B10];
	v3 =	vadd.f32 v3, v0  }
0x9c: {  	v10 =	vld [tilespmem:s6+$0x12490]  }
0x9d: {  	v4 =	vadd.f32 v9, v4;
	v2 =	vadd.f32 v2, v5;
	v5 =	vld [tilespmem:s7+$0x13D90];
	[tilespmem:s8+$0xF000] =	vst v3;
	s8 =	smov.u32 s7;
	s7 =	smov.u32 s6  }
0x9e: {  	v3 =	vld [tilespmem:s7+$0x12710]  }
0x9f: {  	v4 =	vadd.f32 v8, v4;
	v2 =	vadd.f32 v7, v2;
	v7 =	vld [tilespmem:s8+$0x14010]  }
0xa0: {  	v8 =	vld [tilespmem:s7+$0x12990]  }
0xa1: {  	v4 =	vadd.f32 v10, v4;
	v2 =	vadd.f32 v6, v2;
	v6 =	vld [tilespmem:s8+$0x14290]  }
0xa2: {  	v9 =	vld [tilespmem:s7+$0x12C10]  }
0xa3: {  	v3 =	vadd.f32 v3, v4;
	v2 =	vadd.f32 v5, v2;
	v10 =	vld.idx.msk [tilespmem:v1+s8+$0x0 ss:$0x1], $0xffff  }
0xa4: {  	v11 =	vld [tilespmem:s7+$0x12E90]  }
.Ltmp4:
0xa5: {  	v4 =	vadd.f32 v8, v3;
	v7 =	vadd.f32 v7, v2;
	v3 =	vld [tilespmem:s8+$0xF280];
	(pc) =	sbr.rel @p0 .LBB2_8-.Ltmp4, $4  }
0xa6: {  	v5 =	vld [tilespmem:s7+$0x13110]  }
0xa7: {  	v8 =	vadd.f32 v9, v4;
	v2 =	vld [tilespmem:s7+$0x13610];
	v9 =	vadd.f32 v6, v7  }
0xa8: {  	s6 =	sshra.s32 s9, $0x2;
	v6 =	vld [tilespmem:s7+$0x13390]  }
0xa9: {  	s9 =	sadd.s32 $0x40, s9;
	v4 =	vld [tilespmem:s6+$0x11D10];
	v7 =	vadd.f32 v11, v8;
	v8 =	vadd.f32 v10, v9  }
0xaa: {  	v9 =	vld [tilespmem:s6+$0x11F90]  }
0xab: {  	v10 =	vld [tilespmem:s7+$0x13890];
	v3 =	vmul.f32 v8, v3  }
0xac: {  	v43 =	vld [tilespmem:s6+$0x12210]  }
0xad: {  	v11 =	vld [tilespmem:s7+$0x13B10];
	v5 =	vadd.f32 v5, v7;
	v3 =	vadd.f32 v3, v0  }
0xae: {  	v44 =	vld [tilespmem:s6+$0x12490]  }
0xaf: {  	v12 =	vld [tilespmem:s7+$0x13D90];
	v5 =	vadd.f32 v6, v5;
	v4 =	vadd.f32 v9, v4;
	[tilespmem:s8+$0xF000] =	vst v3  }
0xb0: {  	v3 =	vld [tilespmem:s6+$0x12710]  }
0xb1: {  	v2 =	vadd.f32 v2, v5;
	v4 =	vadd.f32 v43, v4  }
0xb2: {  	v45 =	vld [tilespmem:s6+$0x12990]  }
0xb3: {  	v46 =	vld [tilespmem:s7+$0x14010];
	v2 =	vadd.f32 v10, v2;
	v4 =	vadd.f32 v44, v4  }
0xb4: {  	v47 =	vld [tilespmem:s6+$0x12C10]  }
0xb5: {  	v48 =	vld [tilespmem:s7+$0x14290];
	v2 =	vadd.f32 v11, v2;
	v3 =	vadd.f32 v3, v4  }
0xb6: {  	v49 =	vld [tilespmem:s6+$0x12E90]  }
0xb7: {  	v50 =	vld.idx.msk [tilespmem:v1+s7+$0x0 ss:$0x1], $0xffff;
	v2 =	vadd.f32 v12, v2;
	v3 =	vadd.f32 v45, v3  }
0xb8: {  	v51 =	vld [tilespmem:s6+$0x13110]  }
0xb9: {  	v52 =	vld [tilespmem:s7+$0xF280];
	v2 =	vadd.f32 v46, v2;
	v3 =	vadd.f32 v47, v3  }
0xba: {  	v53 =	vld [tilespmem:s6+$0x13390]  }
0xbb: {  	v2 =	vadd.f32 v48, v2;
	v3 =	vadd.f32 v49, v3  }
0xbc: {  	v54 =	vld [tilespmem:s6+$0x13610]  }
0xbd: {  	v2 =	vadd.f32 v50, v2;
	v3 =	vadd.f32 v51, v3  }
0xbe: {  	v55 =	vld [tilespmem:s6+$0x13890]  }
0xbf: {  	v2 =	vmul.f32 v2, v52;
	v3 =	vadd.f32 v53, v3  }
0xc0: {  	v56 =	vld [tilespmem:s6+$0x13B10]  }
0xc1: {  	v2 =	vadd.f32 v2, v0;
	v3 =	vadd.f32 v54, v3  }
0xc2: {  	v57 =	vld [tilespmem:s6+$0x13D90]  }
0xc3: {  	[tilespmem:s7+$0xF000] =	vst v2;
	v58 =	vadd.f32 v55, v3  }
0xc4: {  	v59 =	vld [tilespmem:s6+$0x14010]  }
0xc5: {  	v2 =	vadd.f32 v56, v58  }
0xc6: {  	v60 =	vld [tilespmem:s6+$0x14290]  }
0xc7: {  	v2 =	vadd.f32 v57, v2  }
0xc8: {  	v61 =	vld.idx.msk [tilespmem:v1+s6+$0x0 ss:$0x1], $0xffff  }
0xc9: {  	v2 =	vadd.f32 v59, v2  }
0xca: {  	v62 =	vld [tilespmem:s6+$0xF280]  }
0xcb: {  	v2 =	vadd.f32 v60, v2;
	_ =	sdelay $0x1  }
0xcc: {  	v1 =	vadd.f32 v61, v2;
	_ =	sdelay $0x1  }
0xcd: {  	v1 =	vmul.f32 v1, v62;
	_ =	sdelay $0x1  }
0xce: {  	v63 =	vadd.f32 v1, v0;
	_ =	sdelay $0x1  }
0xcf: {  	[tilespmem:s6+$0xF000] =	vst v63  }
0xd0: {  	s30 =	simm.s32 $0xF000;
	s31 =	simm.s32 $0x1;
	[bflag:$0x0] =	sbarrier.arrive $0xFFFF  }
0xd1: {  	[spmem:s5] =	stream.linear.scatter [tilespmem:s30], [sflag:$0x1], $0x280, $0x38;
	[tilespmem:$0x16D10] =	vst v63  }
0xd2: {  	_ =	swait.ge [sflag:s31], $0x280  }
0xd3: {  	[sflag:s31] =	ssyncset.done $0x0  }
0xd4: {  	[sflag:s31] =	ssyncadd.s32 $0xFFFFFD80  }
0xd5: {  	s5 =	simm.s32 $0xA000;
	[bflag:$0x0] =	sbarrier.arrive $0xFFFF  }
0xd6: {  	[tilespmem:s5], [sflag:$0x1] =	stream.linear.gather [spmem:s4], $0x2800, $0x38;
	[tilespmem:$0x16D10] =	vst v63  }
0xd7: {  	_ =	swait.ge [sflag:s31], $0x2800  }
0xd8: {  	[sflag:s31] =	ssyncset.done $0x0  }
0xd9: {  	s4 =	simm.s32 $0x0;
	[sflag:s31] =	ssyncadd.s32 $0xFFFFD800  }
.LBB2_10:
0xda: {  	s6 =	sshra.s32 s4, $0x2  }
0xdb: {  	v0 =	vld [tilespmem:s6+$0x0]  }
0xdc: {  	v1 =	vld [tilespmem:s6+$0x5000];
	_ =	sdelay $0x6  }
0xdd: {  	v0 =	vld.idx.msk [tilespmem:v0+s5+$0x0], $0xffff  }
0xde: {  	v1 =	vld.idx.msk [tilespmem:v1+s5+$0x0], $0xffff;
	_ =	sdelay $0x4  }
0xdf: {  	v0 =	vmul.f32 v1, v0;
	_ =	sdelay $0x1  }
0xe0: {  	v0 =	vsub.f32 $0.0e+00, v0;
	_ =	sdelay $0x1  }
0xe1: {  	v0 =	vmul.f32 $1.442695020e+00, v0;
	_ =	sdelay $0x1  }
0xe2: {  	(erf) = vpow2.f32 v0;
	_ =	sdelay $0x8  }
0xe3: {  	v0 =	vpop (erf)  }
0xe4: {  	v0 =	vadd.f32 $1.000000000e+00, v0;
	_ =	sdelay $0x1  }
0xe5: {  	(erf) = vrcp.f32 v0;
	_ =	sdelay $0x2  }
0xe6: {  	v44 =	vld [tilespmem:s6+$0x10]  }
0xe7: {  	v45 =	vld [tilespmem:s6+$0x5010];
	_ =	sdelay $0x4  }
0xe8: {  	v2 =	vpop (erf)  }
0xe9: {  	[tilespmem:s6+$0xF510] =	vst v2  }
0xea: {  	v0 =	vld.idx.msk [tilespmem:v44+s5+$0x0], $0xffff  }
0xeb: {  	v1 =	vld.idx.msk [tilespmem:v45+s5+$0x0], $0xffff;
	_ =	sdelay $0x4  }
0xec: {  	v0 =	vmul.f32 v1, v0;
	_ =	sdelay $0x1  }
0xed: {  	v0 =	vsub.f32 $0.0e+00, v0;
	_ =	sdelay $0x1  }
0xee: {  	v0 =	vmul.f32 $1.442695020e+00, v0;
	_ =	sdelay $0x1  }
0xef: {  	(erf) = vpow2.f32 v0;
	_ =	sdelay $0x8  }
0xf0: {  	v0 =	vpop (erf)  }
0xf1: {  	v0 =	vadd.f32 $1.000000000e+00, v0;
	_ =	sdelay $0x1  }
0xf2: {  	(erf) = vrcp.f32 v0;
	_ =	sdelay $0x2  }
0xf3: {  	v46 =	vld [tilespmem:s6+$0x20]  }
0xf4: {  	v47 =	vld [tilespmem:s6+$0x5020];
	_ =	sdelay $0x4  }
0xf5: {  	v48 =	vpop (erf)  }
0xf6: {  	[tilespmem:s6+$0xF520] =	vst v48  }
0xf7: {  	v0 =	vld.idx.msk [tilespmem:v46+s5+$0x0], $0xffff  }
0xf8: {  	v1 =	vld.idx.msk [tilespmem:v47+s5+$0x0], $0xffff;
	_ =	sdelay $0x4  }
0xf9: {  	v0 =	vmul.f32 v1, v0;
	_ =	sdelay $0x1  }
0xfa: {  	v0 =	vsub.f32 $0.0e+00, v0;
	_ =	sdelay $0x1  }
0xfb: {  	v0 =	vmul.f32 $1.442695020e+00, v0;
	_ =	sdelay $0x1  }
0xfc: {  	(erf) = vpow2.f32 v0;
	_ =	sdelay $0x8  }
0xfd: {  	v0 =	vpop (erf)  }
0xfe: {  	v0 =	vadd.f32 $1.000000000e+00, v0;
	_ =	sdelay $0x1  }
0xff: {  	(erf) = vrcp.f32 v0;
	_ =	sdelay $0x2  }
0x100: {  	v49 =	vld [tilespmem:s6+$0x30]  }
0x101: {  	v50 =	vld [tilespmem:s6+$0x5030];
	_ =	sdelay $0x4  }
0x102: {  	v51 =	vpop (erf)  }
0x103: {  	[tilespmem:s6+$0xF530] =	vst v51  }
0x104: {  	v0 =	vld.idx.msk [tilespmem:v49+s5+$0x0], $0xffff  }
0x105: {  	v1 =	vld.idx.msk [tilespmem:v50+s5+$0x0], $0xffff;
	_ =	sdelay $0x4  }
0x106: {  	v0 =	vmul.f32 v1, v0;
	_ =	sdelay $0x1  }
0x107: {  	v0 =	vsub.f32 $0.0e+00, v0;
	_ =	sdelay $0x1  }
0x108: {  	v0 =	vmul.f32 $1.442695020e+00, v0;
	_ =	sdelay $0x1  }
0x109: {  	(erf) = vpow2.f32 v0;
	_ =	sdelay $0x8  }
0x10a: {  	v0 =	vpop (erf)  }
0x10b: {  	v0 =	vadd.f32 $1.000000000e+00, v0;
	_ =	sdelay $0x1  }
0x10c: {  	(erf) = vrcp.f32 v0;
	_ =	sdelay $0x2  }
0x10d: {  	v52 =	vld [tilespmem:s6+$0x40]  }
0x10e: {  	v53 =	vld [tilespmem:s6+$0x5040];
	_ =	sdelay $0x4  }
0x10f: {  	v54 =	vpop (erf)  }
0x110: {  	[tilespmem:s6+$0xF540] =	vst v54  }
0x111: {  	v0 =	vld.idx.msk [tilespmem:v52+s5+$0x0], $0xffff  }
0x112: {  	v1 =	vld.idx.msk [tilespmem:v53+s5+$0x0], $0xffff;
	_ =	sdelay $0x4  }
0x113: {  	v0 =	vmul.f32 v1, v0;
	_ =	sdelay $0x1  }
0x114: {  	v0 =	vsub.f32 $0.0e+00, v0;
	_ =	sdelay $0x1  }
0x115: {  	v0 =	vmul.f32 $1.442695020e+00, v0;
	_ =	sdelay $0x1  }
0x116: {  	(erf) = vpow2.f32 v0;
	_ =	sdelay $0x8  }
0x117: {  	v0 =	vpop (erf)  }
0x118: {  	v0 =	vadd.f32 $1.000000000e+00, v0;
	_ =	sdelay $0x1  }
0x119: {  	(erf) = vrcp.f32 v0;
	_ =	sdelay $0x2  }
0x11a: {  	v55 =	vld [tilespmem:s6+$0x50]  }
0x11b: {  	v56 =	vld [tilespmem:s6+$0x5050];
	_ =	sdelay $0x4  }
0x11c: {  	v57 =	vpop (erf)  }
0x11d: {  	[tilespmem:s6+$0xF550] =	vst v57  }
0x11e: {  	v0 =	vld.idx.msk [tilespmem:v55+s5+$0x0], $0xffff  }
0x11f: {  	v1 =	vld.idx.msk [tilespmem:v56+s5+$0x0], $0xffff;
	_ =	sdelay $0x4  }
0x120: {  	v0 =	vmul.f32 v1, v0;
	_ =	sdelay $0x1  }
0x121: {  	v0 =	vsub.f32 $0.0e+00, v0;
	_ =	sdelay $0x1  }
0x122: {  	v0 =	vmul.f32 $1.442695020e+00, v0;
	_ =	sdelay $0x1  }
0x123: {  	(erf) = vpow2.f32 v0;
	_ =	sdelay $0x8  }
0x124: {  	v0 =	vpop (erf)  }
0x125: {  	v0 =	vadd.f32 $1.000000000e+00, v0;
	_ =	sdelay $0x1  }
0x126: {  	(erf) = vrcp.f32 v0;
	_ =	sdelay $0x2  }
0x127: {  	v58 =	vld [tilespmem:s6+$0x60]  }
0x128: {  	v59 =	vld [tilespmem:s6+$0x5060];
	_ =	sdelay $0x4  }
0x129: {  	v60 =	vpop (erf)  }
0x12a: {  	[tilespmem:s6+$0xF560] =	vst v60  }
0x12b: {  	v0 =	vld.idx.msk [tilespmem:v58+s5+$0x0], $0xffff  }
0x12c: {  	v1 =	vld.idx.msk [tilespmem:v59+s5+$0x0], $0xffff;
	_ =	sdelay $0x4  }
0x12d: {  	v0 =	vmul.f32 v1, v0;
	_ =	sdelay $0x1  }
0x12e: {  	v0 =	vsub.f32 $0.0e+00, v0;
	_ =	sdelay $0x1  }
0x12f: {  	v0 =	vmul.f32 $1.442695020e+00, v0;
	_ =	sdelay $0x1  }
0x130: {  	(erf) = vpow2.f32 v0;
	_ =	sdelay $0x8  }
0x131: {  	v0 =	vpop (erf)  }
0x132: {  	v0 =	vadd.f32 $1.000000000e+00, v0;
	_ =	sdelay $0x1  }
0x133: {  	(erf) = vrcp.f32 v0;
	_ =	sdelay $0x2  }
0x134: {  	v61 =	vld [tilespmem:s6+$0x70]  }
0x135: {  	v62 =	vld [tilespmem:s6+$0x5070];
	_ =	sdelay $0x4  }
0x136: {  	v63 =	vpop (erf)  }
0x137: {  	[tilespmem:s6+$0xF570] =	vst v63  }
0x138: {  	v0 =	vld.idx.msk [tilespmem:v61+s5+$0x0], $0xffff  }
0x139: {  	v1 =	vld.idx.msk [tilespmem:v62+s5+$0x0], $0xffff;
	_ =	sdelay $0x4  }
0x13a: {  	v0 =	vmul.f32 v1, v0;
	_ =	sdelay $0x1  }
0x13b: {  	v0 =	vsub.f32 $0.0e+00, v0;
	_ =	sdelay $0x1  }
0x13c: {  	v0 =	vmul.f32 $1.442695020e+00, v0;
	_ =	sdelay $0x1  }
0x13d: {  	(erf) = vpow2.f32 v0;
	_ =	sdelay $0x8  }
0x13e: {  	v0 =	vpop (erf)  }
0x13f: {  	v0 =	vadd.f32 $1.000000000e+00, v0;
	_ =	sdelay $0x1  }
0x140: {  	(erf) = vrcp.f32 v0;
	_ =	sdelay $0x4  }
0x141: {  	p0 =	sne.s32 s4, $0x9E00  }
.Ltmp5:
0x142: {  	_ = 	snop;
	(pc) =	sbr.rel @p0 .LBB2_10-.Ltmp5, $3  }
0x143: {  	_ =	sdelay $0x1  }
0x144: {  	v0 =	vpop (erf)  }
0x145: {  	s4 =	sadd.s32 $0x200, s4;
	[tilespmem:s6+$0xF580] =	vst v0  }
0x146: {  	s4 =	simm.s32 $0x0;
	s5 =	simm.s32 $0xF510;
	s31 =	simm.s32 $0x1  }
0x147: {  	[hbm4b:s3+s4] =	stream.linear.scatter [tilespmem:s5], [sflag:$0x1], $0x2710, $0x38;
	[tilespmem:$0x16D10] =	vst v63  }
0x148: {  	_ =	swait.ge [sflag:s31], $0x2710  }
0x149: {  	[sflag:s31] =	ssyncset.done $0x0  }
0x14a: {  	s3 =	simm.s32 $0xA000;
	[sflag:s31] =	ssyncadd.s32 $0xFFFFD8F0  }
.LBB2_12:
0x14b: {  	s5 =	sshra.s32 s4, $0x2  }
0x14c: {  	v0 =	vld [tilespmem:s5+$0x2800]  }
0x14d: {  	v1 =	vld [tilespmem:s5+$0x7800];
	_ =	sdelay $0x6  }
0x14e: {  	v0 =	vld.idx.msk [tilespmem:v0+s3+$0x0], $0xffff  }
0x14f: {  	v1 =	vld.idx.msk [tilespmem:v1+s3+$0x0], $0xffff;
	_ =	sdelay $0x4  }
0x150: {  	v0 =	vmul.f32 v1, v0;
	_ =	sdelay $0x1  }
0x151: {  	v0 =	vsub.f32 $0.0e+00, v0;
	_ =	sdelay $0x1  }
0x152: {  	v0 =	vmul.f32 $1.442695020e+00, v0;
	_ =	sdelay $0x1  }
0x153: {  	(erf) = vpow2.f32 v0;
	_ =	sdelay $0x8  }
0x154: {  	v0 =	vpop (erf)  }
0x155: {  	v0 =	vadd.f32 $1.000000000e+00, v0;
	_ =	sdelay $0x1  }
0x156: {  	(erf) = vrcp.f32 v0;
	_ =	sdelay $0x2  }
0x157: {  	v44 =	vld [tilespmem:s5+$0x2810]  }
0x158: {  	v45 =	vld [tilespmem:s5+$0x7810];
	_ =	sdelay $0x4  }
0x159: {  	v2 =	vpop (erf)  }
0x15a: {  	[tilespmem:s5+$0xF510] =	vst v2  }
0x15b: {  	v0 =	vld.idx.msk [tilespmem:v44+s3+$0x0], $0xffff  }
0x15c: {  	v1 =	vld.idx.msk [tilespmem:v45+s3+$0x0], $0xffff;
	_ =	sdelay $0x4  }
0x15d: {  	v0 =	vmul.f32 v1, v0;
	_ =	sdelay $0x1  }
0x15e: {  	v0 =	vsub.f32 $0.0e+00, v0;
	_ =	sdelay $0x1  }
0x15f: {  	v0 =	vmul.f32 $1.442695020e+00, v0;
	_ =	sdelay $0x1  }
0x160: {  	(erf) = vpow2.f32 v0;
	_ =	sdelay $0x8  }
0x161: {  	v0 =	vpop (erf)  }
0x162: {  	v0 =	vadd.f32 $1.000000000e+00, v0;
	_ =	sdelay $0x1  }
0x163: {  	(erf) = vrcp.f32 v0;
	_ =	sdelay $0x2  }
0x164: {  	v46 =	vld [tilespmem:s5+$0x2820]  }
0x165: {  	v47 =	vld [tilespmem:s5+$0x7820];
	_ =	sdelay $0x4  }
0x166: {  	v48 =	vpop (erf)  }
0x167: {  	[tilespmem:s5+$0xF520] =	vst v48  }
0x168: {  	v0 =	vld.idx.msk [tilespmem:v46+s3+$0x0], $0xffff  }
0x169: {  	v1 =	vld.idx.msk [tilespmem:v47+s3+$0x0], $0xffff;
	_ =	sdelay $0x4  }
0x16a: {  	v0 =	vmul.f32 v1, v0;
	_ =	sdelay $0x1  }
0x16b: {  	v0 =	vsub.f32 $0.0e+00, v0;
	_ =	sdelay $0x1  }
0x16c: {  	v0 =	vmul.f32 $1.442695020e+00, v0;
	_ =	sdelay $0x1  }
0x16d: {  	(erf) = vpow2.f32 v0;
	_ =	sdelay $0x8  }
0x16e: {  	v0 =	vpop (erf)  }
0x16f: {  	v0 =	vadd.f32 $1.000000000e+00, v0;
	_ =	sdelay $0x1  }
0x170: {  	(erf) = vrcp.f32 v0;
	_ =	sdelay $0x2  }
0x171: {  	v49 =	vld [tilespmem:s5+$0x2830]  }
0x172: {  	v50 =	vld [tilespmem:s5+$0x7830];
	_ =	sdelay $0x4  }
0x173: {  	v51 =	vpop (erf)  }
0x174: {  	[tilespmem:s5+$0xF530] =	vst v51  }
0x175: {  	v0 =	vld.idx.msk [tilespmem:v49+s3+$0x0], $0xffff  }
0x176: {  	v1 =	vld.idx.msk [tilespmem:v50+s3+$0x0], $0xffff;
	_ =	sdelay $0x4  }
0x177: {  	v0 =	vmul.f32 v1, v0;
	_ =	sdelay $0x1  }
0x178: {  	v0 =	vsub.f32 $0.0e+00, v0;
	_ =	sdelay $0x1  }
0x179: {  	v0 =	vmul.f32 $1.442695020e+00, v0;
	_ =	sdelay $0x1  }
0x17a: {  	(erf) = vpow2.f32 v0;
	_ =	sdelay $0x8  }
0x17b: {  	v0 =	vpop (erf)  }
0x17c: {  	v0 =	vadd.f32 $1.000000000e+00, v0;
	_ =	sdelay $0x1  }
0x17d: {  	(erf) = vrcp.f32 v0;
	_ =	sdelay $0x2  }
0x17e: {  	v52 =	vld [tilespmem:s5+$0x2840]  }
0x17f: {  	v53 =	vld [tilespmem:s5+$0x7840];
	_ =	sdelay $0x4  }
0x180: {  	v54 =	vpop (erf)  }
0x181: {  	[tilespmem:s5+$0xF540] =	vst v54  }
0x182: {  	v0 =	vld.idx.msk [tilespmem:v52+s3+$0x0], $0xffff  }
0x183: {  	v1 =	vld.idx.msk [tilespmem:v53+s3+$0x0], $0xffff;
	_ =	sdelay $0x4  }
0x184: {  	v0 =	vmul.f32 v1, v0;
	_ =	sdelay $0x1  }
0x185: {  	v0 =	vsub.f32 $0.0e+00, v0;
	_ =	sdelay $0x1  }
0x186: {  	v0 =	vmul.f32 $1.442695020e+00, v0;
	_ =	sdelay $0x1  }
0x187: {  	(erf) = vpow2.f32 v0;
	_ =	sdelay $0x8  }
0x188: {  	v0 =	vpop (erf)  }
0x189: {  	v0 =	vadd.f32 $1.000000000e+00, v0;
	_ =	sdelay $0x1  }
0x18a: {  	(erf) = vrcp.f32 v0;
	_ =	sdelay $0x2  }
0x18b: {  	v55 =	vld [tilespmem:s5+$0x2850]  }
0x18c: {  	v56 =	vld [tilespmem:s5+$0x7850];
	_ =	sdelay $0x4  }
0x18d: {  	v57 =	vpop (erf)  }
0x18e: {  	[tilespmem:s5+$0xF550] =	vst v57  }
0x18f: {  	v0 =	vld.idx.msk [tilespmem:v55+s3+$0x0], $0xffff  }
0x190: {  	v1 =	vld.idx.msk [tilespmem:v56+s3+$0x0], $0xffff;
	_ =	sdelay $0x4  }
0x191: {  	v0 =	vmul.f32 v1, v0;
	_ =	sdelay $0x1  }
0x192: {  	v0 =	vsub.f32 $0.0e+00, v0;
	_ =	sdelay $0x1  }
0x193: {  	v0 =	vmul.f32 $1.442695020e+00, v0;
	_ =	sdelay $0x1  }
0x194: {  	(erf) = vpow2.f32 v0;
	_ =	sdelay $0x8  }
0x195: {  	v0 =	vpop (erf)  }
0x196: {  	v0 =	vadd.f32 $1.000000000e+00, v0;
	_ =	sdelay $0x1  }
0x197: {  	(erf) = vrcp.f32 v0;
	_ =	sdelay $0x2  }
0x198: {  	v58 =	vld [tilespmem:s5+$0x2860]  }
0x199: {  	v59 =	vld [tilespmem:s5+$0x7860];
	_ =	sdelay $0x4  }
0x19a: {  	v60 =	vpop (erf)  }
0x19b: {  	[tilespmem:s5+$0xF560] =	vst v60  }
0x19c: {  	v0 =	vld.idx.msk [tilespmem:v58+s3+$0x0], $0xffff  }
0x19d: {  	v1 =	vld.idx.msk [tilespmem:v59+s3+$0x0], $0xffff;
	_ =	sdelay $0x4  }
0x19e: {  	v0 =	vmul.f32 v1, v0;
	_ =	sdelay $0x1  }
0x19f: {  	v0 =	vsub.f32 $0.0e+00, v0;
	_ =	sdelay $0x1  }
0x1a0: {  	v0 =	vmul.f32 $1.442695020e+00, v0;
	_ =	sdelay $0x1  }
0x1a1: {  	(erf) = vpow2.f32 v0;
	_ =	sdelay $0x8  }
0x1a2: {  	v0 =	vpop (erf)  }
0x1a3: {  	v0 =	vadd.f32 $1.000000000e+00, v0;
	_ =	sdelay $0x1  }
0x1a4: {  	(erf) = vrcp.f32 v0;
	_ =	sdelay $0x2  }
0x1a5: {  	v61 =	vld [tilespmem:s5+$0x2870]  }
0x1a6: {  	v62 =	vld [tilespmem:s5+$0x7870];
	_ =	sdelay $0x4  }
0x1a7: {  	v63 =	vpop (erf)  }
0x1a8: {  	[tilespmem:s5+$0xF570] =	vst v63  }
0x1a9: {  	v0 =	vld.idx.msk [tilespmem:v61+s3+$0x0], $0xffff  }
0x1aa: {  	v1 =	vld.idx.msk [tilespmem:v62+s3+$0x0], $0xffff;
	_ =	sdelay $0x4  }
0x1ab: {  	v0 =	vmul.f32 v1, v0;
	_ =	sdelay $0x1  }
0x1ac: {  	v0 =	vsub.f32 $0.0e+00, v0;
	_ =	sdelay $0x1  }
0x1ad: {  	v0 =	vmul.f32 $1.442695020e+00, v0;
	_ =	sdelay $0x1  }
0x1ae: {  	(erf) = vpow2.f32 v0;
	_ =	sdelay $0x8  }
0x1af: {  	v0 =	vpop (erf)  }
0x1b0: {  	v0 =	vadd.f32 $1.000000000e+00, v0;
	_ =	sdelay $0x1  }
0x1b1: {  	(erf) = vrcp.f32 v0;
	_ =	sdelay $0x4  }
0x1b2: {  	p0 =	sne.s32 s4, $0x9E00  }
.Ltmp6:
0x1b3: {  	_ = 	snop;
	(pc) =	sbr.rel @p0 .LBB2_12-.Ltmp6, $3  }
0x1b4: {  	_ =	sdelay $0x1  }
0x1b5: {  	v0 =	vpop (erf)  }
0x1b6: {  	s4 =	sadd.s32 $0x200, s4;
	[tilespmem:s5+$0xF580] =	vst v0  }
0x1b7: {  	s3 =	simm.s32 $0x0;
	s4 =	simm.s32 $0xF510;
	s31 =	simm.s32 $0x1  }
0x1b8: {  	[hbm4b:s2+s3] =	stream.linear.scatter [tilespmem:s4], [sflag:$0x1], $0x2710, $0x38;
	[tilespmem:$0x16D10] =	vst v63  }
0x1b9: {  	_ =	swait.ge [sflag:s31], $0x2710  }
0x1ba: {  	[sflag:s31] =	ssyncset.done $0x0  }
0x1bb: {  	[sflag:s31] =	ssyncadd.s32 $0xFFFFD8F0  }
.LBB2_14:
0x1bc: {  	_ =	sfence.sel $0x180000  }
0x1bd: {  	[bflag:$0x0] =	sbarrier.arrive $0xFFFF  }
0x1be: {  	p0 =	sne.s32 s1, $0x0;
	_ =	strace $0x9000004D  }
0x1bf: {  	s0 =	sadd.s32 @!p0 $0x100000, s0;
	[bflag:$0x2] =	sbarrier.arrive $0xFFFF  }
0x1c0: {  	[sflag:s0] =	ssyncadd.tile.s32 @!p0 $0x1;
	_ =	shalt  }
.Lfunc_end2:
_tile_overlayer_lowered:
.L_overlay_start_2:
0x1c1: {  	(tag) =	ssettag $0x2  }
0x1c2: {  	s0 =	rddreg [dreg:$0x0];
	s2 =	stileid.u32  }
0x1c3: {  	s1 =	rddreg [dreg:$0x1];
	p0 =	sne.s32 s2, $0x0  }
0x1c4: {  	s3 =	rddreg [dreg:$0x2];
	[bflag:$0x3] =	sbarrier.arrive $0xFFFF;
	s2 =	simm.s32 @!p0 $0x1C01  }
0x1c5: {  	[timem:s3], [sflag:s2] =	dma.local @!p0 [hbm:s0], s1  }
0x1c6: {  	s0 =	simm.s32 @!p0 $0x1  }
0x1c7: {  	_ =	swait.ge @!p0 [sflag:s0], s1  }
0x1c8: {  	s1 =	ssub.s32 @!p0 $0x0, s1;
	[sflag:s0] =	ssyncset.done @!p0 $0x0  }
0x1c9: {  	[sflag:s0] =	ssyncadd.s32 @!p0 s1  }
0x1ca: {  	[bflag:$0x3] =	sbarrier.arrive $0xFFFF  }
0x1cb: {  	_ =	shalt  }

// kernel: kernel.7.cloned.1.call-start
scs
__scs_entry_jumppad:
0x0: {  	(pc) =	sbr.rel $0x88, $3  }
0x1: {  	(tag) =	ssettag $0x0;
	lr =	simm.s32 $0x1  }
0x2: {  	[smem:$0x3F9B] =	sst lr;
	_ =	strace $0xD0000000  }
0x3: {  	_ = 	snop  }
0x4: {  	_ = 	snop  }
0x5: {  	_ = 	snop  }
0x6: {  	_ = 	snop  }
0x7: {  	_ = 	snop  }
__scs_overlays_trampoline_lowered:
0x8: {  	[smem:$0x3FAA] =	sst s0  }
0x9: {  	[smem:$0x3FAB] =	sst s1  }
0xa: {  	[smem:$0x3FAC] =	sst s2  }
0xb: {  	[smem:$0x3FAD] =	sst s3  }
0xc: {  	[smem:$0x3FAE] =	sst s4  }
0xd: {  	[smem:$0x3FAF] =	sst s5  }
0xe: {  	[smem:$0x3FB0] =	sst s6  }
0xf: {  	[smem:$0x3FB1] =	sst s7  }
0x10: {  	[smem:$0x3FB2] =	sst s8  }
0x11: {  	[smem:$0x3FB3] =	sst s9;
	s0 =	simm.s32 @!p0 $0x0  }
0x12: {  	s1 =	sld [smem:$0x3F99];
	s0 =	simm.s32 @p0 $0x1  }
0x13: {  	[smem:$0x3FB4] =	sst s0;
	s0 =	simm.s32 @!p1 $0x0  }
0x14: {  	s2 =	sld [smem:$0x3F98];
	s0 =	simm.s32 @p1 $0x1  }
0x15: {  	[smem:$0x3FB5] =	sst s0;
	s0 =	simm.s32 @!p2 $0x0  }
0x16: {  	s3 =	sld [smem:$0x3FDB];
	s0 =	simm.s32 @p2 $0x1  }
0x17: {  	s4 =	simm.s32 $0x1BF5;
	[smem:$0x3FB7] =	sst s0  }
0x18: {  	s0 =	sld [smem:$0x3F9A];
	_ =	swait.ge [sflag:s4], $0x0  }
0x19: {  	s7 =	sld [smem:$0x3F9B]  }
0x1a: {  	s8 =	sadd.s32 $0xFFFFE003, lr  }
0x1b: {  	s9 =	sadd.s32 $0xFFFFFEF7, lr;
	s5 =	simm.s32 $0xFFFFFFFF;
	p2 =	slt.u32 s8, $0xFFFFF086  }
0x1c: {  	p1 =	slt.u32 s9, $0xF7A;
	s5 =	simm.s32 @!p2 $0x0  }
0x1d: {  	s5 =	simm.s32 @p1 $0x1;
	p0 =	seq.s32 s7, s2  }
0x1e: {  	s7 =	smul.u32 @!p0 $0xF7A, s2;
	p2 =	seq.s32 @!p0 s5, $0x0  }
0x1f: {  	s9 =	smul.u32 $0xF7A, s1;
	s8 =	simm.s32 @!p0 $0x1BF5;
	p2 =	por !p2, p0  }
0x20: {  	[sflag:s8] =	ssyncset.s32 @!p0 $0xFFFFF086;
	s6 =	sadd.s32 @!p0 s3, s7;
	s7 =	simm.s32 @!p0 $0x108  }
0x21: {  	s3 =	sadd.s32 s3, s9;
	s6 =	sadd.s32 @!p0 $0x88, s6;
	s7 =	simm.s32 @p2 $0x1082  }
0x22: {  	[simem:s7], [sflag:s8] =	dma.local @!p0 [hbm:s6], $0xF7A  }
0x23: {  	s9 =	sor.u32 $0xD0000000, s2;
	s6 =	simm.s32 $0x108;
	_ =	swait.ge @!p0 [sflag:s8], $0x0  }
0x24: {  	s3 =	sadd.s32 $0x88, s3;
	s6 =	simm.s32 @!p1 $0x1082;
	[sflag:s4] =	ssyncset.s32 $0xFFFFF086  }
0x25: {  	[simem:s6], [sflag:s4] =	dma.local [hbm:s3], $0xF7A  }
0x26: {  	[smem:$0x3F9B] =	sst s1;
	(tag) =	ssettag s2;
	_ =	strace s9  }
0x27: {  	s1 =	sld [smem:$0x3FAB]  }
0x28: {  	s2 =	sld [smem:$0x3FAC]  }
0x29: {  	s4 =	sld [smem:$0x3FAE]  }
0x2a: {  	p0 =	seq.s32 s5, $0x0;
	s5 =	sld [smem:$0x3FAF]  }
0x2b: {  	s6 =	sld [smem:$0x3FB0]  }
0x2c: {  	s7 =	sld [smem:$0x3FB1]  }
0x2d: {  	s3 =	simm.s32 $0x108;
	s8 =	sld [smem:$0x3FB2]  }
0x2e: {  	s3 =	simm.s32 @!p0 $0x1082;
	s9 =	sld [smem:$0x3FB3]  }
0x2f: {  	lr =	sadd.s32 s0, s3;
	s0 =	sld [smem:$0x3FAA]  }
0x30: {  	s3 =	sld [smem:$0x3FAD]  }
0x31: {  	[smem:$0x3FB6] =	sst s10  }
0x32: {  	s10 =	sld [smem:$0x3FB4];
	_ =	sdelay $0x3  }
0x33: {  	p0 =	seq.s32 s10, $0x1;
	s10 =	sld [smem:$0x3FB6];
	_ =	sdelay $0x3  }
0x34: {  	[smem:$0x3FB6] =	sst s10  }
0x35: {  	s10 =	sld [smem:$0x3FB5];
	_ =	sdelay $0x3  }
0x36: {  	p1 =	seq.s32 s10, $0x1;
	s10 =	sld [smem:$0x3FB6];
	_ =	sdelay $0x3  }
0x37: {  	[smem:$0x3FB6] =	sst s10  }
0x38: {  	s10 =	sld [smem:$0x3FB7]  }
0x39: {  	_ = 	snop;
	(pc) =	sbr.ind lr, $3  }
0x3a: {  	_ = 	snop  }
0x3b: {  	_ = 	snop  }
0x3c: {  	p2 =	seq.s32 s10, $0x1;
	s10 =	sld [smem:$0x3FB6]  }
0x3d: {  	_ =	shalt  }
0x3e: {  	_ =	shalt  }
0x3f: {  	_ =	shalt  }
0x40: {  	_ =	shalt  }
0x41: {  	_ =	shalt  }
0x42: {  	_ =	shalt  }
0x43: {  	_ =	shalt  }
0x44: {  	_ =	shalt  }
0x45: {  	_ =	shalt  }
0x46: {  	_ =	shalt  }
0x47: {  	_ =	shalt  }
0x48: {  	_ =	shalt  }
0x49: {  	_ =	shalt  }
0x4a: {  	_ =	shalt  }
0x4b: {  	_ =	shalt  }
0x4c: {  	_ =	shalt  }
0x4d: {  	_ =	shalt  }
0x4e: {  	_ =	shalt  }
0x4f: {  	_ =	shalt  }
0x50: {  	_ =	shalt  }
0x51: {  	_ =	shalt  }
0x52: {  	_ =	shalt  }
0x53: {  	_ =	shalt  }
0x54: {  	_ =	shalt  }
0x55: {  	_ =	shalt  }
0x56: {  	_ =	shalt  }
0x57: {  	_ =	shalt  }
0x58: {  	_ =	shalt  }
0x59: {  	_ =	shalt  }
0x5a: {  	_ =	shalt  }
0x5b: {  	_ =	shalt  }
0x5c: {  	_ =	shalt  }
0x5d: {  	_ =	shalt  }
0x5e: {  	_ =	shalt  }
0x5f: {  	_ =	shalt  }
0x60: {  	_ =	shalt  }
0x61: {  	_ =	shalt  }
0x62: {  	_ =	shalt  }
0x63: {  	_ =	shalt  }
0x64: {  	_ =	shalt  }
0x65: {  	_ =	shalt  }
0x66: {  	_ =	shalt  }
0x67: {  	_ =	shalt  }
0x68: {  	_ =	shalt  }
0x69: {  	_ =	shalt  }
0x6a: {  	_ =	shalt  }
0x6b: {  	_ =	shalt  }
0x6c: {  	_ =	shalt  }
0x6d: {  	_ =	shalt  }
0x6e: {  	_ =	shalt  }
0x6f: {  	_ =	shalt  }
0x70: {  	_ =	shalt  }
0x71: {  	_ =	shalt  }
0x72: {  	_ =	shalt  }
0x73: {  	_ =	shalt  }
0x74: {  	_ =	shalt  }
0x75: {  	_ =	shalt  }
0x76: {  	_ =	shalt  }
0x77: {  	_ =	shalt  }
0x78: {  	_ =	shalt  }
0x79: {  	_ =	shalt  }
0x7a: {  	_ =	shalt  }
0x7b: {  	_ =	shalt  }
0x7c: {  	_ =	shalt  }
0x7d: {  	_ =	shalt  }
0x7e: {  	_ =	shalt  }
0x7f: {  	_ =	shalt  }
0x80: {  	_ =	shalt  }
0x81: {  	_ =	shalt  }
0x82: {  	_ =	shalt  }
0x83: {  	_ =	shalt  }
0x84: {  	_ =	shalt  }
0x85: {  	_ =	shalt  }
0x86: {  	_ =	shalt  }
0x87: {  	_ =	shalt  }
.Lfunc_end0:
.L_simem_size_0:
called_computation_lowered:
.L_overlay_start_0:
0x88: {  	s2 =	sld [smem:$0x3FD9]  }
0x89: {  	s3 =	sld [smem:$0x3FFE];
	_ =	sdelay $0x1  }
0x8a: {  	s1 =	srdreg.scid  }
0x8b: {  	s0 =	sand.u32 $0x1, s1  }
0x8c: {  	s16 =	sshll.u32 s0, $0xA;
	s2 =	sadd.s32 s3, s2  }
0x8d: {  	s2 =	sadd.s32 s2, s16  }
0x8e: {  	[smem:$0x3FC2] =	sst s2  }
0x8f: {  	_ = 	snop  }
0x90: {  	(tm) =	ssettm $0x1  }
0x91: {  	s17 =	sld [smem:$0x3FFB];
	_ =	sdelay $0x3  }
0x92: {  	_ =	strace s17  }
0x93: {  	s2 =	sld [smem:$0x3FFC];
	_ =	sdelay $0x3  }
0x94: {  	_ =	strace s2  }
0x95: {  	s2 =	sld [smem:$0x3FFD];
	_ =	sdelay $0x3  }
0x96: {  	_ =	strace s2  }
0x97: {  	_ =	strace $0x8FFFFFFF  }
0x98: {  	s18 =	sld [smem:$0x3FDB];
	_ =	sdelay $0x1  }
0x99: {  	s19 =	simm.s32 $_scs_section_size  }
0x9a: {  	s4 =	simm.s32 $_size__tile_overlayer_lowered;
	s5 =	simm.s32 $_tile_overlayer_lowered  }
0x9b: {  	s22 =	simm.s32 $0x1BFF;
	s21 =	sshll.u32 s5, $0x1;
	s2 =	sadd.s32 s19, s18  }
0x9c: {  	s6 =	simm.s32 $0x0;
	s20 =	sshll.u32 s4, $0x1;
	s4 =	sadd.s32 s21, s2  }
0x9d: {  	[timem:s6], [sflag:s22] =	dma.local [hbm:s4], s20  }
0x9e: {  	_ =	swait.ge [sflag:s22], s20  }
0x9f: {  	s3 =	ssub.s32 $0x0, s20;
	[sflag:s22] =	ssyncset.done $0x0  }
0xa0: {  	[sflag:s22] =	ssyncadd.s32 s3;
	_ =	sdelay $0x1  }
0xa1: {  	s23 =	simm.s32 $0x1B8B  }
0xa2: {  	_ =	swait.ge [sflag:s23], $0x1  }
0xa3: {  	[sflag:s23] =	ssyncset.done $0x0  }
0xa4: {  	s25 =	simm.s32 $0x1B8E;
	s24 =	sld [smem:$0x3FFE];
	[sflag:s23] =	ssyncadd.s32 $0xFFFFFFFF  }
0xa5: {  	s26 =	simm.s32 $execute0_lowered;
	[smem:$0x3FD2] =	sst s25  }
0xa6: {  	s4 =	sshll.u32 s26, $0x1;
	_ =	strace $0x80000046;
	[dreg:$0x1] =	wrdreg $0xFFFFFFFF  }
0xa7: {  	s28 =	simm.s32 $_size_execute0_lowered;
	s2 =	sadd.s32 s2, s4;
	[dreg:$0x0] =	wrdreg $0x0  }
0xa8: {  	s4 =	sshll.u32 s28, $0x1;
	[dreg:$0x2] =	wrdreg s2  }
0xa9: {  	[dreg:$0x3] =	wrdreg s4  }
0xaa: {  	[dreg:$0x4] =	wrdreg $0xC0  }
0xab: {  	_ =	task [dreg:s6], $0x5FFFF  }
0xac: {  	[dreg:$0x1] =	wrdreg $0xFFFFFFFF  }
0xad: {  	[dreg:$0x0] =	wrdreg $0x60  }
0xae: {  	[dreg:$0x2] =	wrdreg s24  }
0xaf: {  	[dreg:$0x3] =	wrdreg $0x9  }
0xb0: {  	_ =	task.clear_ibuf [dreg:s6], $0x4FFFF;
	_ =	strace $0x90000046  }
0xb1: {  	s29 =	simm.s32 $0x9;
	_ =	strace $0x80000048  }
0xb2: {  	_ =	swait.ge [sflag:s29], $0x1  }
0xb3: {  	[sflag:s29] =	ssyncadd.s32 $0xFFFFFFFF  }
0xb4: {  	_ =	strace $0x90000048  }
0xb5: {  	_ =	sfence  }
0xb6: {  	s30 =	sld [smem:$0x0];
	_ =	sdelay $0x2  }
0xb7: {  	s31 =	sshll.u32 s1, $0xD;
	s1 =	sshrl.u32 s1, $0x2  }
0xb8: {  	s3 =	sand.u32 $0x4000, s31;
	s1 =	sadd.s32 s1, s30  }
0xb9: {  	s0 =	sor.u32 s3, s0;
	s1 =	sshll.u32 s1, $0x11  }
0xba: {  	s0 =	sor.u32 s1, s0  }
0xbb: {  	s0 =	sadd.s32 $0x8F2B, s0  }
0xbc: {  	[sflag:s0] =	ssyncadd.remote.s32 $0x1  }
0xbd: {  	_ =	sfence.sel $0xFFFF  }
0xbe: {  	[dreg:$0x0] =	wrdreg $0xFFFFFFFF;
	(pc) =	sbr.abs _section_cstart, $3  }
0xbf: {  	[dreg:$0x1] =	wrdreg $0xFFFFFFFF  }
0xc0: {  	_ =	task.clear_ibuf [dreg:s6], $0x2FFFF;
	_ =	strace $0x9FFFFFFF  }
0xc1: {  	(tm) =	ssettm $0x7FFFFFFF  }
tec
execute0_lowered:
.L_overlay_start_1:
0x0: {  	(tag) =	ssettag $0x1  }
0x1: {  	s0 =	srdreg.scid  }
0x2: {  	s4 =	rddreg [dreg:$0x0];
	s3 =	sand.u32 $0x1, s0  }
0x3: {  	s1 =	stileid.u32;
	s7 =	simm.s32 $0x2800;
	s2 =	sshll.u32 s3, $0x4  }
0x4: {  	s0 =	rddreg [dreg:$0x1];
	s3 =	ssub.s32 $0x2, s3;
	s5 =	sor.u32 s1, s2  }
0x5: {  	s2 =	simm.s32 $0x0;
	s6 =	sshrl.u32 s3, $0x1;
	s5 =	smul.u32 $0x500, s5  }
0x6: {  	s8 =	simm.s32 $0x0;
	[smem:$0x7FF] =	sst s2;
	s31 =	ssub.s32 s3, s6  }
0x7: {  	s6 =	simm.s32 $0x1;
	_ =	strace $0x80000047;
	s4 =	sadd.s32 s5, s4  }
0x8: {  	v0 =	vimm.f32 $0.0e+00;
	v1 =	vimm.f32 $1.000000000e+00;
	s5 =	smax.u32 s31, $0x1;
	s3 =	sadd.s32 $0x200, s4;
	s4 =	sadd.s32 $0xA200, s4  }
.LBB2_1:
0x9: {  	[tilespmem:s2], [sflag:$0x1] =	stream.linear.gather [hbm4b:s3+s2], $0x2800, $0x38;
	[tilespmem:$0x5000] =	vst v63  }
0xa: {  	_ =	swait.ge [sflag:s6], $0x2800  }
0xb: {  	[sflag:s6] =	ssyncset.done $0x0  }
0xc: {  	s9 =	simm.s32 $0x0;
	[sflag:s6] =	ssyncadd.s32 $0xFFFFD800  }
.LBB2_2:
0xd: {  	p0 =	sne.s32 s9, $0x9FC0  }
.Ltmp0:
0xe: {  	_ = 	snop;
	(pc) =	sbr.rel @p0 .LBB2_2-.Ltmp0, $3  }
0xf: {  	_ =	sdelay $0x1  }
0x10: {  	s10 =	sshra.s32 s9, $0x2  }
0x11: {  	s9 =	sadd.s32 $0x40, s9;
	[tilespmem:s10+$0x2800] =	vst v0  }
0x12: {  	s9 =	simm.s32 $0x1C0  }
.LBB2_4:
0x13: {  	s10 =	sshra.s32 s9, $0x2  }
0x14: {  	v2 =	vld [tilespmem:s10+$0xFFFFFF90];
	_ =	sdelay $0x7  }
0x15: {  	[tilespmem:v2+s7+$0x0] =	vst.idx.add.f32.msk $0xffff, v1  }
0x16: {  	v2 =	vld [tilespmem:s10+$0xFFFFFFA0];
	_ =	sdelay $0x7  }
0x17: {  	[tilespmem:v2+s7+$0x0] =	vst.idx.add.f32.msk $0xffff, v1  }
0x18: {  	v2 =	vld [tilespmem:s10+$0xFFFFFFB0];
	_ =	sdelay $0x7  }
0x19: {  	[tilespmem:v2+s7+$0x0] =	vst.idx.add.f32.msk $0xffff, v1  }
0x1a: {  	v2 =	vld [tilespmem:s10+$0xFFFFFFC0];
	_ =	sdelay $0x7  }
0x1b: {  	[tilespmem:v2+s7+$0x0] =	vst.idx.add.f32.msk $0xffff, v1  }
0x1c: {  	v2 =	vld [tilespmem:s10+$0xFFFFFFD0];
	_ =	sdelay $0x7  }
0x1d: {  	[tilespmem:v2+s7+$0x0] =	vst.idx.add.f32.msk $0xffff, v1  }
0x1e: {  	v2 =	vld [tilespmem:s10+$0xFFFFFFE0];
	_ =	sdelay $0x7  }
0x1f: {  	[tilespmem:v2+s7+$0x0] =	vst.idx.add.f32.msk $0xffff, v1  }
0x20: {  	v2 =	vld [tilespmem:s10+$0xFFFFFFF0];
	_ =	sdelay $0x7  }
0x21: {  	[tilespmem:v2+s7+$0x0] =	vst.idx.add.f32.msk $0xffff, v1  }
0x22: {  	v2 =	vld [tilespmem:s10+$0x0];
	_ =	sdelay $0x2  }
0x23: {  	p0 =	sne.s32 s9, $0x9FC0  }
.Ltmp1:
0x24: {  	_ = 	snop;
	(pc) =	sbr.rel @p0 .LBB2_4-.Ltmp1, $2  }
0x25: {  	_ =	sdelay $0x2  }
0x26: {  	s9 =	sadd.s32 $0x200, s9;
	[tilespmem:v2+s7+$0x0] =	vst.idx.add.f32.msk $0xffff, v1  }
0x27: {  	s8 =	sadd.s32 $0x1, s8  }
0x28: {  	p0 =	sne.s32 s8, s5  }
.Ltmp2:
0x29: {  	_ = 	snop;
	(pc) =	sbr.rel @p0 .LBB2_1-.Ltmp2, $4  }
0x2a: {  	[hbm4b:s4+s2] =	stream.linear.scatter [tilespmem:s7], [sflag:$0x1], $0x2800, $0x38;
	[tilespmem:$0x5000] =	vst v63  }
0x2b: {  	_ =	swait.ge [sflag:s6], $0x2800  }
0x2c: {  	[sflag:s6] =	ssyncset.done $0x0  }
0x2d: {  	[sflag:s6] =	ssyncadd.s32 $0xFFFFD800  }
0x2e: {  	_ =	sfence.sel $0x180000  }
0x2f: {  	[bflag:$0x0] =	sbarrier.arrive $0xFFFF  }
0x30: {  	p0 =	sne.s32 s1, $0x0;
	_ =	strace $0x90000047  }
0x31: {  	s0 =	sadd.s32 @!p0 $0x100000, s0;
	[bflag:$0x2] =	sbarrier.arrive $0xFFFF  }
0x32: {  	[sflag:s0] =	ssyncadd.tile.s32 @!p0 $0x1;
	_ =	shalt  }
.Lfunc_end2:
_tile_overlayer_lowered:
.L_overlay_start_2:
0x33: {  	(tag) =	ssettag $0x2  }
0x34: {  	s0 =	rddreg [dreg:$0x0];
	s2 =	stileid.u32  }
0x35: {  	s1 =	rddreg [dreg:$0x1];
	p0 =	sne.s32 s2, $0x0  }
0x36: {  	s3 =	rddreg [dreg:$0x2];
	[bflag:$0x3] =	sbarrier.arrive $0xFFFF;
	s2 =	simm.s32 @!p0 $0x1C01  }
0x37: {  	[timem:s3], [sflag:s2] =	dma.local @!p0 [hbm:s0], s1  }
0x38: {  	s0 =	simm.s32 @!p0 $0x1  }
0x39: {  	_ =	swait.ge @!p0 [sflag:s0], s1  }
0x3a: {  	s1 =	ssub.s32 @!p0 $0x0, s1;
	[sflag:s0] =	ssyncset.done @!p0 $0x0  }
0x3b: {  	[sflag:s0] =	ssyncadd.s32 @!p0 s1  }
0x3c: {  	[bflag:$0x3] =	sbarrier.arrive $0xFFFF  }
0x3d: {  	_ =	shalt  }

</sc_bundles>
